<compile_context>
chip_gen: v7x
topology: tpu7x:2x2x1
jax: 0.10.2.dev20260603
libtpu: 0.0.44.dev20260713+nightly
codegen_flags: <defaults>
</compile_context>

<pallas_src>
import jax
import jax.numpy as jnp
from jax import lax
from jax.experimental import pallas as pl
from jax.experimental.pallas import tpu as pltpu
from jax.experimental.pallas import tpu_sc as plsc

B = 4096
L = 200
D = 32
NC = 2
NS = 16
NW = NC * NS
BW = B // NW
LPB = 2
NSTEP = L // LPB
GR = LPB * BW
PROWS = LPB * 8
PCOLS = 8 * BW
OUT_R = L * 8
OUT_C = 32 * 8 * BW


def _emb_body(wi_hbm, ti_hbm, wt_hbm, tt_hbm, out_hbm,
              idx_w, idx_t, g_w, g_t, panel,
              sgw0, sgw1, sgt0, sgt1, sw0, sw1):
    sem_gw = (sgw0, sgw1)
    sem_gt = (sgt0, sgt1)
    sem_w = (sw0, sw1)
    wid = lax.axis_index("s") * NC + lax.axis_index("c")
    b0 = wid * BW
    iota = lax.iota(jnp.int32, 16)

    rowvecs = []
    divecs = []
    for li in range(LPB):
        for tt in range(2):
            for h in range(2):
                d = 32 * tt + 16 * h + iota
                rowvecs.append(li * 8 + d // 8)
                divecs.append(d % 8)

    def fire_gathers(nb, p):
        l0 = nb * LPB
        pltpu.sync_copy(wi_hbm.at[pl.ds(l0, LPB), pl.ds(b0, BW)], idx_w.at[p])
        pltpu.sync_copy(ti_hbm.at[pl.ds(l0, LPB), pl.ds(b0, BW)], idx_t.at[p])
        for li in range(LPB):
            pltpu.async_copy(
                wt_hbm.at[idx_w.at[p, li]],
                g_w.at[p, pl.ds(li * BW, BW), :], sem_gw[p])
            pltpu.async_copy(
                tt_hbm.at[idx_t.at[p, li]],
                g_t.at[p, pl.ds(li * BW, BW), :], sem_gt[p])

    def wait_gathers(p):
        for li in range(LPB):
            pltpu.make_async_copy(
                wt_hbm.at[pl.ds(0, BW)],
                g_w.at[p, pl.ds(li * BW, BW), :], sem_gw[p]).wait()
            pltpu.make_async_copy(
                tt_hbm.at[pl.ds(0, BW)],
                g_t.at[p, pl.ds(li * BW, BW), :], sem_gt[p]).wait()

    def out_slice(l):
        return out_hbm.at[l, :, wid, :, :]

    def wait_write(p):
        for li in range(LPB):
            pltpu.make_async_copy(
                panel.at[p, pl.ds(li * 8, 8)], out_slice(0), sem_w[p]).wait()

    fire_gathers(0, 0)
    fire_gathers(1, 1)

    def pair(hstep, carry):
        for p in range(2):
            nb = 2 * hstep + p
            wait_gathers(p)

            @pl.when(nb >= 2)
            def _():
                wait_write(p)

            @plsc.parallel_loop(0, BW, unroll=8)
            def trow(r):
                rv = jnp.broadcast_to(r, (16,)).astype(jnp.int32)
                k = 0
                for li in range(LPB):
                    row = li * BW + r
                    for g_ref in (g_w, g_t):
                        for h in range(2):
                            v = g_ref[p, row, pl.ds(16 * h, 16)]
                            plsc.store_scatter(
                                panel.at[p],
                                [rowvecs[k], divecs[k], rv], v)
                            k += 1

            for li in range(LPB):
                pltpu.async_copy(
                    panel.at[p, pl.ds(li * 8, 8)],
                    out_slice(nb * LPB + li), sem_w[p])
            fire_gathers(lax.min(nb + 2, NSTEP - 1), p)
        return carry

    lax.fori_loop(0, NSTEP // 2, pair, 0)
    for p in range(2):
        wait_gathers(p)
        wait_write(p)


def kernel(words_token_ids, tags_token_ids, words_table, tags_table):
    wi = words_token_ids.T
    ti = tags_token_ids.T
    mesh = plsc.VectorSubcoreMesh(core_axis_name="c", subcore_axis_name="s")
    out = pl.kernel(
        _emb_body,
        mesh=mesh,
        compiler_params=pltpu.CompilerParams(
            use_tc_tiling_on_sc=False, needs_layout_passes=False),
        out_type=jax.ShapeDtypeStruct((L, 8, 32, 8, BW), jnp.float32),
        scratch_types=[
            pltpu.VMEM((2, LPB, BW), jnp.int32),
            pltpu.VMEM((2, LPB, BW), jnp.int32),
            pltpu.VMEM((2, GR, D), jnp.float32),
            pltpu.VMEM((2, GR, D), jnp.float32),
            pltpu.VMEM((2, LPB * 8, 8, BW), jnp.float32),
            pltpu.SemaphoreType.DMA,
            pltpu.SemaphoreType.DMA,
            pltpu.SemaphoreType.DMA,
            pltpu.SemaphoreType.DMA,
            pltpu.SemaphoreType.DMA,
            pltpu.SemaphoreType.DMA,
        ],
    )(wi, ti, words_table, tags_table)
    return out.transpose(2, 4, 0, 1, 3).reshape(B, L, 2 * D)

# --- scband reference (transcript-rebuilt; emitter-appended) ---
"""Pipeline reference for scband-text-embedder-32195074851298 (READ-ONLY COPY).

The authoritative reference and input builder live on the scoring server;
editing this copy changes nothing except your own understanding.
"""

import jax, jax.numpy as jnp
import numpy as np

B = 4096
L = 200
WORDS_VOCAB = 1000000
TAGS_VOCAB = 100000
WORDS_DIM = 32
TAGS_DIM = 32


def setup_inputs(seed: int = 0) -> dict:
    key = jax.random.key(seed)
    k1, k2, k3, k4 = jax.random.split(key, 4)
    words_token_ids = jax.random.randint(k1, (B, L), 0, WORDS_VOCAB, dtype=jnp.int32)
    tags_token_ids = jax.random.randint(k2, (B, L), 0, TAGS_VOCAB, dtype=jnp.int32)
    # learned parameters: one embedding table per token embedder
    words_table = jax.random.normal(k3, (WORDS_VOCAB, WORDS_DIM), dtype=jnp.float32) * 0.02
    tags_table = jax.random.normal(k4, (TAGS_VOCAB, TAGS_DIM), dtype=jnp.float32) * 0.02
    return {
        "words_token_ids": words_token_ids,
        "tags_token_ids": tags_token_ids,
        "words_table": words_table,
        "tags_table": tags_table,
    }


def reference(words_token_ids, tags_token_ids, words_table, tags_table):
    # TextEmbedder.forward: run each token embedder (nn.Embedding lookup)
    # on its own id tensor, then concatenate along the last dim.
    words_emb = jnp.take(words_table, words_token_ids, axis=0)  # [B, L, 32]
    tags_emb = jnp.take(tags_table, tags_token_ids, axis=0)    # [B, L, 32]
    return jnp.concatenate([words_emb, tags_emb], axis=-1)      # [B, L, 64]

if __name__ == "__main__":
    import jax
    _d = setup_inputs()
    print(jax.jit(kernel)(*tuple(_d.values())))

</pallas_src>

<mosaic_0001>
#map = affine_map<(d0, d1) -> (0, 0)>
#map1 = affine_map<(d0, d1) -> (0, 0, 0, 0, 0)>
module attributes {stable_mosaic.version = 14 : i64} {
  func.func @_emb_body(%arg0: i32, %arg1: i32, %arg2: memref<200x4096xi32, #tpu.memory_space<hbm>>, %arg3: memref<200x4096xi32, #tpu.memory_space<hbm>>, %arg4: memref<1000000x32xf32, #tpu.memory_space<hbm>>, %arg5: memref<100000x32xf32, #tpu.memory_space<hbm>>, %arg6: memref<200x8x32x8x128xf32, #tpu.memory_space<hbm>>, %arg7: memref<2x2x128xi32, #tpu.memory_space<vmem>>, %arg8: memref<2x2x128xi32, #tpu.memory_space<vmem>>, %arg9: memref<2x256x32xf32, #tpu.memory_space<vmem>>, %arg10: memref<2x256x32xf32, #tpu.memory_space<vmem>>, %arg11: memref<2x16x8x128xf32, #tpu.memory_space<vmem>>, %arg12: memref<!tpu.dma_semaphore, #tpu.memory_space<semaphore_mem>>, %arg13: memref<!tpu.dma_semaphore, #tpu.memory_space<semaphore_mem>>, %arg14: memref<!tpu.dma_semaphore, #tpu.memory_space<semaphore_mem>>, %arg15: memref<!tpu.dma_semaphore, #tpu.memory_space<semaphore_mem>>, %arg16: memref<!tpu.dma_semaphore, #tpu.memory_space<semaphore_mem>>, %arg17: memref<!tpu.dma_semaphore, #tpu.memory_space<semaphore_mem>>) attributes {dimension_semantics = [#tpu.dimension_semantics<core_parallel>, #tpu.dimension_semantics<subcore_parallel>], iteration_bounds = array<i64: 2, 16>, scalar_prefetch = 0 : i64, scratch_operands = 11 : i64, tpu.core_type = #tpu.core_type<sc_vector_subcore>, window_params = [{transform_indices = #map}, {transform_indices = #map}, {transform_indices = #map}, {transform_indices = #map}, {transform_indices = #map1}]} {
    %mul3A = arith.constant 2 : i32
    %mul3A_0 = arith.muli %arg1, %mul3A : i32
    %add3A = arith.addi %mul3A_0, %arg0 : i32
    %mul3A_1 = arith.constant 128 : i32
    %mul3A_2 = arith.muli %add3A, %mul3A_1 : i32
    %iota3A = tpu.iota {dimensions = array<i32: 0>} : vector<16xi32>
    %add3A_3 = arith.constant 0 : i32
    %add3A_4 = vector.broadcast %add3A_3 : i32 to vector<16xi32>
    %add3A_5 = arith.addi %add3A_4, %iota3A : vector<16xi32>
    %jit3A = arith.constant 8 : i32
    %div3A = vector.broadcast %jit3A : i32 to vector<16xi32>
    %div3A_6 = arith.divsi %add3A_5, %div3A : vector<16xi32>
    %sign3A = arith.constant 0 : i32
    %sign3A_7 = vector.broadcast %sign3A : i32 to vector<16xi32>
    %sign3A_8 = arith.cmpi sgt, %add3A_5, %sign3A_7 : vector<16xi32>
    %sign3A_9 = arith.extui %sign3A_8 : vector<16xi1> to vector<16xi32>
    %sign3A_10 = arith.constant 0 : i32
    %sign3A_11 = vector.broadcast %sign3A_10 : i32 to vector<16xi32>
    %sign3A_12 = arith.cmpi slt, %add3A_5, %sign3A_11 : vector<16xi32>
    %sign3A_13 = arith.extui %sign3A_12 : vector<16xi1> to vector<16xi32>
    %sign3A_14 = arith.subi %sign3A_9, %sign3A_13 : vector<16xi32>
    %sign3A_15 = arith.constant 0 : i32
    %sign3A_16 = arith.cmpi sgt, %jit3A, %sign3A_15 : i32
    %sign3A_17 = arith.extui %sign3A_16 : i1 to i32
    %sign3A_18 = arith.constant 0 : i32
    %sign3A_19 = arith.cmpi slt, %jit3A, %sign3A_18 : i32
    %sign3A_20 = arith.extui %sign3A_19 : i1 to i32
    %sign3A_21 = arith.subi %sign3A_17, %sign3A_20 : i32
    %ne3A = vector.broadcast %sign3A_21 : i32 to vector<16xi32>
    %ne3A_22 = arith.cmpi ne, %sign3A_14, %ne3A : vector<16xi32>
    %rem3A = vector.broadcast %jit3A : i32 to vector<16xi32>
    %rem3A_23 = arith.remsi %add3A_5, %rem3A : vector<16xi32>
    %ne3A_24 = arith.constant 0 : i32
    %ne3A_25 = vector.broadcast %ne3A_24 : i32 to vector<16xi32>
    %ne3A_26 = arith.cmpi ne, %rem3A_23, %ne3A_25 : vector<16xi32>
    %and3A = arith.andi %ne3A_22, %ne3A_26 : vector<16xi1>
    %sub3A = arith.constant 1 : i32
    %sub3A_27 = vector.broadcast %sub3A : i32 to vector<16xi32>
    %sub3A_28 = arith.subi %div3A_6, %sub3A_27 : vector<16xi32>
    %select_n3A = arith.select %and3A, %sub3A_28, %div3A_6 : vector<16xi1>, vector<16xi32>
    %add3A_29 = arith.constant 0 : i32
    %add3A_30 = vector.broadcast %add3A_29 : i32 to vector<16xi32>
    %add3A_31 = arith.addi %add3A_30, %select_n3A : vector<16xi32>
    %jit3A_32 = arith.constant 8 : i32
    %eq3A = arith.constant 0 : i32
    %eq3A_33 = arith.cmpi eq, %jit3A_32, %eq3A : i32
    %jit3A_34 = arith.constant 1 : i32
    %select_n3A_35 = arith.select %eq3A_33, %jit3A_34, %jit3A_32 : i32
    %rem3A_36 = vector.broadcast %select_n3A_35 : i32 to vector<16xi32>
    %rem3A_37 = arith.remsi %add3A_5, %rem3A_36 : vector<16xi32>
    %ne3A_38 = arith.constant 0 : i32
    %ne3A_39 = vector.broadcast %ne3A_38 : i32 to vector<16xi32>
    %ne3A_40 = arith.cmpi ne, %rem3A_37, %ne3A_39 : vector<16xi32>
    %lt3A = arith.constant 0 : i32
    %lt3A_41 = vector.broadcast %lt3A : i32 to vector<16xi32>
    %lt3A_42 = arith.cmpi slt, %rem3A_37, %lt3A_41 : vector<16xi32>
    %lt3A_43 = arith.constant 0 : i32
    %lt3A_44 = arith.cmpi slt, %select_n3A_35, %lt3A_43 : i32
    %ne3A_45 = vector.broadcast %lt3A_44 : i1 to vector<16xi1>
    %ne3A_46 = vector.broadcast %ne3A_45 : vector<16xi1> to vector<16xi1>
    %ne3A_47 = arith.xori %lt3A_42, %ne3A_46 : vector<16xi1>
    %and3A_48 = arith.andi %ne3A_47, %ne3A_40 : vector<16xi1>
    %add3A_49 = vector.broadcast %select_n3A_35 : i32 to vector<16xi32>
    %add3A_50 = arith.addi %rem3A_37, %add3A_49 : vector<16xi32>
    %select_n3A_51 = arith.select %and3A_48, %add3A_50, %rem3A_37 : vector<16xi1>, vector<16xi32>
    %add3A_52 = arith.constant 16 : i32
    %add3A_53 = vector.broadcast %add3A_52 : i32 to vector<16xi32>
    %add3A_54 = arith.addi %add3A_53, %iota3A : vector<16xi32>
    %jit3A_55 = arith.constant 8 : i32
    %div3A_56 = vector.broadcast %jit3A_55 : i32 to vector<16xi32>
    %div3A_57 = arith.divsi %add3A_54, %div3A_56 : vector<16xi32>
    %sign3A_58 = arith.constant 0 : i32
    %sign3A_59 = vector.broadcast %sign3A_58 : i32 to vector<16xi32>
    %sign3A_60 = arith.cmpi sgt, %add3A_54, %sign3A_59 : vector<16xi32>
    %sign3A_61 = arith.extui %sign3A_60 : vector<16xi1> to vector<16xi32>
    %sign3A_62 = arith.constant 0 : i32
    %sign3A_63 = vector.broadcast %sign3A_62 : i32 to vector<16xi32>
    %sign3A_64 = arith.cmpi slt, %add3A_54, %sign3A_63 : vector<16xi32>
    %sign3A_65 = arith.extui %sign3A_64 : vector<16xi1> to vector<16xi32>
    %sign3A_66 = arith.subi %sign3A_61, %sign3A_65 : vector<16xi32>
    %sign3A_67 = arith.constant 0 : i32
    %sign3A_68 = arith.cmpi sgt, %jit3A_55, %sign3A_67 : i32
    %sign3A_69 = arith.extui %sign3A_68 : i1 to i32
    %sign3A_70 = arith.constant 0 : i32
    %sign3A_71 = arith.cmpi slt, %jit3A_55, %sign3A_70 : i32
    %sign3A_72 = arith.extui %sign3A_71 : i1 to i32
    %sign3A_73 = arith.subi %sign3A_69, %sign3A_72 : i32
    %ne3A_74 = vector.broadcast %sign3A_73 : i32 to vector<16xi32>
    %ne3A_75 = arith.cmpi ne, %sign3A_66, %ne3A_74 : vector<16xi32>
    %rem3A_76 = vector.broadcast %jit3A_55 : i32 to vector<16xi32>
    %rem3A_77 = arith.remsi %add3A_54, %rem3A_76 : vector<16xi32>
    %ne3A_78 = arith.constant 0 : i32
    %ne3A_79 = vector.broadcast %ne3A_78 : i32 to vector<16xi32>
    %ne3A_80 = arith.cmpi ne, %rem3A_77, %ne3A_79 : vector<16xi32>
    %and3A_81 = arith.andi %ne3A_75, %ne3A_80 : vector<16xi1>
    %sub3A_82 = arith.constant 1 : i32
    %sub3A_83 = vector.broadcast %sub3A_82 : i32 to vector<16xi32>
    %sub3A_84 = arith.subi %div3A_57, %sub3A_83 : vector<16xi32>
    %select_n3A_85 = arith.select %and3A_81, %sub3A_84, %div3A_57 : vector<16xi1>, vector<16xi32>
    %add3A_86 = arith.constant 0 : i32
    %add3A_87 = vector.broadcast %add3A_86 : i32 to vector<16xi32>
    %add3A_88 = arith.addi %add3A_87, %select_n3A_85 : vector<16xi32>
    %jit3A_89 = arith.constant 8 : i32
    %eq3A_90 = arith.constant 0 : i32
    %eq3A_91 = arith.cmpi eq, %jit3A_89, %eq3A_90 : i32
    %jit3A_92 = arith.constant 1 : i32
    %select_n3A_93 = arith.select %eq3A_91, %jit3A_92, %jit3A_89 : i32
    %rem3A_94 = vector.broadcast %select_n3A_93 : i32 to vector<16xi32>
    %rem3A_95 = arith.remsi %add3A_54, %rem3A_94 : vector<16xi32>
    %ne3A_96 = arith.constant 0 : i32
    %ne3A_97 = vector.broadcast %ne3A_96 : i32 to vector<16xi32>
    %ne3A_98 = arith.cmpi ne, %rem3A_95, %ne3A_97 : vector<16xi32>
    %lt3A_99 = arith.constant 0 : i32
    %lt3A_100 = vector.broadcast %lt3A_99 : i32 to vector<16xi32>
    %lt3A_101 = arith.cmpi slt, %rem3A_95, %lt3A_100 : vector<16xi32>
    %lt3A_102 = arith.constant 0 : i32
    %lt3A_103 = arith.cmpi slt, %select_n3A_93, %lt3A_102 : i32
    %ne3A_104 = vector.broadcast %lt3A_103 : i1 to vector<16xi1>
    %ne3A_105 = vector.broadcast %ne3A_104 : vector<16xi1> to vector<16xi1>
    %ne3A_106 = arith.xori %lt3A_101, %ne3A_105 : vector<16xi1>
    %and3A_107 = arith.andi %ne3A_106, %ne3A_98 : vector<16xi1>
    %add3A_108 = vector.broadcast %select_n3A_93 : i32 to vector<16xi32>
    %add3A_109 = arith.addi %rem3A_95, %add3A_108 : vector<16xi32>
    %select_n3A_110 = arith.select %and3A_107, %add3A_109, %rem3A_95 : vector<16xi1>, vector<16xi32>
    %add3A_111 = arith.constant 32 : i32
    %add3A_112 = vector.broadcast %add3A_111 : i32 to vector<16xi32>
    %add3A_113 = arith.addi %add3A_112, %iota3A : vector<16xi32>
    %jit3A_114 = arith.constant 8 : i32
    %div3A_115 = vector.broadcast %jit3A_114 : i32 to vector<16xi32>
    %div3A_116 = arith.divsi %add3A_113, %div3A_115 : vector<16xi32>
    %sign3A_117 = arith.constant 0 : i32
    %sign3A_118 = vector.broadcast %sign3A_117 : i32 to vector<16xi32>
    %sign3A_119 = arith.cmpi sgt, %add3A_113, %sign3A_118 : vector<16xi32>
    %sign3A_120 = arith.extui %sign3A_119 : vector<16xi1> to vector<16xi32>
    %sign3A_121 = arith.constant 0 : i32
    %sign3A_122 = vector.broadcast %sign3A_121 : i32 to vector<16xi32>
    %sign3A_123 = arith.cmpi slt, %add3A_113, %sign3A_122 : vector<16xi32>
    %sign3A_124 = arith.extui %sign3A_123 : vector<16xi1> to vector<16xi32>
    %sign3A_125 = arith.subi %sign3A_120, %sign3A_124 : vector<16xi32>
    %sign3A_126 = arith.constant 0 : i32
    %sign3A_127 = arith.cmpi sgt, %jit3A_114, %sign3A_126 : i32
    %sign3A_128 = arith.extui %sign3A_127 : i1 to i32
    %sign3A_129 = arith.constant 0 : i32
    %sign3A_130 = arith.cmpi slt, %jit3A_114, %sign3A_129 : i32
    %sign3A_131 = arith.extui %sign3A_130 : i1 to i32
    %sign3A_132 = arith.subi %sign3A_128, %sign3A_131 : i32
    %ne3A_133 = vector.broadcast %sign3A_132 : i32 to vector<16xi32>
    %ne3A_134 = arith.cmpi ne, %sign3A_125, %ne3A_133 : vector<16xi32>
    %rem3A_135 = vector.broadcast %jit3A_114 : i32 to vector<16xi32>
    %rem3A_136 = arith.remsi %add3A_113, %rem3A_135 : vector<16xi32>
    %ne3A_137 = arith.constant 0 : i32
    %ne3A_138 = vector.broadcast %ne3A_137 : i32 to vector<16xi32>
    %ne3A_139 = arith.cmpi ne, %rem3A_136, %ne3A_138 : vector<16xi32>
    %and3A_140 = arith.andi %ne3A_134, %ne3A_139 : vector<16xi1>
    %sub3A_141 = arith.constant 1 : i32
    %sub3A_142 = vector.broadcast %sub3A_141 : i32 to vector<16xi32>
    %sub3A_143 = arith.subi %div3A_116, %sub3A_142 : vector<16xi32>
    %select_n3A_144 = arith.select %and3A_140, %sub3A_143, %div3A_116 : vector<16xi1>, vector<16xi32>
    %add3A_145 = arith.constant 0 : i32
    %add3A_146 = vector.broadcast %add3A_145 : i32 to vector<16xi32>
    %add3A_147 = arith.addi %add3A_146, %select_n3A_144 : vector<16xi32>
    %jit3A_148 = arith.constant 8 : i32
    %eq3A_149 = arith.constant 0 : i32
    %eq3A_150 = arith.cmpi eq, %jit3A_148, %eq3A_149 : i32
    %jit3A_151 = arith.constant 1 : i32
    %select_n3A_152 = arith.select %eq3A_150, %jit3A_151, %jit3A_148 : i32
    %rem3A_153 = vector.broadcast %select_n3A_152 : i32 to vector<16xi32>
    %rem3A_154 = arith.remsi %add3A_113, %rem3A_153 : vector<16xi32>
    %ne3A_155 = arith.constant 0 : i32
    %ne3A_156 = vector.broadcast %ne3A_155 : i32 to vector<16xi32>
    %ne3A_157 = arith.cmpi ne, %rem3A_154, %ne3A_156 : vector<16xi32>
    %lt3A_158 = arith.constant 0 : i32
    %lt3A_159 = vector.broadcast %lt3A_158 : i32 to vector<16xi32>
    %lt3A_160 = arith.cmpi slt, %rem3A_154, %lt3A_159 : vector<16xi32>
    %lt3A_161 = arith.constant 0 : i32
    %lt3A_162 = arith.cmpi slt, %select_n3A_152, %lt3A_161 : i32
    %ne3A_163 = vector.broadcast %lt3A_162 : i1 to vector<16xi1>
    %ne3A_164 = vector.broadcast %ne3A_163 : vector<16xi1> to vector<16xi1>
    %ne3A_165 = arith.xori %lt3A_160, %ne3A_164 : vector<16xi1>
    %and3A_166 = arith.andi %ne3A_165, %ne3A_157 : vector<16xi1>
    %add3A_167 = vector.broadcast %select_n3A_152 : i32 to vector<16xi32>
    %add3A_168 = arith.addi %rem3A_154, %add3A_167 : vector<16xi32>
    %select_n3A_169 = arith.select %and3A_166, %add3A_168, %rem3A_154 : vector<16xi1>, vector<16xi32>
    %add3A_170 = arith.constant 48 : i32
    %add3A_171 = vector.broadcast %add3A_170 : i32 to vector<16xi32>
    %add3A_172 = arith.addi %add3A_171, %iota3A : vector<16xi32>
    %jit3A_173 = arith.constant 8 : i32
    %div3A_174 = vector.broadcast %jit3A_173 : i32 to vector<16xi32>
    %div3A_175 = arith.divsi %add3A_172, %div3A_174 : vector<16xi32>
    %sign3A_176 = arith.constant 0 : i32
    %sign3A_177 = vector.broadcast %sign3A_176 : i32 to vector<16xi32>
    %sign3A_178 = arith.cmpi sgt, %add3A_172, %sign3A_177 : vector<16xi32>
    %sign3A_179 = arith.extui %sign3A_178 : vector<16xi1> to vector<16xi32>
    %sign3A_180 = arith.constant 0 : i32
    %sign3A_181 = vector.broadcast %sign3A_180 : i32 to vector<16xi32>
    %sign3A_182 = arith.cmpi slt, %add3A_172, %sign3A_181 : vector<16xi32>
    %sign3A_183 = arith.extui %sign3A_182 : vector<16xi1> to vector<16xi32>
    %sign3A_184 = arith.subi %sign3A_179, %sign3A_183 : vector<16xi32>
    %sign3A_185 = arith.constant 0 : i32
    %sign3A_186 = arith.cmpi sgt, %jit3A_173, %sign3A_185 : i32
    %sign3A_187 = arith.extui %sign3A_186 : i1 to i32
    %sign3A_188 = arith.constant 0 : i32
    %sign3A_189 = arith.cmpi slt, %jit3A_173, %sign3A_188 : i32
    %sign3A_190 = arith.extui %sign3A_189 : i1 to i32
    %sign3A_191 = arith.subi %sign3A_187, %sign3A_190 : i32
    %ne3A_192 = vector.broadcast %sign3A_191 : i32 to vector<16xi32>
    %ne3A_193 = arith.cmpi ne, %sign3A_184, %ne3A_192 : vector<16xi32>
    %rem3A_194 = vector.broadcast %jit3A_173 : i32 to vector<16xi32>
    %rem3A_195 = arith.remsi %add3A_172, %rem3A_194 : vector<16xi32>
    %ne3A_196 = arith.constant 0 : i32
    %ne3A_197 = vector.broadcast %ne3A_196 : i32 to vector<16xi32>
    %ne3A_198 = arith.cmpi ne, %rem3A_195, %ne3A_197 : vector<16xi32>
    %and3A_199 = arith.andi %ne3A_193, %ne3A_198 : vector<16xi1>
    %sub3A_200 = arith.constant 1 : i32
    %sub3A_201 = vector.broadcast %sub3A_200 : i32 to vector<16xi32>
    %sub3A_202 = arith.subi %div3A_175, %sub3A_201 : vector<16xi32>
    %select_n3A_203 = arith.select %and3A_199, %sub3A_202, %div3A_175 : vector<16xi1>, vector<16xi32>
    %add3A_204 = arith.constant 0 : i32
    %add3A_205 = vector.broadcast %add3A_204 : i32 to vector<16xi32>
    %add3A_206 = arith.addi %add3A_205, %select_n3A_203 : vector<16xi32>
    %jit3A_207 = arith.constant 8 : i32
    %eq3A_208 = arith.constant 0 : i32
    %eq3A_209 = arith.cmpi eq, %jit3A_207, %eq3A_208 : i32
    %jit3A_210 = arith.constant 1 : i32
    %select_n3A_211 = arith.select %eq3A_209, %jit3A_210, %jit3A_207 : i32
    %rem3A_212 = vector.broadcast %select_n3A_211 : i32 to vector<16xi32>
    %rem3A_213 = arith.remsi %add3A_172, %rem3A_212 : vector<16xi32>
    %ne3A_214 = arith.constant 0 : i32
    %ne3A_215 = vector.broadcast %ne3A_214 : i32 to vector<16xi32>
    %ne3A_216 = arith.cmpi ne, %rem3A_213, %ne3A_215 : vector<16xi32>
    %lt3A_217 = arith.constant 0 : i32
    %lt3A_218 = vector.broadcast %lt3A_217 : i32 to vector<16xi32>
    %lt3A_219 = arith.cmpi slt, %rem3A_213, %lt3A_218 : vector<16xi32>
    %lt3A_220 = arith.constant 0 : i32
    %lt3A_221 = arith.cmpi slt, %select_n3A_211, %lt3A_220 : i32
    %ne3A_222 = vector.broadcast %lt3A_221 : i1 to vector<16xi1>
    %ne3A_223 = vector.broadcast %ne3A_222 : vector<16xi1> to vector<16xi1>
    %ne3A_224 = arith.xori %lt3A_219, %ne3A_223 : vector<16xi1>
    %and3A_225 = arith.andi %ne3A_224, %ne3A_216 : vector<16xi1>
    %add3A_226 = vector.broadcast %select_n3A_211 : i32 to vector<16xi32>
    %add3A_227 = arith.addi %rem3A_213, %add3A_226 : vector<16xi32>
    %select_n3A_228 = arith.select %and3A_225, %add3A_227, %rem3A_213 : vector<16xi1>, vector<16xi32>
    %add3A_229 = arith.constant 0 : i32
    %add3A_230 = vector.broadcast %add3A_229 : i32 to vector<16xi32>
    %add3A_231 = arith.addi %add3A_230, %iota3A : vector<16xi32>
    %jit3A_232 = arith.constant 8 : i32
    %div3A_233 = vector.broadcast %jit3A_232 : i32 to vector<16xi32>
    %div3A_234 = arith.divsi %add3A_231, %div3A_233 : vector<16xi32>
    %sign3A_235 = arith.constant 0 : i32
    %sign3A_236 = vector.broadcast %sign3A_235 : i32 to vector<16xi32>
    %sign3A_237 = arith.cmpi sgt, %add3A_231, %sign3A_236 : vector<16xi32>
    %sign3A_238 = arith.extui %sign3A_237 : vector<16xi1> to vector<16xi32>
    %sign3A_239 = arith.constant 0 : i32
    %sign3A_240 = vector.broadcast %sign3A_239 : i32 to vector<16xi32>
    %sign3A_241 = arith.cmpi slt, %add3A_231, %sign3A_240 : vector<16xi32>
    %sign3A_242 = arith.extui %sign3A_241 : vector<16xi1> to vector<16xi32>
    %sign3A_243 = arith.subi %sign3A_238, %sign3A_242 : vector<16xi32>
    %sign3A_244 = arith.constant 0 : i32
    %sign3A_245 = arith.cmpi sgt, %jit3A_232, %sign3A_244 : i32
    %sign3A_246 = arith.extui %sign3A_245 : i1 to i32
    %sign3A_247 = arith.constant 0 : i32
    %sign3A_248 = arith.cmpi slt, %jit3A_232, %sign3A_247 : i32
    %sign3A_249 = arith.extui %sign3A_248 : i1 to i32
    %sign3A_250 = arith.subi %sign3A_246, %sign3A_249 : i32
    %ne3A_251 = vector.broadcast %sign3A_250 : i32 to vector<16xi32>
    %ne3A_252 = arith.cmpi ne, %sign3A_243, %ne3A_251 : vector<16xi32>
    %rem3A_253 = vector.broadcast %jit3A_232 : i32 to vector<16xi32>
    %rem3A_254 = arith.remsi %add3A_231, %rem3A_253 : vector<16xi32>
    %ne3A_255 = arith.constant 0 : i32
    %ne3A_256 = vector.broadcast %ne3A_255 : i32 to vector<16xi32>
    %ne3A_257 = arith.cmpi ne, %rem3A_254, %ne3A_256 : vector<16xi32>
    %and3A_258 = arith.andi %ne3A_252, %ne3A_257 : vector<16xi1>
    %sub3A_259 = arith.constant 1 : i32
    %sub3A_260 = vector.broadcast %sub3A_259 : i32 to vector<16xi32>
    %sub3A_261 = arith.subi %div3A_234, %sub3A_260 : vector<16xi32>
    %select_n3A_262 = arith.select %and3A_258, %sub3A_261, %div3A_234 : vector<16xi1>, vector<16xi32>
    %add3A_263 = arith.constant 8 : i32
    %add3A_264 = vector.broadcast %add3A_263 : i32 to vector<16xi32>
    %add3A_265 = arith.addi %add3A_264, %select_n3A_262 : vector<16xi32>
    %jit3A_266 = arith.constant 8 : i32
    %eq3A_267 = arith.constant 0 : i32
    %eq3A_268 = arith.cmpi eq, %jit3A_266, %eq3A_267 : i32
    %jit3A_269 = arith.constant 1 : i32
    %select_n3A_270 = arith.select %eq3A_268, %jit3A_269, %jit3A_266 : i32
    %rem3A_271 = vector.broadcast %select_n3A_270 : i32 to vector<16xi32>
    %rem3A_272 = arith.remsi %add3A_231, %rem3A_271 : vector<16xi32>
    %ne3A_273 = arith.constant 0 : i32
    %ne3A_274 = vector.broadcast %ne3A_273 : i32 to vector<16xi32>
    %ne3A_275 = arith.cmpi ne, %rem3A_272, %ne3A_274 : vector<16xi32>
    %lt3A_276 = arith.constant 0 : i32
    %lt3A_277 = vector.broadcast %lt3A_276 : i32 to vector<16xi32>
    %lt3A_278 = arith.cmpi slt, %rem3A_272, %lt3A_277 : vector<16xi32>
    %lt3A_279 = arith.constant 0 : i32
    %lt3A_280 = arith.cmpi slt, %select_n3A_270, %lt3A_279 : i32
    %ne3A_281 = vector.broadcast %lt3A_280 : i1 to vector<16xi1>
    %ne3A_282 = vector.broadcast %ne3A_281 : vector<16xi1> to vector<16xi1>
    %ne3A_283 = arith.xori %lt3A_278, %ne3A_282 : vector<16xi1>
    %and3A_284 = arith.andi %ne3A_283, %ne3A_275 : vector<16xi1>
    %add3A_285 = vector.broadcast %select_n3A_270 : i32 to vector<16xi32>
    %add3A_286 = arith.addi %rem3A_272, %add3A_285 : vector<16xi32>
    %select_n3A_287 = arith.select %and3A_284, %add3A_286, %rem3A_272 : vector<16xi1>, vector<16xi32>
    %add3A_288 = arith.constant 16 : i32
    %add3A_289 = vector.broadcast %add3A_288 : i32 to vector<16xi32>
    %add3A_290 = arith.addi %add3A_289, %iota3A : vector<16xi32>
    %jit3A_291 = arith.constant 8 : i32
    %div3A_292 = vector.broadcast %jit3A_291 : i32 to vector<16xi32>
    %div3A_293 = arith.divsi %add3A_290, %div3A_292 : vector<16xi32>
    %sign3A_294 = arith.constant 0 : i32
    %sign3A_295 = vector.broadcast %sign3A_294 : i32 to vector<16xi32>
    %sign3A_296 = arith.cmpi sgt, %add3A_290, %sign3A_295 : vector<16xi32>
    %sign3A_297 = arith.extui %sign3A_296 : vector<16xi1> to vector<16xi32>
    %sign3A_298 = arith.constant 0 : i32
    %sign3A_299 = vector.broadcast %sign3A_298 : i32 to vector<16xi32>
    %sign3A_300 = arith.cmpi slt, %add3A_290, %sign3A_299 : vector<16xi32>
    %sign3A_301 = arith.extui %sign3A_300 : vector<16xi1> to vector<16xi32>
    %sign3A_302 = arith.subi %sign3A_297, %sign3A_301 : vector<16xi32>
    %sign3A_303 = arith.constant 0 : i32
    %sign3A_304 = arith.cmpi sgt, %jit3A_291, %sign3A_303 : i32
    %sign3A_305 = arith.extui %sign3A_304 : i1 to i32
    %sign3A_306 = arith.constant 0 : i32
    %sign3A_307 = arith.cmpi slt, %jit3A_291, %sign3A_306 : i32
    %sign3A_308 = arith.extui %sign3A_307 : i1 to i32
    %sign3A_309 = arith.subi %sign3A_305, %sign3A_308 : i32
    %ne3A_310 = vector.broadcast %sign3A_309 : i32 to vector<16xi32>
    %ne3A_311 = arith.cmpi ne, %sign3A_302, %ne3A_310 : vector<16xi32>
    %rem3A_312 = vector.broadcast %jit3A_291 : i32 to vector<16xi32>
    %rem3A_313 = arith.remsi %add3A_290, %rem3A_312 : vector<16xi32>
    %ne3A_314 = arith.constant 0 : i32
    %ne3A_315 = vector.broadcast %ne3A_314 : i32 to vector<16xi32>
    %ne3A_316 = arith.cmpi ne, %rem3A_313, %ne3A_315 : vector<16xi32>
    %and3A_317 = arith.andi %ne3A_311, %ne3A_316 : vector<16xi1>
    %sub3A_318 = arith.constant 1 : i32
    %sub3A_319 = vector.broadcast %sub3A_318 : i32 to vector<16xi32>
    %sub3A_320 = arith.subi %div3A_293, %sub3A_319 : vector<16xi32>
    %select_n3A_321 = arith.select %and3A_317, %sub3A_320, %div3A_293 : vector<16xi1>, vector<16xi32>
    %add3A_322 = arith.constant 8 : i32
    %add3A_323 = vector.broadcast %add3A_322 : i32 to vector<16xi32>
    %add3A_324 = arith.addi %add3A_323, %select_n3A_321 : vector<16xi32>
    %jit3A_325 = arith.constant 8 : i32
    %eq3A_326 = arith.constant 0 : i32
    %eq3A_327 = arith.cmpi eq, %jit3A_325, %eq3A_326 : i32
    %jit3A_328 = arith.constant 1 : i32
    %select_n3A_329 = arith.select %eq3A_327, %jit3A_328, %jit3A_325 : i32
    %rem3A_330 = vector.broadcast %select_n3A_329 : i32 to vector<16xi32>
    %rem3A_331 = arith.remsi %add3A_290, %rem3A_330 : vector<16xi32>
    %ne3A_332 = arith.constant 0 : i32
    %ne3A_333 = vector.broadcast %ne3A_332 : i32 to vector<16xi32>
    %ne3A_334 = arith.cmpi ne, %rem3A_331, %ne3A_333 : vector<16xi32>
    %lt3A_335 = arith.constant 0 : i32
    %lt3A_336 = vector.broadcast %lt3A_335 : i32 to vector<16xi32>
    %lt3A_337 = arith.cmpi slt, %rem3A_331, %lt3A_336 : vector<16xi32>
    %lt3A_338 = arith.constant 0 : i32
    %lt3A_339 = arith.cmpi slt, %select_n3A_329, %lt3A_338 : i32
    %ne3A_340 = vector.broadcast %lt3A_339 : i1 to vector<16xi1>
    %ne3A_341 = vector.broadcast %ne3A_340 : vector<16xi1> to vector<16xi1>
    %ne3A_342 = arith.xori %lt3A_337, %ne3A_341 : vector<16xi1>
    %and3A_343 = arith.andi %ne3A_342, %ne3A_334 : vector<16xi1>
    %add3A_344 = vector.broadcast %select_n3A_329 : i32 to vector<16xi32>
    %add3A_345 = arith.addi %rem3A_331, %add3A_344 : vector<16xi32>
    %select_n3A_346 = arith.select %and3A_343, %add3A_345, %rem3A_331 : vector<16xi1>, vector<16xi32>
    %add3A_347 = arith.constant 32 : i32
    %add3A_348 = vector.broadcast %add3A_347 : i32 to vector<16xi32>
    %add3A_349 = arith.addi %add3A_348, %iota3A : vector<16xi32>
    %jit3A_350 = arith.constant 8 : i32
    %div3A_351 = vector.broadcast %jit3A_350 : i32 to vector<16xi32>
    %div3A_352 = arith.divsi %add3A_349, %div3A_351 : vector<16xi32>
    %sign3A_353 = arith.constant 0 : i32
    %sign3A_354 = vector.broadcast %sign3A_353 : i32 to vector<16xi32>
    %sign3A_355 = arith.cmpi sgt, %add3A_349, %sign3A_354 : vector<16xi32>
    %sign3A_356 = arith.extui %sign3A_355 : vector<16xi1> to vector<16xi32>
    %sign3A_357 = arith.constant 0 : i32
    %sign3A_358 = vector.broadcast %sign3A_357 : i32 to vector<16xi32>
    %sign3A_359 = arith.cmpi slt, %add3A_349, %sign3A_358 : vector<16xi32>
    %sign3A_360 = arith.extui %sign3A_359 : vector<16xi1> to vector<16xi32>
    %sign3A_361 = arith.subi %sign3A_356, %sign3A_360 : vector<16xi32>
    %sign3A_362 = arith.constant 0 : i32
    %sign3A_363 = arith.cmpi sgt, %jit3A_350, %sign3A_362 : i32
    %sign3A_364 = arith.extui %sign3A_363 : i1 to i32
    %sign3A_365 = arith.constant 0 : i32
    %sign3A_366 = arith.cmpi slt, %jit3A_350, %sign3A_365 : i32
    %sign3A_367 = arith.extui %sign3A_366 : i1 to i32
    %sign3A_368 = arith.subi %sign3A_364, %sign3A_367 : i32
    %ne3A_369 = vector.broadcast %sign3A_368 : i32 to vector<16xi32>
    %ne3A_370 = arith.cmpi ne, %sign3A_361, %ne3A_369 : vector<16xi32>
    %rem3A_371 = vector.broadcast %jit3A_350 : i32 to vector<16xi32>
    %rem3A_372 = arith.remsi %add3A_349, %rem3A_371 : vector<16xi32>
    %ne3A_373 = arith.constant 0 : i32
    %ne3A_374 = vector.broadcast %ne3A_373 : i32 to vector<16xi32>
    %ne3A_375 = arith.cmpi ne, %rem3A_372, %ne3A_374 : vector<16xi32>
    %and3A_376 = arith.andi %ne3A_370, %ne3A_375 : vector<16xi1>
    %sub3A_377 = arith.constant 1 : i32
    %sub3A_378 = vector.broadcast %sub3A_377 : i32 to vector<16xi32>
    %sub3A_379 = arith.subi %div3A_352, %sub3A_378 : vector<16xi32>
    %select_n3A_380 = arith.select %and3A_376, %sub3A_379, %div3A_352 : vector<16xi1>, vector<16xi32>
    %add3A_381 = arith.constant 8 : i32
    %add3A_382 = vector.broadcast %add3A_381 : i32 to vector<16xi32>
    %add3A_383 = arith.addi %add3A_382, %select_n3A_380 : vector<16xi32>
    %jit3A_384 = arith.constant 8 : i32
    %eq3A_385 = arith.constant 0 : i32
    %eq3A_386 = arith.cmpi eq, %jit3A_384, %eq3A_385 : i32
    %jit3A_387 = arith.constant 1 : i32
    %select_n3A_388 = arith.select %eq3A_386, %jit3A_387, %jit3A_384 : i32
    %rem3A_389 = vector.broadcast %select_n3A_388 : i32 to vector<16xi32>
    %rem3A_390 = arith.remsi %add3A_349, %rem3A_389 : vector<16xi32>
    %ne3A_391 = arith.constant 0 : i32
    %ne3A_392 = vector.broadcast %ne3A_391 : i32 to vector<16xi32>
    %ne3A_393 = arith.cmpi ne, %rem3A_390, %ne3A_392 : vector<16xi32>
    %lt3A_394 = arith.constant 0 : i32
    %lt3A_395 = vector.broadcast %lt3A_394 : i32 to vector<16xi32>
    %lt3A_396 = arith.cmpi slt, %rem3A_390, %lt3A_395 : vector<16xi32>
    %lt3A_397 = arith.constant 0 : i32
    %lt3A_398 = arith.cmpi slt, %select_n3A_388, %lt3A_397 : i32
    %ne3A_399 = vector.broadcast %lt3A_398 : i1 to vector<16xi1>
    %ne3A_400 = vector.broadcast %ne3A_399 : vector<16xi1> to vector<16xi1>
    %ne3A_401 = arith.xori %lt3A_396, %ne3A_400 : vector<16xi1>
    %and3A_402 = arith.andi %ne3A_401, %ne3A_393 : vector<16xi1>
    %add3A_403 = vector.broadcast %select_n3A_388 : i32 to vector<16xi32>
    %add3A_404 = arith.addi %rem3A_390, %add3A_403 : vector<16xi32>
    %select_n3A_405 = arith.select %and3A_402, %add3A_404, %rem3A_390 : vector<16xi1>, vector<16xi32>
    %add3A_406 = arith.constant 48 : i32
    %add3A_407 = vector.broadcast %add3A_406 : i32 to vector<16xi32>
    %add3A_408 = arith.addi %add3A_407, %iota3A : vector<16xi32>
    %jit3A_409 = arith.constant 8 : i32
    %div3A_410 = vector.broadcast %jit3A_409 : i32 to vector<16xi32>
    %div3A_411 = arith.divsi %add3A_408, %div3A_410 : vector<16xi32>
    %sign3A_412 = arith.constant 0 : i32
    %sign3A_413 = vector.broadcast %sign3A_412 : i32 to vector<16xi32>
    %sign3A_414 = arith.cmpi sgt, %add3A_408, %sign3A_413 : vector<16xi32>
    %sign3A_415 = arith.extui %sign3A_414 : vector<16xi1> to vector<16xi32>
    %sign3A_416 = arith.constant 0 : i32
    %sign3A_417 = vector.broadcast %sign3A_416 : i32 to vector<16xi32>
    %sign3A_418 = arith.cmpi slt, %add3A_408, %sign3A_417 : vector<16xi32>
    %sign3A_419 = arith.extui %sign3A_418 : vector<16xi1> to vector<16xi32>
    %sign3A_420 = arith.subi %sign3A_415, %sign3A_419 : vector<16xi32>
    %sign3A_421 = arith.constant 0 : i32
    %sign3A_422 = arith.cmpi sgt, %jit3A_409, %sign3A_421 : i32
    %sign3A_423 = arith.extui %sign3A_422 : i1 to i32
    %sign3A_424 = arith.constant 0 : i32
    %sign3A_425 = arith.cmpi slt, %jit3A_409, %sign3A_424 : i32
    %sign3A_426 = arith.extui %sign3A_425 : i1 to i32
    %sign3A_427 = arith.subi %sign3A_423, %sign3A_426 : i32
    %ne3A_428 = vector.broadcast %sign3A_427 : i32 to vector<16xi32>
    %ne3A_429 = arith.cmpi ne, %sign3A_420, %ne3A_428 : vector<16xi32>
    %rem3A_430 = vector.broadcast %jit3A_409 : i32 to vector<16xi32>
    %rem3A_431 = arith.remsi %add3A_408, %rem3A_430 : vector<16xi32>
    %ne3A_432 = arith.constant 0 : i32
    %ne3A_433 = vector.broadcast %ne3A_432 : i32 to vector<16xi32>
    %ne3A_434 = arith.cmpi ne, %rem3A_431, %ne3A_433 : vector<16xi32>
    %and3A_435 = arith.andi %ne3A_429, %ne3A_434 : vector<16xi1>
    %sub3A_436 = arith.constant 1 : i32
    %sub3A_437 = vector.broadcast %sub3A_436 : i32 to vector<16xi32>
    %sub3A_438 = arith.subi %div3A_411, %sub3A_437 : vector<16xi32>
    %select_n3A_439 = arith.select %and3A_435, %sub3A_438, %div3A_411 : vector<16xi1>, vector<16xi32>
    %add3A_440 = arith.constant 8 : i32
    %add3A_441 = vector.broadcast %add3A_440 : i32 to vector<16xi32>
    %add3A_442 = arith.addi %add3A_441, %select_n3A_439 : vector<16xi32>
    %jit3A_443 = arith.constant 8 : i32
    %eq3A_444 = arith.constant 0 : i32
    %eq3A_445 = arith.cmpi eq, %jit3A_443, %eq3A_444 : i32
    %jit3A_446 = arith.constant 1 : i32
    %select_n3A_447 = arith.select %eq3A_445, %jit3A_446, %jit3A_443 : i32
    %rem3A_448 = vector.broadcast %select_n3A_447 : i32 to vector<16xi32>
    %rem3A_449 = arith.remsi %add3A_408, %rem3A_448 : vector<16xi32>
    %ne3A_450 = arith.constant 0 : i32
    %ne3A_451 = vector.broadcast %ne3A_450 : i32 to vector<16xi32>
    %ne3A_452 = arith.cmpi ne, %rem3A_449, %ne3A_451 : vector<16xi32>
    %lt3A_453 = arith.constant 0 : i32
    %lt3A_454 = vector.broadcast %lt3A_453 : i32 to vector<16xi32>
    %lt3A_455 = arith.cmpi slt, %rem3A_449, %lt3A_454 : vector<16xi32>
    %lt3A_456 = arith.constant 0 : i32
    %lt3A_457 = arith.cmpi slt, %select_n3A_447, %lt3A_456 : i32
    %ne3A_458 = vector.broadcast %lt3A_457 : i1 to vector<16xi1>
    %ne3A_459 = vector.broadcast %ne3A_458 : vector<16xi1> to vector<16xi1>
    %ne3A_460 = arith.xori %lt3A_455, %ne3A_459 : vector<16xi1>
    %and3A_461 = arith.andi %ne3A_460, %ne3A_452 : vector<16xi1>
    %add3A_462 = vector.broadcast %select_n3A_447 : i32 to vector<16xi32>
    %add3A_463 = arith.addi %rem3A_449, %add3A_462 : vector<16xi32>
    %select_n3A_464 = arith.select %and3A_461, %add3A_463, %rem3A_449 : vector<16xi1>, vector<16xi32>
    %run_scoped3A = arith.constant 0 : i32
    "tpu.region"() ({
      %run_scoped3A_783 = tpu.sem_alloc : memref<!tpu.dma_semaphore, #tpu.memory_space<semaphore_mem>>
      %dma_start3A_784 = arith.constant 0 : i32
      %dma_start3A_785 = arith.constant 0 : i32
      %dma_start3A_786 = tpu.memref_slice %arg7[%run_scoped3A, %dma_start3A_784, %dma_start3A_785] : memref<2x2x128xi32, #tpu.memory_space<vmem>> -> memref<1x2x128xi32, #tpu.memory_space<vmem>>
      %dma_start3A_787 = tpu.memref_squeeze %dma_start3A_786 : memref<1x2x128xi32, #tpu.memory_space<vmem>> -> memref<2x128xi32, #tpu.memory_space<vmem>>
      %dma_start3A_788 = arith.constant 0 : i32
      %dma_start3A_789 = tpu.memref_slice %arg2[%dma_start3A_788, %mul3A_2] : memref<200x4096xi32, #tpu.memory_space<hbm>> -> memref<2x128xi32, #tpu.memory_space<hbm>>
      %dma_start3A_790 = arith.constant 0 : i32
      %dma_start3A_791 = arith.constant 0 : i32
      %dma_start3A_792 = tpu.memref_slice %arg7[%run_scoped3A, %dma_start3A_790, %dma_start3A_791] : memref<2x2x128xi32, #tpu.memory_space<vmem>> -> memref<1x2x128xi32, #tpu.memory_space<vmem>>
      %dma_start3A_793 = tpu.memref_squeeze %dma_start3A_792 : memref<1x2x128xi32, #tpu.memory_space<vmem>> -> memref<2x128xi32, #tpu.memory_space<vmem>>
      %dma_start3A_794 = arith.constant 0 : i32
      %dma_start3A_795 = tpu.memref_slice %arg2[%dma_start3A_794, %mul3A_2] : memref<200x4096xi32, #tpu.memory_space<hbm>> -> memref<2x128xi32, #tpu.memory_space<hbm>>
      tpu.enqueue_dma source(%dma_start3A_795 : memref<2x128xi32, #tpu.memory_space<hbm>>) target(%dma_start3A_793 : memref<2x128xi32, #tpu.memory_space<vmem>>) target_semaphore(%run_scoped3A_783 : memref<!tpu.dma_semaphore, #tpu.memory_space<semaphore_mem>>)
      %dma_wait3A_796 = arith.constant 0 : i32
      %dma_wait3A_797 = arith.constant 0 : i32
      %dma_wait3A_798 = tpu.memref_slice %arg7[%run_scoped3A, %dma_wait3A_796, %dma_wait3A_797] : memref<2x2x128xi32, #tpu.memory_space<vmem>> -> memref<1x2x128xi32, #tpu.memory_space<vmem>>
      %dma_wait3A_799 = tpu.memref_squeeze %dma_wait3A_798 : memref<1x2x128xi32, #tpu.memory_space<vmem>> -> memref<2x128xi32, #tpu.memory_space<vmem>>
      %dma_wait3A_800 = arith.constant 0 : i32
      %dma_wait3A_801 = tpu.memref_slice %arg2[%dma_wait3A_800, %mul3A_2] : memref<200x4096xi32, #tpu.memory_space<hbm>> -> memref<2x128xi32, #tpu.memory_space<hbm>>
      %dma_wait3A_802 = arith.constant 0 : i32
      %dma_wait3A_803 = arith.constant 0 : i32
      %dma_wait3A_804 = tpu.memref_slice %arg7[%run_scoped3A, %dma_wait3A_802, %dma_wait3A_803] : memref<2x2x128xi32, #tpu.memory_space<vmem>> -> memref<1x2x128xi32, #tpu.memory_space<vmem>>
      %dma_wait3A_805 = tpu.memref_squeeze %dma_wait3A_804 : memref<1x2x128xi32, #tpu.memory_space<vmem>> -> memref<2x128xi32, #tpu.memory_space<vmem>>
      %dma_wait3A_806 = arith.constant 0 : i32
      %dma_wait3A_807 = tpu.memref_slice %arg2[%dma_wait3A_806, %mul3A_2] : memref<200x4096xi32, #tpu.memory_space<hbm>> -> memref<2x128xi32, #tpu.memory_space<hbm>>
      tpu.wait_dma2 semaphore(%run_scoped3A_783 : memref<!tpu.dma_semaphore, #tpu.memory_space<semaphore_mem>>) src(%dma_wait3A_807 : memref<2x128xi32, #tpu.memory_space<hbm>>) dst(%dma_wait3A_805 : memref<2x128xi32, #tpu.memory_space<vmem>>)
      tpu.yield
    }) : () -> ()
    %run_scoped3A_465 = arith.constant 0 : i32
    "tpu.region"() ({
      %run_scoped3A_783 = tpu.sem_alloc : memref<!tpu.dma_semaphore, #tpu.memory_space<semaphore_mem>>
      %dma_start3A_784 = arith.constant 0 : i32
      %dma_start3A_785 = arith.constant 0 : i32
      %dma_start3A_786 = tpu.memref_slice %arg8[%run_scoped3A_465, %dma_start3A_784, %dma_start3A_785] : memref<2x2x128xi32, #tpu.memory_space<vmem>> -> memref<1x2x128xi32, #tpu.memory_space<vmem>>
      %dma_start3A_787 = tpu.memref_squeeze %dma_start3A_786 : memref<1x2x128xi32, #tpu.memory_space<vmem>> -> memref<2x128xi32, #tpu.memory_space<vmem>>
      %dma_start3A_788 = arith.constant 0 : i32
      %dma_start3A_789 = tpu.memref_slice %arg3[%dma_start3A_788, %mul3A_2] : memref<200x4096xi32, #tpu.memory_space<hbm>> -> memref<2x128xi32, #tpu.memory_space<hbm>>
      %dma_start3A_790 = arith.constant 0 : i32
      %dma_start3A_791 = arith.constant 0 : i32
      %dma_start3A_792 = tpu.memref_slice %arg8[%run_scoped3A_465, %dma_start3A_790, %dma_start3A_791] : memref<2x2x128xi32, #tpu.memory_space<vmem>> -> memref<1x2x128xi32, #tpu.memory_space<vmem>>
      %dma_start3A_793 = tpu.memref_squeeze %dma_start3A_792 : memref<1x2x128xi32, #tpu.memory_space<vmem>> -> memref<2x128xi32, #tpu.memory_space<vmem>>
      %dma_start3A_794 = arith.constant 0 : i32
      %dma_start3A_795 = tpu.memref_slice %arg3[%dma_start3A_794, %mul3A_2] : memref<200x4096xi32, #tpu.memory_space<hbm>> -> memref<2x128xi32, #tpu.memory_space<hbm>>
      tpu.enqueue_dma source(%dma_start3A_795 : memref<2x128xi32, #tpu.memory_space<hbm>>) target(%dma_start3A_793 : memref<2x128xi32, #tpu.memory_space<vmem>>) target_semaphore(%run_scoped3A_783 : memref<!tpu.dma_semaphore, #tpu.memory_space<semaphore_mem>>)
      %dma_wait3A_796 = arith.constant 0 : i32
      %dma_wait3A_797 = arith.constant 0 : i32
      %dma_wait3A_798 = tpu.memref_slice %arg8[%run_scoped3A_465, %dma_wait3A_796, %dma_wait3A_797] : memref<2x2x128xi32, #tpu.memory_space<vmem>> -> memref<1x2x128xi32, #tpu.memory_space<vmem>>
      %dma_wait3A_799 = tpu.memref_squeeze %dma_wait3A_798 : memref<1x2x128xi32, #tpu.memory_space<vmem>> -> memref<2x128xi32, #tpu.memory_space<vmem>>
      %dma_wait3A_800 = arith.constant 0 : i32
      %dma_wait3A_801 = tpu.memref_slice %arg3[%dma_wait3A_800, %mul3A_2] : memref<200x4096xi32, #tpu.memory_space<hbm>> -> memref<2x128xi32, #tpu.memory_space<hbm>>
      %dma_wait3A_802 = arith.constant 0 : i32
      %dma_wait3A_803 = arith.constant 0 : i32
      %dma_wait3A_804 = tpu.memref_slice %arg8[%run_scoped3A_465, %dma_wait3A_802, %dma_wait3A_803] : memref<2x2x128xi32, #tpu.memory_space<vmem>> -> memref<1x2x128xi32, #tpu.memory_space<vmem>>
      %dma_wait3A_805 = tpu.memref_squeeze %dma_wait3A_804 : memref<1x2x128xi32, #tpu.memory_space<vmem>> -> memref<2x128xi32, #tpu.memory_space<vmem>>
      %dma_wait3A_806 = arith.constant 0 : i32
      %dma_wait3A_807 = tpu.memref_slice %arg3[%dma_wait3A_806, %mul3A_2] : memref<200x4096xi32, #tpu.memory_space<hbm>> -> memref<2x128xi32, #tpu.memory_space<hbm>>
      tpu.wait_dma2 semaphore(%run_scoped3A_783 : memref<!tpu.dma_semaphore, #tpu.memory_space<semaphore_mem>>) src(%dma_wait3A_807 : memref<2x128xi32, #tpu.memory_space<hbm>>) dst(%dma_wait3A_805 : memref<2x128xi32, #tpu.memory_space<vmem>>)
      tpu.yield
    }) : () -> ()
    %dma_start3A = arith.constant 0 : i32
    %dma_start3A_466 = arith.constant 0 : i32
    %dma_start3A_467 = arith.constant 0 : i32
    %dma_start3A_468 = arith.constant 0 : i32
    %dma_start3A_469 = arith.constant 0 : i32
    %dma_start3A_470 = tpu.memref_slice %arg9[%dma_start3A_467, %dma_start3A_468, %dma_start3A_469] : memref<2x256x32xf32, #tpu.memory_space<vmem>> -> memref<1x128x32xf32, #tpu.memory_space<vmem>>
    %dma_start3A_471 = tpu.memref_squeeze %dma_start3A_470 : memref<1x128x32xf32, #tpu.memory_space<vmem>> -> memref<128x32xf32, #tpu.memory_space<vmem>>
    %dma_start3A_472 = arith.constant 0 : i32
    %dma_start3A_473 = tpu.memref_slice %arg7[%dma_start3A, %dma_start3A_466, %dma_start3A_472] : memref<2x2x128xi32, #tpu.memory_space<vmem>> -> memref<1x1x128xi32, #tpu.memory_space<vmem>>
    %dma_start3A_474 = tpu.memref_squeeze %dma_start3A_473 : memref<1x1x128xi32, #tpu.memory_space<vmem>> -> memref<128xi32, #tpu.memory_space<vmem>>
    %dma_start3A_475 = arith.constant 0 : i32
    %dma_start3A_476 = arith.constant 0 : i32
    %dma_start3A_477 = tpu.memref_slice %arg4[%dma_start3A_475, %dma_start3A_476] : memref<1000000x32xf32, #tpu.memory_space<hbm>> -> memref<1000000x32xf32, #tpu.memory_space<hbm>>
    tpu.enqueue_indirect_dma source(%dma_start3A_477 : memref<1000000x32xf32, #tpu.memory_space<hbm>>) target(%dma_start3A_471 : memref<128x32xf32, #tpu.memory_space<vmem>>) offsets(%dma_start3A_474 : memref<128xi32, #tpu.memory_space<vmem>>) semaphore(%arg12 : memref<!tpu.dma_semaphore, #tpu.memory_space<semaphore_mem>>)
    %dma_start3A_478 = arith.constant 0 : i32
    %dma_start3A_479 = arith.constant 0 : i32
    %dma_start3A_480 = arith.constant 0 : i32
    %dma_start3A_481 = arith.constant 0 : i32
    %dma_start3A_482 = arith.constant 0 : i32
    %dma_start3A_483 = tpu.memref_slice %arg10[%dma_start3A_480, %dma_start3A_481, %dma_start3A_482] : memref<2x256x32xf32, #tpu.memory_space<vmem>> -> memref<1x128x32xf32, #tpu.memory_space<vmem>>
    %dma_start3A_484 = tpu.memref_squeeze %dma_start3A_483 : memref<1x128x32xf32, #tpu.memory_space<vmem>> -> memref<128x32xf32, #tpu.memory_space<vmem>>
    %dma_start3A_485 = arith.constant 0 : i32
    %dma_start3A_486 = tpu.memref_slice %arg8[%dma_start3A_478, %dma_start3A_479, %dma_start3A_485] : memref<2x2x128xi32, #tpu.memory_space<vmem>> -> memref<1x1x128xi32, #tpu.memory_space<vmem>>
    %dma_start3A_487 = tpu.memref_squeeze %dma_start3A_486 : memref<1x1x128xi32, #tpu.memory_space<vmem>> -> memref<128xi32, #tpu.memory_space<vmem>>
    %dma_start3A_488 = arith.constant 0 : i32
    %dma_start3A_489 = arith.constant 0 : i32
    %dma_start3A_490 = tpu.memref_slice %arg5[%dma_start3A_488, %dma_start3A_489] : memref<100000x32xf32, #tpu.memory_space<hbm>> -> memref<100000x32xf32, #tpu.memory_space<hbm>>
    tpu.enqueue_indirect_dma source(%dma_start3A_490 : memref<100000x32xf32, #tpu.memory_space<hbm>>) target(%dma_start3A_484 : memref<128x32xf32, #tpu.memory_space<vmem>>) offsets(%dma_start3A_487 : memref<128xi32, #tpu.memory_space<vmem>>) semaphore(%arg14 : memref<!tpu.dma_semaphore, #tpu.memory_space<semaphore_mem>>)
    %dma_start3A_491 = arith.constant 0 : i32
    %dma_start3A_492 = arith.constant 1 : i32
    %dma_start3A_493 = arith.constant 0 : i32
    %dma_start3A_494 = arith.constant 128 : i32
    %dma_start3A_495 = arith.constant 0 : i32
    %dma_start3A_496 = tpu.memref_slice %arg9[%dma_start3A_493, %dma_start3A_494, %dma_start3A_495] : memref<2x256x32xf32, #tpu.memory_space<vmem>> -> memref<1x128x32xf32, #tpu.memory_space<vmem>>
    %dma_start3A_497 = tpu.memref_squeeze %dma_start3A_496 : memref<1x128x32xf32, #tpu.memory_space<vmem>> -> memref<128x32xf32, #tpu.memory_space<vmem>>
    %dma_start3A_498 = arith.constant 0 : i32
    %dma_start3A_499 = tpu.memref_slice %arg7[%dma_start3A_491, %dma_start3A_492, %dma_start3A_498] : memref<2x2x128xi32, #tpu.memory_space<vmem>> -> memref<1x1x128xi32, #tpu.memory_space<vmem>>
    %dma_start3A_500 = tpu.memref_squeeze %dma_start3A_499 : memref<1x1x128xi32, #tpu.memory_space<vmem>> -> memref<128xi32, #tpu.memory_space<vmem>>
    %dma_start3A_501 = arith.constant 0 : i32
    %dma_start3A_502 = arith.constant 0 : i32
    %dma_start3A_503 = tpu.memref_slice %arg4[%dma_start3A_501, %dma_start3A_502] : memref<1000000x32xf32, #tpu.memory_space<hbm>> -> memref<1000000x32xf32, #tpu.memory_space<hbm>>
    tpu.enqueue_indirect_dma source(%dma_start3A_503 : memref<1000000x32xf32, #tpu.memory_space<hbm>>) target(%dma_start3A_497 : memref<128x32xf32, #tpu.memory_space<vmem>>) offsets(%dma_start3A_500 : memref<128xi32, #tpu.memory_space<vmem>>) semaphore(%arg12 : memref<!tpu.dma_semaphore, #tpu.memory_space<semaphore_mem>>)
    %dma_start3A_504 = arith.constant 0 : i32
    %dma_start3A_505 = arith.constant 1 : i32
    %dma_start3A_506 = arith.constant 0 : i32
    %dma_start3A_507 = arith.constant 128 : i32
    %dma_start3A_508 = arith.constant 0 : i32
    %dma_start3A_509 = tpu.memref_slice %arg10[%dma_start3A_506, %dma_start3A_507, %dma_start3A_508] : memref<2x256x32xf32, #tpu.memory_space<vmem>> -> memref<1x128x32xf32, #tpu.memory_space<vmem>>
    %dma_start3A_510 = tpu.memref_squeeze %dma_start3A_509 : memref<1x128x32xf32, #tpu.memory_space<vmem>> -> memref<128x32xf32, #tpu.memory_space<vmem>>
    %dma_start3A_511 = arith.constant 0 : i32
    %dma_start3A_512 = tpu.memref_slice %arg8[%dma_start3A_504, %dma_start3A_505, %dma_start3A_511] : memref<2x2x128xi32, #tpu.memory_space<vmem>> -> memref<1x1x128xi32, #tpu.memory_space<vmem>>
    %dma_start3A_513 = tpu.memref_squeeze %dma_start3A_512 : memref<1x1x128xi32, #tpu.memory_space<vmem>> -> memref<128xi32, #tpu.memory_space<vmem>>
    %dma_start3A_514 = arith.constant 0 : i32
    %dma_start3A_515 = arith.constant 0 : i32
    %dma_start3A_516 = tpu.memref_slice %arg5[%dma_start3A_514, %dma_start3A_515] : memref<100000x32xf32, #tpu.memory_space<hbm>> -> memref<100000x32xf32, #tpu.memory_space<hbm>>
    tpu.enqueue_indirect_dma source(%dma_start3A_516 : memref<100000x32xf32, #tpu.memory_space<hbm>>) target(%dma_start3A_510 : memref<128x32xf32, #tpu.memory_space<vmem>>) offsets(%dma_start3A_513 : memref<128xi32, #tpu.memory_space<vmem>>) semaphore(%arg14 : memref<!tpu.dma_semaphore, #tpu.memory_space<semaphore_mem>>)
    %run_scoped3A_517 = arith.constant 1 : i32
    "tpu.region"() ({
      %run_scoped3A_783 = tpu.sem_alloc : memref<!tpu.dma_semaphore, #tpu.memory_space<semaphore_mem>>
      %dma_start3A_784 = arith.constant 0 : i32
      %dma_start3A_785 = arith.constant 0 : i32
      %dma_start3A_786 = tpu.memref_slice %arg7[%run_scoped3A_517, %dma_start3A_784, %dma_start3A_785] : memref<2x2x128xi32, #tpu.memory_space<vmem>> -> memref<1x2x128xi32, #tpu.memory_space<vmem>>
      %dma_start3A_787 = tpu.memref_squeeze %dma_start3A_786 : memref<1x2x128xi32, #tpu.memory_space<vmem>> -> memref<2x128xi32, #tpu.memory_space<vmem>>
      %dma_start3A_788 = arith.constant 2 : i32
      %dma_start3A_789 = tpu.memref_slice %arg2[%dma_start3A_788, %mul3A_2] : memref<200x4096xi32, #tpu.memory_space<hbm>> -> memref<2x128xi32, #tpu.memory_space<hbm>>
      %dma_start3A_790 = arith.constant 0 : i32
      %dma_start3A_791 = arith.constant 0 : i32
      %dma_start3A_792 = tpu.memref_slice %arg7[%run_scoped3A_517, %dma_start3A_790, %dma_start3A_791] : memref<2x2x128xi32, #tpu.memory_space<vmem>> -> memref<1x2x128xi32, #tpu.memory_space<vmem>>
      %dma_start3A_793 = tpu.memref_squeeze %dma_start3A_792 : memref<1x2x128xi32, #tpu.memory_space<vmem>> -> memref<2x128xi32, #tpu.memory_space<vmem>>
      %dma_start3A_794 = arith.constant 2 : i32
      %dma_start3A_795 = tpu.memref_slice %arg2[%dma_start3A_794, %mul3A_2] : memref<200x4096xi32, #tpu.memory_space<hbm>> -> memref<2x128xi32, #tpu.memory_space<hbm>>
      tpu.enqueue_dma source(%dma_start3A_795 : memref<2x128xi32, #tpu.memory_space<hbm>>) target(%dma_start3A_793 : memref<2x128xi32, #tpu.memory_space<vmem>>) target_semaphore(%run_scoped3A_783 : memref<!tpu.dma_semaphore, #tpu.memory_space<semaphore_mem>>)
      %dma_wait3A_796 = arith.constant 0 : i32
      %dma_wait3A_797 = arith.constant 0 : i32
      %dma_wait3A_798 = tpu.memref_slice %arg7[%run_scoped3A_517, %dma_wait3A_796, %dma_wait3A_797] : memref<2x2x128xi32, #tpu.memory_space<vmem>> -> memref<1x2x128xi32, #tpu.memory_space<vmem>>
      %dma_wait3A_799 = tpu.memref_squeeze %dma_wait3A_798 : memref<1x2x128xi32, #tpu.memory_space<vmem>> -> memref<2x128xi32, #tpu.memory_space<vmem>>
      %dma_wait3A_800 = arith.constant 2 : i32
      %dma_wait3A_801 = tpu.memref_slice %arg2[%dma_wait3A_800, %mul3A_2] : memref<200x4096xi32, #tpu.memory_space<hbm>> -> memref<2x128xi32, #tpu.memory_space<hbm>>
      %dma_wait3A_802 = arith.constant 0 : i32
      %dma_wait3A_803 = arith.constant 0 : i32
      %dma_wait3A_804 = tpu.memref_slice %arg7[%run_scoped3A_517, %dma_wait3A_802, %dma_wait3A_803] : memref<2x2x128xi32, #tpu.memory_space<vmem>> -> memref<1x2x128xi32, #tpu.memory_space<vmem>>
      %dma_wait3A_805 = tpu.memref_squeeze %dma_wait3A_804 : memref<1x2x128xi32, #tpu.memory_space<vmem>> -> memref<2x128xi32, #tpu.memory_space<vmem>>
      %dma_wait3A_806 = arith.constant 2 : i32
      %dma_wait3A_807 = tpu.memref_slice %arg2[%dma_wait3A_806, %mul3A_2] : memref<200x4096xi32, #tpu.memory_space<hbm>> -> memref<2x128xi32, #tpu.memory_space<hbm>>
      tpu.wait_dma2 semaphore(%run_scoped3A_783 : memref<!tpu.dma_semaphore, #tpu.memory_space<semaphore_mem>>) src(%dma_wait3A_807 : memref<2x128xi32, #tpu.memory_space<hbm>>) dst(%dma_wait3A_805 : memref<2x128xi32, #tpu.memory_space<vmem>>)
      tpu.yield
    }) : () -> ()
    %run_scoped3A_518 = arith.constant 1 : i32
    "tpu.region"() ({
      %run_scoped3A_783 = tpu.sem_alloc : memref<!tpu.dma_semaphore, #tpu.memory_space<semaphore_mem>>
      %dma_start3A_784 = arith.constant 0 : i32
      %dma_start3A_785 = arith.constant 0 : i32
      %dma_start3A_786 = tpu.memref_slice %arg8[%run_scoped3A_518, %dma_start3A_784, %dma_start3A_785] : memref<2x2x128xi32, #tpu.memory_space<vmem>> -> memref<1x2x128xi32, #tpu.memory_space<vmem>>
      %dma_start3A_787 = tpu.memref_squeeze %dma_start3A_786 : memref<1x2x128xi32, #tpu.memory_space<vmem>> -> memref<2x128xi32, #tpu.memory_space<vmem>>
      %dma_start3A_788 = arith.constant 2 : i32
      %dma_start3A_789 = tpu.memref_slice %arg3[%dma_start3A_788, %mul3A_2] : memref<200x4096xi32, #tpu.memory_space<hbm>> -> memref<2x128xi32, #tpu.memory_space<hbm>>
      %dma_start3A_790 = arith.constant 0 : i32
      %dma_start3A_791 = arith.constant 0 : i32
      %dma_start3A_792 = tpu.memref_slice %arg8[%run_scoped3A_518, %dma_start3A_790, %dma_start3A_791] : memref<2x2x128xi32, #tpu.memory_space<vmem>> -> memref<1x2x128xi32, #tpu.memory_space<vmem>>
      %dma_start3A_793 = tpu.memref_squeeze %dma_start3A_792 : memref<1x2x128xi32, #tpu.memory_space<vmem>> -> memref<2x128xi32, #tpu.memory_space<vmem>>
      %dma_start3A_794 = arith.constant 2 : i32
      %dma_start3A_795 = tpu.memref_slice %arg3[%dma_start3A_794, %mul3A_2] : memref<200x4096xi32, #tpu.memory_space<hbm>> -> memref<2x128xi32, #tpu.memory_space<hbm>>
      tpu.enqueue_dma source(%dma_start3A_795 : memref<2x128xi32, #tpu.memory_space<hbm>>) target(%dma_start3A_793 : memref<2x128xi32, #tpu.memory_space<vmem>>) target_semaphore(%run_scoped3A_783 : memref<!tpu.dma_semaphore, #tpu.memory_space<semaphore_mem>>)
      %dma_wait3A_796 = arith.constant 0 : i32
      %dma_wait3A_797 = arith.constant 0 : i32
      %dma_wait3A_798 = tpu.memref_slice %arg8[%run_scoped3A_518, %dma_wait3A_796, %dma_wait3A_797] : memref<2x2x128xi32, #tpu.memory_space<vmem>> -> memref<1x2x128xi32, #tpu.memory_space<vmem>>
      %dma_wait3A_799 = tpu.memref_squeeze %dma_wait3A_798 : memref<1x2x128xi32, #tpu.memory_space<vmem>> -> memref<2x128xi32, #tpu.memory_space<vmem>>
      %dma_wait3A_800 = arith.constant 2 : i32
      %dma_wait3A_801 = tpu.memref_slice %arg3[%dma_wait3A_800, %mul3A_2] : memref<200x4096xi32, #tpu.memory_space<hbm>> -> memref<2x128xi32, #tpu.memory_space<hbm>>
      %dma_wait3A_802 = arith.constant 0 : i32
      %dma_wait3A_803 = arith.constant 0 : i32
      %dma_wait3A_804 = tpu.memref_slice %arg8[%run_scoped3A_518, %dma_wait3A_802, %dma_wait3A_803] : memref<2x2x128xi32, #tpu.memory_space<vmem>> -> memref<1x2x128xi32, #tpu.memory_space<vmem>>
      %dma_wait3A_805 = tpu.memref_squeeze %dma_wait3A_804 : memref<1x2x128xi32, #tpu.memory_space<vmem>> -> memref<2x128xi32, #tpu.memory_space<vmem>>
      %dma_wait3A_806 = arith.constant 2 : i32
      %dma_wait3A_807 = tpu.memref_slice %arg3[%dma_wait3A_806, %mul3A_2] : memref<200x4096xi32, #tpu.memory_space<hbm>> -> memref<2x128xi32, #tpu.memory_space<hbm>>
      tpu.wait_dma2 semaphore(%run_scoped3A_783 : memref<!tpu.dma_semaphore, #tpu.memory_space<semaphore_mem>>) src(%dma_wait3A_807 : memref<2x128xi32, #tpu.memory_space<hbm>>) dst(%dma_wait3A_805 : memref<2x128xi32, #tpu.memory_space<vmem>>)
      tpu.yield
    }) : () -> ()
    %dma_start3A_519 = arith.constant 1 : i32
    %dma_start3A_520 = arith.constant 0 : i32
    %dma_start3A_521 = arith.constant 1 : i32
    %dma_start3A_522 = arith.constant 0 : i32
    %dma_start3A_523 = arith.constant 0 : i32
    %dma_start3A_524 = tpu.memref_slice %arg9[%dma_start3A_521, %dma_start3A_522, %dma_start3A_523] : memref<2x256x32xf32, #tpu.memory_space<vmem>> -> memref<1x128x32xf32, #tpu.memory_space<vmem>>
    %dma_start3A_525 = tpu.memref_squeeze %dma_start3A_524 : memref<1x128x32xf32, #tpu.memory_space<vmem>> -> memref<128x32xf32, #tpu.memory_space<vmem>>
    %dma_start3A_526 = arith.constant 0 : i32
    %dma_start3A_527 = tpu.memref_slice %arg7[%dma_start3A_519, %dma_start3A_520, %dma_start3A_526] : memref<2x2x128xi32, #tpu.memory_space<vmem>> -> memref<1x1x128xi32, #tpu.memory_space<vmem>>
    %dma_start3A_528 = tpu.memref_squeeze %dma_start3A_527 : memref<1x1x128xi32, #tpu.memory_space<vmem>> -> memref<128xi32, #tpu.memory_space<vmem>>
    %dma_start3A_529 = arith.constant 0 : i32
    %dma_start3A_530 = arith.constant 0 : i32
    %dma_start3A_531 = tpu.memref_slice %arg4[%dma_start3A_529, %dma_start3A_530] : memref<1000000x32xf32, #tpu.memory_space<hbm>> -> memref<1000000x32xf32, #tpu.memory_space<hbm>>
    tpu.enqueue_indirect_dma source(%dma_start3A_531 : memref<1000000x32xf32, #tpu.memory_space<hbm>>) target(%dma_start3A_525 : memref<128x32xf32, #tpu.memory_space<vmem>>) offsets(%dma_start3A_528 : memref<128xi32, #tpu.memory_space<vmem>>) semaphore(%arg13 : memref<!tpu.dma_semaphore, #tpu.memory_space<semaphore_mem>>)
    %dma_start3A_532 = arith.constant 1 : i32
    %dma_start3A_533 = arith.constant 0 : i32
    %dma_start3A_534 = arith.constant 1 : i32
    %dma_start3A_535 = arith.constant 0 : i32
    %dma_start3A_536 = arith.constant 0 : i32
    %dma_start3A_537 = tpu.memref_slice %arg10[%dma_start3A_534, %dma_start3A_535, %dma_start3A_536] : memref<2x256x32xf32, #tpu.memory_space<vmem>> -> memref<1x128x32xf32, #tpu.memory_space<vmem>>
    %dma_start3A_538 = tpu.memref_squeeze %dma_start3A_537 : memref<1x128x32xf32, #tpu.memory_space<vmem>> -> memref<128x32xf32, #tpu.memory_space<vmem>>
    %dma_start3A_539 = arith.constant 0 : i32
    %dma_start3A_540 = tpu.memref_slice %arg8[%dma_start3A_532, %dma_start3A_533, %dma_start3A_539] : memref<2x2x128xi32, #tpu.memory_space<vmem>> -> memref<1x1x128xi32, #tpu.memory_space<vmem>>
    %dma_start3A_541 = tpu.memref_squeeze %dma_start3A_540 : memref<1x1x128xi32, #tpu.memory_space<vmem>> -> memref<128xi32, #tpu.memory_space<vmem>>
    %dma_start3A_542 = arith.constant 0 : i32
    %dma_start3A_543 = arith.constant 0 : i32
    %dma_start3A_544 = tpu.memref_slice %arg5[%dma_start3A_542, %dma_start3A_543] : memref<100000x32xf32, #tpu.memory_space<hbm>> -> memref<100000x32xf32, #tpu.memory_space<hbm>>
    tpu.enqueue_indirect_dma source(%dma_start3A_544 : memref<100000x32xf32, #tpu.memory_space<hbm>>) target(%dma_start3A_538 : memref<128x32xf32, #tpu.memory_space<vmem>>) offsets(%dma_start3A_541 : memref<128xi32, #tpu.memory_space<vmem>>) semaphore(%arg15 : memref<!tpu.dma_semaphore, #tpu.memory_space<semaphore_mem>>)
    %dma_start3A_545 = arith.constant 1 : i32
    %dma_start3A_546 = arith.constant 1 : i32
    %dma_start3A_547 = arith.constant 1 : i32
    %dma_start3A_548 = arith.constant 128 : i32
    %dma_start3A_549 = arith.constant 0 : i32
    %dma_start3A_550 = tpu.memref_slice %arg9[%dma_start3A_547, %dma_start3A_548, %dma_start3A_549] : memref<2x256x32xf32, #tpu.memory_space<vmem>> -> memref<1x128x32xf32, #tpu.memory_space<vmem>>
    %dma_start3A_551 = tpu.memref_squeeze %dma_start3A_550 : memref<1x128x32xf32, #tpu.memory_space<vmem>> -> memref<128x32xf32, #tpu.memory_space<vmem>>
    %dma_start3A_552 = arith.constant 0 : i32
    %dma_start3A_553 = tpu.memref_slice %arg7[%dma_start3A_545, %dma_start3A_546, %dma_start3A_552] : memref<2x2x128xi32, #tpu.memory_space<vmem>> -> memref<1x1x128xi32, #tpu.memory_space<vmem>>
    %dma_start3A_554 = tpu.memref_squeeze %dma_start3A_553 : memref<1x1x128xi32, #tpu.memory_space<vmem>> -> memref<128xi32, #tpu.memory_space<vmem>>
    %dma_start3A_555 = arith.constant 0 : i32
    %dma_start3A_556 = arith.constant 0 : i32
    %dma_start3A_557 = tpu.memref_slice %arg4[%dma_start3A_555, %dma_start3A_556] : memref<1000000x32xf32, #tpu.memory_space<hbm>> -> memref<1000000x32xf32, #tpu.memory_space<hbm>>
    tpu.enqueue_indirect_dma source(%dma_start3A_557 : memref<1000000x32xf32, #tpu.memory_space<hbm>>) target(%dma_start3A_551 : memref<128x32xf32, #tpu.memory_space<vmem>>) offsets(%dma_start3A_554 : memref<128xi32, #tpu.memory_space<vmem>>) semaphore(%arg13 : memref<!tpu.dma_semaphore, #tpu.memory_space<semaphore_mem>>)
    %dma_start3A_558 = arith.constant 1 : i32
    %dma_start3A_559 = arith.constant 1 : i32
    %dma_start3A_560 = arith.constant 1 : i32
    %dma_start3A_561 = arith.constant 128 : i32
    %dma_start3A_562 = arith.constant 0 : i32
    %dma_start3A_563 = tpu.memref_slice %arg10[%dma_start3A_560, %dma_start3A_561, %dma_start3A_562] : memref<2x256x32xf32, #tpu.memory_space<vmem>> -> memref<1x128x32xf32, #tpu.memory_space<vmem>>
    %dma_start3A_564 = tpu.memref_squeeze %dma_start3A_563 : memref<1x128x32xf32, #tpu.memory_space<vmem>> -> memref<128x32xf32, #tpu.memory_space<vmem>>
    %dma_start3A_565 = arith.constant 0 : i32
    %dma_start3A_566 = tpu.memref_slice %arg8[%dma_start3A_558, %dma_start3A_559, %dma_start3A_565] : memref<2x2x128xi32, #tpu.memory_space<vmem>> -> memref<1x1x128xi32, #tpu.memory_space<vmem>>
    %dma_start3A_567 = tpu.memref_squeeze %dma_start3A_566 : memref<1x1x128xi32, #tpu.memory_space<vmem>> -> memref<128xi32, #tpu.memory_space<vmem>>
    %dma_start3A_568 = arith.constant 0 : i32
    %dma_start3A_569 = arith.constant 0 : i32
    %dma_start3A_570 = tpu.memref_slice %arg5[%dma_start3A_568, %dma_start3A_569] : memref<100000x32xf32, #tpu.memory_space<hbm>> -> memref<100000x32xf32, #tpu.memory_space<hbm>>
    tpu.enqueue_indirect_dma source(%dma_start3A_570 : memref<100000x32xf32, #tpu.memory_space<hbm>>) target(%dma_start3A_564 : memref<128x32xf32, #tpu.memory_space<vmem>>) offsets(%dma_start3A_567 : memref<128xi32, #tpu.memory_space<vmem>>) semaphore(%arg15 : memref<!tpu.dma_semaphore, #tpu.memory_space<semaphore_mem>>)
    %scan3A = arith.constant 0 : i32
    %scan3A_571 = arith.constant 0 : i32
    %scan3A_572 = arith.constant 50 : i32
    %scan3A_573 = arith.addi %scan3A_571, %scan3A_572 : i32
    %scan3A_574 = arith.constant 1 : i32
    scf.for %scan3A_783 = %scan3A_571 to %scan3A_573 step %scan3A_574  : i32 {
      %mul3A_784 = arith.constant 2 : i32
      %mul3A_785 = arith.muli %mul3A_784, %scan3A_783 : i32
      %add3A_786 = arith.constant 0 : i32
      %add3A_787 = arith.addi %mul3A_785, %add3A_786 : i32
      %dma_wait3A_788 = arith.constant 0 : i32
      %dma_wait3A_789 = arith.constant 0 : i32
      %dma_wait3A_790 = arith.constant 0 : i32
      %dma_wait3A_791 = tpu.memref_slice %arg9[%dma_wait3A_788, %dma_wait3A_789, %dma_wait3A_790] : memref<2x256x32xf32, #tpu.memory_space<vmem>> -> memref<1x128x32xf32, #tpu.memory_space<vmem>>
      %dma_wait3A_792 = tpu.memref_squeeze %dma_wait3A_791 : memref<1x128x32xf32, #tpu.memory_space<vmem>> -> memref<128x32xf32, #tpu.memory_space<vmem>>
      %dma_wait3A_793 = arith.constant 0 : i32
      %dma_wait3A_794 = arith.constant 0 : i32
      %dma_wait3A_795 = tpu.memref_slice %arg4[%dma_wait3A_793, %dma_wait3A_794] : memref<1000000x32xf32, #tpu.memory_space<hbm>> -> memref<128x32xf32, #tpu.memory_space<hbm>>
      %dma_wait3A_796 = arith.constant 0 : i32
      %dma_wait3A_797 = arith.constant 0 : i32
      %dma_wait3A_798 = tpu.memref_slice %arg9[%dma_wait3A_788, %dma_wait3A_796, %dma_wait3A_797] : memref<2x256x32xf32, #tpu.memory_space<vmem>> -> memref<1x128x32xf32, #tpu.memory_space<vmem>>
      %dma_wait3A_799 = tpu.memref_squeeze %dma_wait3A_798 : memref<1x128x32xf32, #tpu.memory_space<vmem>> -> memref<128x32xf32, #tpu.memory_space<vmem>>
      %dma_wait3A_800 = arith.constant 0 : i32
      %dma_wait3A_801 = arith.constant 0 : i32
      %dma_wait3A_802 = tpu.memref_slice %arg4[%dma_wait3A_800, %dma_wait3A_801] : memref<1000000x32xf32, #tpu.memory_space<hbm>> -> memref<128x32xf32, #tpu.memory_space<hbm>>
      tpu.wait_dma2 semaphore(%arg12 : memref<!tpu.dma_semaphore, #tpu.memory_space<semaphore_mem>>) src(%dma_wait3A_802 : memref<128x32xf32, #tpu.memory_space<hbm>>) dst(%dma_wait3A_799 : memref<128x32xf32, #tpu.memory_space<vmem>>)
      %dma_wait3A_803 = arith.constant 0 : i32
      %dma_wait3A_804 = arith.constant 0 : i32
      %dma_wait3A_805 = arith.constant 0 : i32
      %dma_wait3A_806 = tpu.memref_slice %arg10[%dma_wait3A_803, %dma_wait3A_804, %dma_wait3A_805] : memref<2x256x32xf32, #tpu.memory_space<vmem>> -> memref<1x128x32xf32, #tpu.memory_space<vmem>>
      %dma_wait3A_807 = tpu.memref_squeeze %dma_wait3A_806 : memref<1x128x32xf32, #tpu.memory_space<vmem>> -> memref<128x32xf32, #tpu.memory_space<vmem>>
      %dma_wait3A_808 = arith.constant 0 : i32
      %dma_wait3A_809 = arith.constant 0 : i32
      %dma_wait3A_810 = tpu.memref_slice %arg5[%dma_wait3A_808, %dma_wait3A_809] : memref<100000x32xf32, #tpu.memory_space<hbm>> -> memref<128x32xf32, #tpu.memory_space<hbm>>
      %dma_wait3A_811 = arith.constant 0 : i32
      %dma_wait3A_812 = arith.constant 0 : i32
      %dma_wait3A_813 = tpu.memref_slice %arg10[%dma_wait3A_803, %dma_wait3A_811, %dma_wait3A_812] : memref<2x256x32xf32, #tpu.memory_space<vmem>> -> memref<1x128x32xf32, #tpu.memory_space<vmem>>
      %dma_wait3A_814 = tpu.memref_squeeze %dma_wait3A_813 : memref<1x128x32xf32, #tpu.memory_space<vmem>> -> memref<128x32xf32, #tpu.memory_space<vmem>>
      %dma_wait3A_815 = arith.constant 0 : i32
      %dma_wait3A_816 = arith.constant 0 : i32
      %dma_wait3A_817 = tpu.memref_slice %arg5[%dma_wait3A_815, %dma_wait3A_816] : memref<100000x32xf32, #tpu.memory_space<hbm>> -> memref<128x32xf32, #tpu.memory_space<hbm>>
      tpu.wait_dma2 semaphore(%arg14 : memref<!tpu.dma_semaphore, #tpu.memory_space<semaphore_mem>>) src(%dma_wait3A_817 : memref<128x32xf32, #tpu.memory_space<hbm>>) dst(%dma_wait3A_814 : memref<128x32xf32, #tpu.memory_space<vmem>>)
      %dma_wait3A_818 = arith.constant 0 : i32
      %dma_wait3A_819 = arith.constant 128 : i32
      %dma_wait3A_820 = arith.constant 0 : i32
      %dma_wait3A_821 = tpu.memref_slice %arg9[%dma_wait3A_818, %dma_wait3A_819, %dma_wait3A_820] : memref<2x256x32xf32, #tpu.memory_space<vmem>> -> memref<1x128x32xf32, #tpu.memory_space<vmem>>
      %dma_wait3A_822 = tpu.memref_squeeze %dma_wait3A_821 : memref<1x128x32xf32, #tpu.memory_space<vmem>> -> memref<128x32xf32, #tpu.memory_space<vmem>>
      %dma_wait3A_823 = arith.constant 0 : i32
      %dma_wait3A_824 = arith.constant 0 : i32
      %dma_wait3A_825 = tpu.memref_slice %arg4[%dma_wait3A_823, %dma_wait3A_824] : memref<1000000x32xf32, #tpu.memory_space<hbm>> -> memref<128x32xf32, #tpu.memory_space<hbm>>
      %dma_wait3A_826 = arith.constant 128 : i32
      %dma_wait3A_827 = arith.constant 0 : i32
      %dma_wait3A_828 = tpu.memref_slice %arg9[%dma_wait3A_818, %dma_wait3A_826, %dma_wait3A_827] : memref<2x256x32xf32, #tpu.memory_space<vmem>> -> memref<1x128x32xf32, #tpu.memory_space<vmem>>
      %dma_wait3A_829 = tpu.memref_squeeze %dma_wait3A_828 : memref<1x128x32xf32, #tpu.memory_space<vmem>> -> memref<128x32xf32, #tpu.memory_space<vmem>>
      %dma_wait3A_830 = arith.constant 0 : i32
      %dma_wait3A_831 = arith.constant 0 : i32
      %dma_wait3A_832 = tpu.memref_slice %arg4[%dma_wait3A_830, %dma_wait3A_831] : memref<1000000x32xf32, #tpu.memory_space<hbm>> -> memref<128x32xf32, #tpu.memory_space<hbm>>
      tpu.wait_dma2 semaphore(%arg12 : memref<!tpu.dma_semaphore, #tpu.memory_space<semaphore_mem>>) src(%dma_wait3A_832 : memref<128x32xf32, #tpu.memory_space<hbm>>) dst(%dma_wait3A_829 : memref<128x32xf32, #tpu.memory_space<vmem>>)
      %dma_wait3A_833 = arith.constant 0 : i32
      %dma_wait3A_834 = arith.constant 128 : i32
      %dma_wait3A_835 = arith.constant 0 : i32
      %dma_wait3A_836 = tpu.memref_slice %arg10[%dma_wait3A_833, %dma_wait3A_834, %dma_wait3A_835] : memref<2x256x32xf32, #tpu.memory_space<vmem>> -> memref<1x128x32xf32, #tpu.memory_space<vmem>>
      %dma_wait3A_837 = tpu.memref_squeeze %dma_wait3A_836 : memref<1x128x32xf32, #tpu.memory_space<vmem>> -> memref<128x32xf32, #tpu.memory_space<vmem>>
      %dma_wait3A_838 = arith.constant 0 : i32
      %dma_wait3A_839 = arith.constant 0 : i32
      %dma_wait3A_840 = tpu.memref_slice %arg5[%dma_wait3A_838, %dma_wait3A_839] : memref<100000x32xf32, #tpu.memory_space<hbm>> -> memref<128x32xf32, #tpu.memory_space<hbm>>
      %dma_wait3A_841 = arith.constant 128 : i32
      %dma_wait3A_842 = arith.constant 0 : i32
      %dma_wait3A_843 = tpu.memref_slice %arg10[%dma_wait3A_833, %dma_wait3A_841, %dma_wait3A_842] : memref<2x256x32xf32, #tpu.memory_space<vmem>> -> memref<1x128x32xf32, #tpu.memory_space<vmem>>
      %dma_wait3A_844 = tpu.memref_squeeze %dma_wait3A_843 : memref<1x128x32xf32, #tpu.memory_space<vmem>> -> memref<128x32xf32, #tpu.memory_space<vmem>>
      %dma_wait3A_845 = arith.constant 0 : i32
      %dma_wait3A_846 = arith.constant 0 : i32
      %dma_wait3A_847 = tpu.memref_slice %arg5[%dma_wait3A_845, %dma_wait3A_846] : memref<100000x32xf32, #tpu.memory_space<hbm>> -> memref<128x32xf32, #tpu.memory_space<hbm>>
      tpu.wait_dma2 semaphore(%arg14 : memref<!tpu.dma_semaphore, #tpu.memory_space<semaphore_mem>>) src(%dma_wait3A_847 : memref<128x32xf32, #tpu.memory_space<hbm>>) dst(%dma_wait3A_844 : memref<128x32xf32, #tpu.memory_space<vmem>>)
      %ge3A = arith.constant 2 : i32
      %ge3A_848 = arith.cmpi sge, %add3A_787, %ge3A : i32
      %convert_element_type3A = arith.extui %ge3A_848 : i1 to i32
      %cond3A = arith.constant 0 : i32
      %cond3A_849 = arith.cmpi ne, %convert_element_type3A, %cond3A : i32
      scf.if %cond3A_849 {
        %dma_wait3A_1143 = arith.constant 0 : i32
        %dma_wait3A_1144 = arith.constant 0 : i32
        %dma_wait3A_1145 = arith.constant 0 : i32
        %dma_wait3A_1146 = arith.constant 0 : i32
        %dma_wait3A_1147 = arith.constant 0 : i32
        %dma_wait3A_1148 = tpu.memref_slice %arg11[%dma_wait3A_1143, %dma_wait3A_1145, %dma_wait3A_1146, %dma_wait3A_1147] : memref<2x16x8x128xf32, #tpu.memory_space<vmem>> -> memref<1x8x8x128xf32, #tpu.memory_space<vmem>>
        %dma_wait3A_1149 = tpu.memref_squeeze %dma_wait3A_1148 : memref<1x8x8x128xf32, #tpu.memory_space<vmem>> -> memref<8x8x128xf32, #tpu.memory_space<vmem>>
        %dma_wait3A_1150 = arith.constant 0 : i32
        %dma_wait3A_1151 = arith.constant 0 : i32
        %dma_wait3A_1152 = arith.constant 0 : i32
        %dma_wait3A_1153 = tpu.memref_slice %arg6[%dma_wait3A_1144, %dma_wait3A_1150, %add3A, %dma_wait3A_1151, %dma_wait3A_1152] : memref<200x8x32x8x128xf32, #tpu.memory_space<hbm>> -> memref<1x8x1x8x128xf32, #tpu.memory_space<hbm>>
        %dma_wait3A_1154 = tpu.memref_squeeze %dma_wait3A_1153 : memref<1x8x1x8x128xf32, #tpu.memory_space<hbm>> -> memref<8x8x128xf32, #tpu.memory_space<hbm>>
        %dma_wait3A_1155 = arith.constant 0 : i32
        %dma_wait3A_1156 = arith.constant 0 : i32
        %dma_wait3A_1157 = arith.constant 0 : i32
        %dma_wait3A_1158 = tpu.memref_slice %arg6[%dma_wait3A_1144, %dma_wait3A_1155, %add3A, %dma_wait3A_1156, %dma_wait3A_1157] : memref<200x8x32x8x128xf32, #tpu.memory_space<hbm>> -> memref<1x8x1x8x128xf32, #tpu.memory_space<hbm>>
        %dma_wait3A_1159 = tpu.memref_squeeze %dma_wait3A_1158 : memref<1x8x1x8x128xf32, #tpu.memory_space<hbm>> -> memref<8x8x128xf32, #tpu.memory_space<hbm>>
        %dma_wait3A_1160 = arith.constant 0 : i32
        %dma_wait3A_1161 = arith.constant 0 : i32
        %dma_wait3A_1162 = arith.constant 0 : i32
        %dma_wait3A_1163 = tpu.memref_slice %arg11[%dma_wait3A_1143, %dma_wait3A_1160, %dma_wait3A_1161, %dma_wait3A_1162] : memref<2x16x8x128xf32, #tpu.memory_space<vmem>> -> memref<1x8x8x128xf32, #tpu.memory_space<vmem>>
        %dma_wait3A_1164 = tpu.memref_squeeze %dma_wait3A_1163 : memref<1x8x8x128xf32, #tpu.memory_space<vmem>> -> memref<8x8x128xf32, #tpu.memory_space<vmem>>
        tpu.wait_dma2 semaphore(%arg16 : memref<!tpu.dma_semaphore, #tpu.memory_space<semaphore_mem>>) src(%dma_wait3A_1164 : memref<8x8x128xf32, #tpu.memory_space<vmem>>) dst(%dma_wait3A_1159 : memref<8x8x128xf32, #tpu.memory_space<hbm>>)
        %dma_wait3A_1165 = arith.constant 0 : i32
        %dma_wait3A_1166 = arith.constant 0 : i32
        %dma_wait3A_1167 = arith.constant 8 : i32
        %dma_wait3A_1168 = arith.constant 0 : i32
        %dma_wait3A_1169 = arith.constant 0 : i32
        %dma_wait3A_1170 = tpu.memref_slice %arg11[%dma_wait3A_1165, %dma_wait3A_1167, %dma_wait3A_1168, %dma_wait3A_1169] : memref<2x16x8x128xf32, #tpu.memory_space<vmem>> -> memref<1x8x8x128xf32, #tpu.memory_space<vmem>>
        %dma_wait3A_1171 = tpu.memref_squeeze %dma_wait3A_1170 : memref<1x8x8x128xf32, #tpu.memory_space<vmem>> -> memref<8x8x128xf32, #tpu.memory_space<vmem>>
        %dma_wait3A_1172 = arith.constant 0 : i32
        %dma_wait3A_1173 = arith.constant 0 : i32
        %dma_wait3A_1174 = arith.constant 0 : i32
        %dma_wait3A_1175 = tpu.memref_slice %arg6[%dma_wait3A_1166, %dma_wait3A_1172, %add3A, %dma_wait3A_1173, %dma_wait3A_1174] : memref<200x8x32x8x128xf32, #tpu.memory_space<hbm>> -> memref<1x8x1x8x128xf32, #tpu.memory_space<hbm>>
        %dma_wait3A_1176 = tpu.memref_squeeze %dma_wait3A_1175 : memref<1x8x1x8x128xf32, #tpu.memory_space<hbm>> -> memref<8x8x128xf32, #tpu.memory_space<hbm>>
        %dma_wait3A_1177 = arith.constant 0 : i32
        %dma_wait3A_1178 = arith.constant 0 : i32
        %dma_wait3A_1179 = arith.constant 0 : i32
        %dma_wait3A_1180 = tpu.memref_slice %arg6[%dma_wait3A_1166, %dma_wait3A_1177, %add3A, %dma_wait3A_1178, %dma_wait3A_1179] : memref<200x8x32x8x128xf32, #tpu.memory_space<hbm>> -> memref<1x8x1x8x128xf32, #tpu.memory_space<hbm>>
        %dma_wait3A_1181 = tpu.memref_squeeze %dma_wait3A_1180 : memref<1x8x1x8x128xf32, #tpu.memory_space<hbm>> -> memref<8x8x128xf32, #tpu.memory_space<hbm>>
        %dma_wait3A_1182 = arith.constant 8 : i32
        %dma_wait3A_1183 = arith.constant 0 : i32
        %dma_wait3A_1184 = arith.constant 0 : i32
        %dma_wait3A_1185 = tpu.memref_slice %arg11[%dma_wait3A_1165, %dma_wait3A_1182, %dma_wait3A_1183, %dma_wait3A_1184] : memref<2x16x8x128xf32, #tpu.memory_space<vmem>> -> memref<1x8x8x128xf32, #tpu.memory_space<vmem>>
        %dma_wait3A_1186 = tpu.memref_squeeze %dma_wait3A_1185 : memref<1x8x8x128xf32, #tpu.memory_space<vmem>> -> memref<8x8x128xf32, #tpu.memory_space<vmem>>
        tpu.wait_dma2 semaphore(%arg16 : memref<!tpu.dma_semaphore, #tpu.memory_space<semaphore_mem>>) src(%dma_wait3A_1186 : memref<8x8x128xf32, #tpu.memory_space<vmem>>) dst(%dma_wait3A_1181 : memref<8x8x128xf32, #tpu.memory_space<hbm>>)
      } else {
      }
      %parallel_loop3A = arith.constant 0 : i32
      %parallel_loop3A_850 = arith.constant 128 : i32
      %parallel_loop3A_851 = arith.constant 1 : i32
      scf.for %parallel_loop3A_1143 = %parallel_loop3A to %parallel_loop3A_850 step %parallel_loop3A_851  : i32 {
        %parallel_loop3A_1144 = vector.broadcast %parallel_loop3A_1143 : i32 to vector<16xi32>
        %parallel_loop3A_1145 = arith.constant 0 : i32
        %parallel_loop3A_1146 = arith.addi %parallel_loop3A_1145, %parallel_loop3A_1143 : i32
        %parallel_loop3A_1147 = arith.constant 0 : i32
        %parallel_loop3A_1148 = arith.index_cast %parallel_loop3A_1147 : i32 to index
        %parallel_loop3A_1149 = arith.index_cast %parallel_loop3A_1146 : i32 to index
        %parallel_loop3A_1150 = arith.constant 0 : index
        %parallel_loop3A_1151 = tpu.vector_load %arg9[%parallel_loop3A_1148, %parallel_loop3A_1149, %parallel_loop3A_1150] {strides = array<i32>} : memref<2x256x32xf32, #tpu.memory_space<vmem>>, vector<16xf32>,
        %parallel_loop3A_1152 = arith.constant 0 : i32
        %parallel_loop3A_1153 = arith.constant 0 : i32
        %parallel_loop3A_1154 = arith.constant 0 : i32
        %parallel_loop3A_1155 = arith.constant 0 : i32
        %parallel_loop3A_1156 = tpu.memref_slice %arg11[%parallel_loop3A_1152, %parallel_loop3A_1153, %parallel_loop3A_1154, %parallel_loop3A_1155] : memref<2x16x8x128xf32, #tpu.memory_space<vmem>> -> memref<1x16x8x128xf32, #tpu.memory_space<vmem>>
        %parallel_loop3A_1157 = tpu.memref_squeeze %parallel_loop3A_1156 : memref<1x16x8x128xf32, #tpu.memory_space<vmem>> -> memref<16x8x128xf32, #tpu.memory_space<vmem>>
        tpu.vector_store_idx %parallel_loop3A_1157[%add3A_31, %select_n3A_51, %parallel_loop3A_1144], %parallel_loop3A_1151 : memref<16x8x128xf32, #tpu.memory_space<vmem>>[vector<16xi32>, vector<16xi32>, vector<16xi32>], vector<16xf32>,
        %parallel_loop3A_1158 = arith.constant 0 : i32
        %parallel_loop3A_1159 = arith.index_cast %parallel_loop3A_1158 : i32 to index
        %parallel_loop3A_1160 = arith.index_cast %parallel_loop3A_1146 : i32 to index
        %parallel_loop3A_1161 = arith.constant 16 : index
        %parallel_loop3A_1162 = tpu.vector_load %arg9[%parallel_loop3A_1159, %parallel_loop3A_1160, %parallel_loop3A_1161] {strides = array<i32>} : memref<2x256x32xf32, #tpu.memory_space<vmem>>, vector<16xf32>,
        %parallel_loop3A_1163 = arith.constant 0 : i32
        %parallel_loop3A_1164 = arith.constant 0 : i32
        %parallel_loop3A_1165 = arith.constant 0 : i32
        %parallel_loop3A_1166 = arith.constant 0 : i32
        %parallel_loop3A_1167 = tpu.memref_slice %arg11[%parallel_loop3A_1163, %parallel_loop3A_1164, %parallel_loop3A_1165, %parallel_loop3A_1166] : memref<2x16x8x128xf32, #tpu.memory_space<vmem>> -> memref<1x16x8x128xf32, #tpu.memory_space<vmem>>
        %parallel_loop3A_1168 = tpu.memref_squeeze %parallel_loop3A_1167 : memref<1x16x8x128xf32, #tpu.memory_space<vmem>> -> memref<16x8x128xf32, #tpu.memory_space<vmem>>
        tpu.vector_store_idx %parallel_loop3A_1168[%add3A_88, %select_n3A_110, %parallel_loop3A_1144], %parallel_loop3A_1162 : memref<16x8x128xf32, #tpu.memory_space<vmem>>[vector<16xi32>, vector<16xi32>, vector<16xi32>], vector<16xf32>,
        %parallel_loop3A_1169 = arith.constant 0 : i32
        %parallel_loop3A_1170 = arith.index_cast %parallel_loop3A_1169 : i32 to index
        %parallel_loop3A_1171 = arith.index_cast %parallel_loop3A_1146 : i32 to index
        %parallel_loop3A_1172 = arith.constant 0 : index
        %parallel_loop3A_1173 = tpu.vector_load %arg10[%parallel_loop3A_1170, %parallel_loop3A_1171, %parallel_loop3A_1172] {strides = array<i32>} : memref<2x256x32xf32, #tpu.memory_space<vmem>>, vector<16xf32>,
        %parallel_loop3A_1174 = arith.constant 0 : i32
        %parallel_loop3A_1175 = arith.constant 0 : i32
        %parallel_loop3A_1176 = arith.constant 0 : i32
        %parallel_loop3A_1177 = arith.constant 0 : i32
        %parallel_loop3A_1178 = tpu.memref_slice %arg11[%parallel_loop3A_1174, %parallel_loop3A_1175, %parallel_loop3A_1176, %parallel_loop3A_1177] : memref<2x16x8x128xf32, #tpu.memory_space<vmem>> -> memref<1x16x8x128xf32, #tpu.memory_space<vmem>>
        %parallel_loop3A_1179 = tpu.memref_squeeze %parallel_loop3A_1178 : memref<1x16x8x128xf32, #tpu.memory_space<vmem>> -> memref<16x8x128xf32, #tpu.memory_space<vmem>>
        tpu.vector_store_idx %parallel_loop3A_1179[%add3A_147, %select_n3A_169, %parallel_loop3A_1144], %parallel_loop3A_1173 : memref<16x8x128xf32, #tpu.memory_space<vmem>>[vector<16xi32>, vector<16xi32>, vector<16xi32>], vector<16xf32>,
        %parallel_loop3A_1180 = arith.constant 0 : i32
        %parallel_loop3A_1181 = arith.index_cast %parallel_loop3A_1180 : i32 to index
        %parallel_loop3A_1182 = arith.index_cast %parallel_loop3A_1146 : i32 to index
        %parallel_loop3A_1183 = arith.constant 16 : index
        %parallel_loop3A_1184 = tpu.vector_load %arg10[%parallel_loop3A_1181, %parallel_loop3A_1182, %parallel_loop3A_1183] {strides = array<i32>} : memref<2x256x32xf32, #tpu.memory_space<vmem>>, vector<16xf32>,
        %parallel_loop3A_1185 = arith.constant 0 : i32
        %parallel_loop3A_1186 = arith.constant 0 : i32
        %parallel_loop3A_1187 = arith.constant 0 : i32
        %parallel_loop3A_1188 = arith.constant 0 : i32
        %parallel_loop3A_1189 = tpu.memref_slice %arg11[%parallel_loop3A_1185, %parallel_loop3A_1186, %parallel_loop3A_1187, %parallel_loop3A_1188] : memref<2x16x8x128xf32, #tpu.memory_space<vmem>> -> memref<1x16x8x128xf32, #tpu.memory_space<vmem>>
        %parallel_loop3A_1190 = tpu.memref_squeeze %parallel_loop3A_1189 : memref<1x16x8x128xf32, #tpu.memory_space<vmem>> -> memref<16x8x128xf32, #tpu.memory_space<vmem>>
        tpu.vector_store_idx %parallel_loop3A_1190[%add3A_206, %select_n3A_228, %parallel_loop3A_1144], %parallel_loop3A_1184 : memref<16x8x128xf32, #tpu.memory_space<vmem>>[vector<16xi32>, vector<16xi32>, vector<16xi32>], vector<16xf32>,
        %parallel_loop3A_1191 = arith.constant 128 : i32
        %parallel_loop3A_1192 = arith.addi %parallel_loop3A_1191, %parallel_loop3A_1143 : i32
        %parallel_loop3A_1193 = arith.constant 0 : i32
        %parallel_loop3A_1194 = arith.index_cast %parallel_loop3A_1193 : i32 to index
        %parallel_loop3A_1195 = arith.index_cast %parallel_loop3A_1192 : i32 to index
        %parallel_loop3A_1196 = arith.constant 0 : index
        %parallel_loop3A_1197 = tpu.vector_load %arg9[%parallel_loop3A_1194, %parallel_loop3A_1195, %parallel_loop3A_1196] {strides = array<i32>} : memref<2x256x32xf32, #tpu.memory_space<vmem>>, vector<16xf32>,
        %parallel_loop3A_1198 = arith.constant 0 : i32
        %parallel_loop3A_1199 = arith.constant 0 : i32
        %parallel_loop3A_1200 = arith.constant 0 : i32
        %parallel_loop3A_1201 = arith.constant 0 : i32
        %parallel_loop3A_1202 = tpu.memref_slice %arg11[%parallel_loop3A_1198, %parallel_loop3A_1199, %parallel_loop3A_1200, %parallel_loop3A_1201] : memref<2x16x8x128xf32, #tpu.memory_space<vmem>> -> memref<1x16x8x128xf32, #tpu.memory_space<vmem>>
        %parallel_loop3A_1203 = tpu.memref_squeeze %parallel_loop3A_1202 : memref<1x16x8x128xf32, #tpu.memory_space<vmem>> -> memref<16x8x128xf32, #tpu.memory_space<vmem>>
        tpu.vector_store_idx %parallel_loop3A_1203[%add3A_265, %select_n3A_287, %parallel_loop3A_1144], %parallel_loop3A_1197 : memref<16x8x128xf32, #tpu.memory_space<vmem>>[vector<16xi32>, vector<16xi32>, vector<16xi32>], vector<16xf32>,
        %parallel_loop3A_1204 = arith.constant 0 : i32
        %parallel_loop3A_1205 = arith.index_cast %parallel_loop3A_1204 : i32 to index
        %parallel_loop3A_1206 = arith.index_cast %parallel_loop3A_1192 : i32 to index
        %parallel_loop3A_1207 = arith.constant 16 : index
        %parallel_loop3A_1208 = tpu.vector_load %arg9[%parallel_loop3A_1205, %parallel_loop3A_1206, %parallel_loop3A_1207] {strides = array<i32>} : memref<2x256x32xf32, #tpu.memory_space<vmem>>, vector<16xf32>,
        %parallel_loop3A_1209 = arith.constant 0 : i32
        %parallel_loop3A_1210 = arith.constant 0 : i32
        %parallel_loop3A_1211 = arith.constant 0 : i32
        %parallel_loop3A_1212 = arith.constant 0 : i32
        %parallel_loop3A_1213 = tpu.memref_slice %arg11[%parallel_loop3A_1209, %parallel_loop3A_1210, %parallel_loop3A_1211, %parallel_loop3A_1212] : memref<2x16x8x128xf32, #tpu.memory_space<vmem>> -> memref<1x16x8x128xf32, #tpu.memory_space<vmem>>
        %parallel_loop3A_1214 = tpu.memref_squeeze %parallel_loop3A_1213 : memref<1x16x8x128xf32, #tpu.memory_space<vmem>> -> memref<16x8x128xf32, #tpu.memory_space<vmem>>
        tpu.vector_store_idx %parallel_loop3A_1214[%add3A_324, %select_n3A_346, %parallel_loop3A_1144], %parallel_loop3A_1208 : memref<16x8x128xf32, #tpu.memory_space<vmem>>[vector<16xi32>, vector<16xi32>, vector<16xi32>], vector<16xf32>,
        %parallel_loop3A_1215 = arith.constant 0 : i32
        %parallel_loop3A_1216 = arith.index_cast %parallel_loop3A_1215 : i32 to index
        %parallel_loop3A_1217 = arith.index_cast %parallel_loop3A_1192 : i32 to index
        %parallel_loop3A_1218 = arith.constant 0 : index
        %parallel_loop3A_1219 = tpu.vector_load %arg10[%parallel_loop3A_1216, %parallel_loop3A_1217, %parallel_loop3A_1218] {strides = array<i32>} : memref<2x256x32xf32, #tpu.memory_space<vmem>>, vector<16xf32>,
        %parallel_loop3A_1220 = arith.constant 0 : i32
        %parallel_loop3A_1221 = arith.constant 0 : i32
        %parallel_loop3A_1222 = arith.constant 0 : i32
        %parallel_loop3A_1223 = arith.constant 0 : i32
        %parallel_loop3A_1224 = tpu.memref_slice %arg11[%parallel_loop3A_1220, %parallel_loop3A_1221, %parallel_loop3A_1222, %parallel_loop3A_1223] : memref<2x16x8x128xf32, #tpu.memory_space<vmem>> -> memref<1x16x8x128xf32, #tpu.memory_space<vmem>>
        %parallel_loop3A_1225 = tpu.memref_squeeze %parallel_loop3A_1224 : memref<1x16x8x128xf32, #tpu.memory_space<vmem>> -> memref<16x8x128xf32, #tpu.memory_space<vmem>>
        tpu.vector_store_idx %parallel_loop3A_1225[%add3A_383, %select_n3A_405, %parallel_loop3A_1144], %parallel_loop3A_1219 : memref<16x8x128xf32, #tpu.memory_space<vmem>>[vector<16xi32>, vector<16xi32>, vector<16xi32>], vector<16xf32>,
        %parallel_loop3A_1226 = arith.constant 0 : i32
        %parallel_loop3A_1227 = arith.index_cast %parallel_loop3A_1226 : i32 to index
        %parallel_loop3A_1228 = arith.index_cast %parallel_loop3A_1192 : i32 to index
        %parallel_loop3A_1229 = arith.constant 16 : index
        %parallel_loop3A_1230 = tpu.vector_load %arg10[%parallel_loop3A_1227, %parallel_loop3A_1228, %parallel_loop3A_1229] {strides = array<i32>} : memref<2x256x32xf32, #tpu.memory_space<vmem>>, vector<16xf32>,
        %parallel_loop3A_1231 = arith.constant 0 : i32
        %parallel_loop3A_1232 = arith.constant 0 : i32
        %parallel_loop3A_1233 = arith.constant 0 : i32
        %parallel_loop3A_1234 = arith.constant 0 : i32
        %parallel_loop3A_1235 = tpu.memref_slice %arg11[%parallel_loop3A_1231, %parallel_loop3A_1232, %parallel_loop3A_1233, %parallel_loop3A_1234] : memref<2x16x8x128xf32, #tpu.memory_space<vmem>> -> memref<1x16x8x128xf32, #tpu.memory_space<vmem>>
        %parallel_loop3A_1236 = tpu.memref_squeeze %parallel_loop3A_1235 : memref<1x16x8x128xf32, #tpu.memory_space<vmem>> -> memref<16x8x128xf32, #tpu.memory_space<vmem>>
        tpu.vector_store_idx %parallel_loop3A_1236[%add3A_442, %select_n3A_464, %parallel_loop3A_1144], %parallel_loop3A_1230 : memref<16x8x128xf32, #tpu.memory_space<vmem>>[vector<16xi32>, vector<16xi32>, vector<16xi32>], vector<16xf32>,
      } {sc.loop_unroll_factor = 8 : i64, sc.parallel_access}
      %mul3A_852 = arith.constant 2 : i32
      %mul3A_853 = arith.muli %add3A_787, %mul3A_852 : i32
      %add3A_854 = arith.constant 0 : i32
      %add3A_855 = arith.addi %mul3A_853, %add3A_854 : i32
      %dma_start3A_856 = arith.constant 0 : i32
      %dma_start3A_857 = arith.constant 0 : i32
      %dma_start3A_858 = arith.constant 0 : i32
      %dma_start3A_859 = arith.constant 0 : i32
      %dma_start3A_860 = tpu.memref_slice %arg11[%dma_start3A_856, %dma_start3A_857, %dma_start3A_858, %dma_start3A_859] : memref<2x16x8x128xf32, #tpu.memory_space<vmem>> -> memref<1x8x8x128xf32, #tpu.memory_space<vmem>>
      %dma_start3A_861 = tpu.memref_squeeze %dma_start3A_860 : memref<1x8x8x128xf32, #tpu.memory_space<vmem>> -> memref<8x8x128xf32, #tpu.memory_space<vmem>>
      %dma_start3A_862 = arith.constant 0 : i32
      %dma_start3A_863 = arith.constant 0 : i32
      %dma_start3A_864 = arith.constant 0 : i32
      %dma_start3A_865 = tpu.memref_slice %arg6[%add3A_855, %dma_start3A_862, %add3A, %dma_start3A_863, %dma_start3A_864] : memref<200x8x32x8x128xf32, #tpu.memory_space<hbm>> -> memref<1x8x1x8x128xf32, #tpu.memory_space<hbm>>
      %dma_start3A_866 = tpu.memref_squeeze %dma_start3A_865 : memref<1x8x1x8x128xf32, #tpu.memory_space<hbm>> -> memref<8x8x128xf32, #tpu.memory_space<hbm>>
      %dma_start3A_867 = arith.constant 0 : i32
      %dma_start3A_868 = arith.constant 0 : i32
      %dma_start3A_869 = arith.constant 0 : i32
      %dma_start3A_870 = tpu.memref_slice %arg6[%add3A_855, %dma_start3A_867, %add3A, %dma_start3A_868, %dma_start3A_869] : memref<200x8x32x8x128xf32, #tpu.memory_space<hbm>> -> memref<1x8x1x8x128xf32, #tpu.memory_space<hbm>>
      %dma_start3A_871 = tpu.memref_squeeze %dma_start3A_870 : memref<1x8x1x8x128xf32, #tpu.memory_space<hbm>> -> memref<8x8x128xf32, #tpu.memory_space<hbm>>
      %dma_start3A_872 = arith.constant 0 : i32
      %dma_start3A_873 = arith.constant 0 : i32
      %dma_start3A_874 = arith.constant 0 : i32
      %dma_start3A_875 = tpu.memref_slice %arg11[%dma_start3A_856, %dma_start3A_872, %dma_start3A_873, %dma_start3A_874] : memref<2x16x8x128xf32, #tpu.memory_space<vmem>> -> memref<1x8x8x128xf32, #tpu.memory_space<vmem>>
      %dma_start3A_876 = tpu.memref_squeeze %dma_start3A_875 : memref<1x8x8x128xf32, #tpu.memory_space<vmem>> -> memref<8x8x128xf32, #tpu.memory_space<vmem>>
      tpu.enqueue_dma source(%dma_start3A_876 : memref<8x8x128xf32, #tpu.memory_space<vmem>>) target(%dma_start3A_871 : memref<8x8x128xf32, #tpu.memory_space<hbm>>) target_semaphore(%arg16 : memref<!tpu.dma_semaphore, #tpu.memory_space<semaphore_mem>>)
      %mul3A_877 = arith.constant 2 : i32
      %mul3A_878 = arith.muli %add3A_787, %mul3A_877 : i32
      %add3A_879 = arith.constant 1 : i32
      %add3A_880 = arith.addi %mul3A_878, %add3A_879 : i32
      %dma_start3A_881 = arith.constant 0 : i32
      %dma_start3A_882 = arith.constant 8 : i32
      %dma_start3A_883 = arith.constant 0 : i32
      %dma_start3A_884 = arith.constant 0 : i32
      %dma_start3A_885 = tpu.memref_slice %arg11[%dma_start3A_881, %dma_start3A_882, %dma_start3A_883, %dma_start3A_884] : memref<2x16x8x128xf32, #tpu.memory_space<vmem>> -> memref<1x8x8x128xf32, #tpu.memory_space<vmem>>
      %dma_start3A_886 = tpu.memref_squeeze %dma_start3A_885 : memref<1x8x8x128xf32, #tpu.memory_space<vmem>> -> memref<8x8x128xf32, #tpu.memory_space<vmem>>
      %dma_start3A_887 = arith.constant 0 : i32
      %dma_start3A_888 = arith.constant 0 : i32
      %dma_start3A_889 = arith.constant 0 : i32
      %dma_start3A_890 = tpu.memref_slice %arg6[%add3A_880, %dma_start3A_887, %add3A, %dma_start3A_888, %dma_start3A_889] : memref<200x8x32x8x128xf32, #tpu.memory_space<hbm>> -> memref<1x8x1x8x128xf32, #tpu.memory_space<hbm>>
      %dma_start3A_891 = tpu.memref_squeeze %dma_start3A_890 : memref<1x8x1x8x128xf32, #tpu.memory_space<hbm>> -> memref<8x8x128xf32, #tpu.memory_space<hbm>>
      %dma_start3A_892 = arith.constant 0 : i32
      %dma_start3A_893 = arith.constant 0 : i32
      %dma_start3A_894 = arith.constant 0 : i32
      %dma_start3A_895 = tpu.memref_slice %arg6[%add3A_880, %dma_start3A_892, %add3A, %dma_start3A_893, %dma_start3A_894] : memref<200x8x32x8x128xf32, #tpu.memory_space<hbm>> -> memref<1x8x1x8x128xf32, #tpu.memory_space<hbm>>
      %dma_start3A_896 = tpu.memref_squeeze %dma_start3A_895 : memref<1x8x1x8x128xf32, #tpu.memory_space<hbm>> -> memref<8x8x128xf32, #tpu.memory_space<hbm>>
      %dma_start3A_897 = arith.constant 8 : i32
      %dma_start3A_898 = arith.constant 0 : i32
      %dma_start3A_899 = arith.constant 0 : i32
      %dma_start3A_900 = tpu.memref_slice %arg11[%dma_start3A_881, %dma_start3A_897, %dma_start3A_898, %dma_start3A_899] : memref<2x16x8x128xf32, #tpu.memory_space<vmem>> -> memref<1x8x8x128xf32, #tpu.memory_space<vmem>>
      %dma_start3A_901 = tpu.memref_squeeze %dma_start3A_900 : memref<1x8x8x128xf32, #tpu.memory_space<vmem>> -> memref<8x8x128xf32, #tpu.memory_space<vmem>>
      tpu.enqueue_dma source(%dma_start3A_901 : memref<8x8x128xf32, #tpu.memory_space<vmem>>) target(%dma_start3A_896 : memref<8x8x128xf32, #tpu.memory_space<hbm>>) target_semaphore(%arg16 : memref<!tpu.dma_semaphore, #tpu.memory_space<semaphore_mem>>)
      %add3A_902 = arith.constant 2 : i32
      %add3A_903 = arith.addi %add3A_787, %add3A_902 : i32
      %min3A = arith.constant 99 : i32
      %min3A_904 = arith.minsi %add3A_903, %min3A : i32
      %mul3A_905 = arith.constant 2 : i32
      %mul3A_906 = arith.muli %min3A_904, %mul3A_905 : i32
      %run_scoped3A_907 = arith.constant 0 : i32
      "tpu.region"() ({
        %run_scoped3A_1143 = tpu.sem_alloc : memref<!tpu.dma_semaphore, #tpu.memory_space<semaphore_mem>>
        %dma_start3A_1144 = arith.constant 0 : i32
        %dma_start3A_1145 = arith.constant 0 : i32
        %dma_start3A_1146 = tpu.memref_slice %arg7[%run_scoped3A_907, %dma_start3A_1144, %dma_start3A_1145] : memref<2x2x128xi32, #tpu.memory_space<vmem>> -> memref<1x2x128xi32, #tpu.memory_space<vmem>>
        %dma_start3A_1147 = tpu.memref_squeeze %dma_start3A_1146 : memref<1x2x128xi32, #tpu.memory_space<vmem>> -> memref<2x128xi32, #tpu.memory_space<vmem>>
        %dma_start3A_1148 = tpu.memref_slice %arg2[%mul3A_906, %mul3A_2] : memref<200x4096xi32, #tpu.memory_space<hbm>> -> memref<2x128xi32, #tpu.memory_space<hbm>>
        %dma_start3A_1149 = arith.constant 0 : i32
        %dma_start3A_1150 = arith.constant 0 : i32
        %dma_start3A_1151 = tpu.memref_slice %arg7[%run_scoped3A_907, %dma_start3A_1149, %dma_start3A_1150] : memref<2x2x128xi32, #tpu.memory_space<vmem>> -> memref<1x2x128xi32, #tpu.memory_space<vmem>>
        %dma_start3A_1152 = tpu.memref_squeeze %dma_start3A_1151 : memref<1x2x128xi32, #tpu.memory_space<vmem>> -> memref<2x128xi32, #tpu.memory_space<vmem>>
        %dma_start3A_1153 = tpu.memref_slice %arg2[%mul3A_906, %mul3A_2] : memref<200x4096xi32, #tpu.memory_space<hbm>> -> memref<2x128xi32, #tpu.memory_space<hbm>>
        tpu.enqueue_dma source(%dma_start3A_1153 : memref<2x128xi32, #tpu.memory_space<hbm>>) target(%dma_start3A_1152 : memref<2x128xi32, #tpu.memory_space<vmem>>) target_semaphore(%run_scoped3A_1143 : memref<!tpu.dma_semaphore, #tpu.memory_space<semaphore_mem>>)
        %dma_wait3A_1154 = arith.constant 0 : i32
        %dma_wait3A_1155 = arith.constant 0 : i32
        %dma_wait3A_1156 = tpu.memref_slice %arg7[%run_scoped3A_907, %dma_wait3A_1154, %dma_wait3A_1155] : memref<2x2x128xi32, #tpu.memory_space<vmem>> -> memref<1x2x128xi32, #tpu.memory_space<vmem>>
        %dma_wait3A_1157 = tpu.memref_squeeze %dma_wait3A_1156 : memref<1x2x128xi32, #tpu.memory_space<vmem>> -> memref<2x128xi32, #tpu.memory_space<vmem>>
        %dma_wait3A_1158 = tpu.memref_slice %arg2[%mul3A_906, %mul3A_2] : memref<200x4096xi32, #tpu.memory_space<hbm>> -> memref<2x128xi32, #tpu.memory_space<hbm>>
        %dma_wait3A_1159 = arith.constant 0 : i32
        %dma_wait3A_1160 = arith.constant 0 : i32
        %dma_wait3A_1161 = tpu.memref_slice %arg7[%run_scoped3A_907, %dma_wait3A_1159, %dma_wait3A_1160] : memref<2x2x128xi32, #tpu.memory_space<vmem>> -> memref<1x2x128xi32, #tpu.memory_space<vmem>>
        %dma_wait3A_1162 = tpu.memref_squeeze %dma_wait3A_1161 : memref<1x2x128xi32, #tpu.memory_space<vmem>> -> memref<2x128xi32, #tpu.memory_space<vmem>>
        %dma_wait3A_1163 = tpu.memref_slice %arg2[%mul3A_906, %mul3A_2] : memref<200x4096xi32, #tpu.memory_space<hbm>> -> memref<2x128xi32, #tpu.memory_space<hbm>>
        tpu.wait_dma2 semaphore(%run_scoped3A_1143 : memref<!tpu.dma_semaphore, #tpu.memory_space<semaphore_mem>>) src(%dma_wait3A_1163 : memref<2x128xi32, #tpu.memory_space<hbm>>) dst(%dma_wait3A_1162 : memref<2x128xi32, #tpu.memory_space<vmem>>)
        tpu.yield
      }) : () -> ()
      %run_scoped3A_908 = arith.constant 0 : i32
      "tpu.region"() ({
        %run_scoped3A_1143 = tpu.sem_alloc : memref<!tpu.dma_semaphore, #tpu.memory_space<semaphore_mem>>
        %dma_start3A_1144 = arith.constant 0 : i32
        %dma_start3A_1145 = arith.constant 0 : i32
        %dma_start3A_1146 = tpu.memref_slice %arg8[%run_scoped3A_908, %dma_start3A_1144, %dma_start3A_1145] : memref<2x2x128xi32, #tpu.memory_space<vmem>> -> memref<1x2x128xi32, #tpu.memory_space<vmem>>
        %dma_start3A_1147 = tpu.memref_squeeze %dma_start3A_1146 : memref<1x2x128xi32, #tpu.memory_space<vmem>> -> memref<2x128xi32, #tpu.memory_space<vmem>>
        %dma_start3A_1148 = tpu.memref_slice %arg3[%mul3A_906, %mul3A_2] : memref<200x4096xi32, #tpu.memory_space<hbm>> -> memref<2x128xi32, #tpu.memory_space<hbm>>
        %dma_start3A_1149 = arith.constant 0 : i32
        %dma_start3A_1150 = arith.constant 0 : i32
        %dma_start3A_1151 = tpu.memref_slice %arg8[%run_scoped3A_908, %dma_start3A_1149, %dma_start3A_1150] : memref<2x2x128xi32, #tpu.memory_space<vmem>> -> memref<1x2x128xi32, #tpu.memory_space<vmem>>
        %dma_start3A_1152 = tpu.memref_squeeze %dma_start3A_1151 : memref<1x2x128xi32, #tpu.memory_space<vmem>> -> memref<2x128xi32, #tpu.memory_space<vmem>>
        %dma_start3A_1153 = tpu.memref_slice %arg3[%mul3A_906, %mul3A_2] : memref<200x4096xi32, #tpu.memory_space<hbm>> -> memref<2x128xi32, #tpu.memory_space<hbm>>
        tpu.enqueue_dma source(%dma_start3A_1153 : memref<2x128xi32, #tpu.memory_space<hbm>>) target(%dma_start3A_1152 : memref<2x128xi32, #tpu.memory_space<vmem>>) target_semaphore(%run_scoped3A_1143 : memref<!tpu.dma_semaphore, #tpu.memory_space<semaphore_mem>>)
        %dma_wait3A_1154 = arith.constant 0 : i32
        %dma_wait3A_1155 = arith.constant 0 : i32
        %dma_wait3A_1156 = tpu.memref_slice %arg8[%run_scoped3A_908, %dma_wait3A_1154, %dma_wait3A_1155] : memref<2x2x128xi32, #tpu.memory_space<vmem>> -> memref<1x2x128xi32, #tpu.memory_space<vmem>>
        %dma_wait3A_1157 = tpu.memref_squeeze %dma_wait3A_1156 : memref<1x2x128xi32, #tpu.memory_space<vmem>> -> memref<2x128xi32, #tpu.memory_space<vmem>>
        %dma_wait3A_1158 = tpu.memref_slice %arg3[%mul3A_906, %mul3A_2] : memref<200x4096xi32, #tpu.memory_space<hbm>> -> memref<2x128xi32, #tpu.memory_space<hbm>>
        %dma_wait3A_1159 = arith.constant 0 : i32
        %dma_wait3A_1160 = arith.constant 0 : i32
        %dma_wait3A_1161 = tpu.memref_slice %arg8[%run_scoped3A_908, %dma_wait3A_1159, %dma_wait3A_1160] : memref<2x2x128xi32, #tpu.memory_space<vmem>> -> memref<1x2x128xi32, #tpu.memory_space<vmem>>
        %dma_wait3A_1162 = tpu.memref_squeeze %dma_wait3A_1161 : memref<1x2x128xi32, #tpu.memory_space<vmem>> -> memref<2x128xi32, #tpu.memory_space<vmem>>
        %dma_wait3A_1163 = tpu.memref_slice %arg3[%mul3A_906, %mul3A_2] : memref<200x4096xi32, #tpu.memory_space<hbm>> -> memref<2x128xi32, #tpu.memory_space<hbm>>
        tpu.wait_dma2 semaphore(%run_scoped3A_1143 : memref<!tpu.dma_semaphore, #tpu.memory_space<semaphore_mem>>) src(%dma_wait3A_1163 : memref<2x128xi32, #tpu.memory_space<hbm>>) dst(%dma_wait3A_1162 : memref<2x128xi32, #tpu.memory_space<vmem>>)
        tpu.yield
      }) : () -> ()
      %dma_start3A_909 = arith.constant 0 : i32
      %dma_start3A_910 = arith.constant 0 : i32
      %dma_start3A_911 = arith.constant 0 : i32
      %dma_start3A_912 = arith.constant 0 : i32
      %dma_start3A_913 = arith.constant 0 : i32
      %dma_start3A_914 = tpu.memref_slice %arg9[%dma_start3A_911, %dma_start3A_912, %dma_start3A_913] : memref<2x256x32xf32, #tpu.memory_space<vmem>> -> memref<1x128x32xf32, #tpu.memory_space<vmem>>
      %dma_start3A_915 = tpu.memref_squeeze %dma_start3A_914 : memref<1x128x32xf32, #tpu.memory_space<vmem>> -> memref<128x32xf32, #tpu.memory_space<vmem>>
      %dma_start3A_916 = arith.constant 0 : i32
      %dma_start3A_917 = tpu.memref_slice %arg7[%dma_start3A_909, %dma_start3A_910, %dma_start3A_916] : memref<2x2x128xi32, #tpu.memory_space<vmem>> -> memref<1x1x128xi32, #tpu.memory_space<vmem>>
      %dma_start3A_918 = tpu.memref_squeeze %dma_start3A_917 : memref<1x1x128xi32, #tpu.memory_space<vmem>> -> memref<128xi32, #tpu.memory_space<vmem>>
      %dma_start3A_919 = arith.constant 0 : i32
      %dma_start3A_920 = arith.constant 0 : i32
      %dma_start3A_921 = tpu.memref_slice %arg4[%dma_start3A_919, %dma_start3A_920] : memref<1000000x32xf32, #tpu.memory_space<hbm>> -> memref<1000000x32xf32, #tpu.memory_space<hbm>>
      tpu.enqueue_indirect_dma source(%dma_start3A_921 : memref<1000000x32xf32, #tpu.memory_space<hbm>>) target(%dma_start3A_915 : memref<128x32xf32, #tpu.memory_space<vmem>>) offsets(%dma_start3A_918 : memref<128xi32, #tpu.memory_space<vmem>>) semaphore(%arg12 : memref<!tpu.dma_semaphore, #tpu.memory_space<semaphore_mem>>)
      %dma_start3A_922 = arith.constant 0 : i32
      %dma_start3A_923 = arith.constant 0 : i32
      %dma_start3A_924 = arith.constant 0 : i32
      %dma_start3A_925 = arith.constant 0 : i32
      %dma_start3A_926 = arith.constant 0 : i32
      %dma_start3A_927 = tpu.memref_slice %arg10[%dma_start3A_924, %dma_start3A_925, %dma_start3A_926] : memref<2x256x32xf32, #tpu.memory_space<vmem>> -> memref<1x128x32xf32, #tpu.memory_space<vmem>>
      %dma_start3A_928 = tpu.memref_squeeze %dma_start3A_927 : memref<1x128x32xf32, #tpu.memory_space<vmem>> -> memref<128x32xf32, #tpu.memory_space<vmem>>
      %dma_start3A_929 = arith.constant 0 : i32
      %dma_start3A_930 = tpu.memref_slice %arg8[%dma_start3A_922, %dma_start3A_923, %dma_start3A_929] : memref<2x2x128xi32, #tpu.memory_space<vmem>> -> memref<1x1x128xi32, #tpu.memory_space<vmem>>
      %dma_start3A_931 = tpu.memref_squeeze %dma_start3A_930 : memref<1x1x128xi32, #tpu.memory_space<vmem>> -> memref<128xi32, #tpu.memory_space<vmem>>
      %dma_start3A_932 = arith.constant 0 : i32
      %dma_start3A_933 = arith.constant 0 : i32
      %dma_start3A_934 = tpu.memref_slice %arg5[%dma_start3A_932, %dma_start3A_933] : memref<100000x32xf32, #tpu.memory_space<hbm>> -> memref<100000x32xf32, #tpu.memory_space<hbm>>
      tpu.enqueue_indirect_dma source(%dma_start3A_934 : memref<100000x32xf32, #tpu.memory_space<hbm>>) target(%dma_start3A_928 : memref<128x32xf32, #tpu.memory_space<vmem>>) offsets(%dma_start3A_931 : memref<128xi32, #tpu.memory_space<vmem>>) semaphore(%arg14 : memref<!tpu.dma_semaphore, #tpu.memory_space<semaphore_mem>>)
      %dma_start3A_935 = arith.constant 0 : i32
      %dma_start3A_936 = arith.constant 1 : i32
      %dma_start3A_937 = arith.constant 0 : i32
      %dma_start3A_938 = arith.constant 128 : i32
      %dma_start3A_939 = arith.constant 0 : i32
      %dma_start3A_940 = tpu.memref_slice %arg9[%dma_start3A_937, %dma_start3A_938, %dma_start3A_939] : memref<2x256x32xf32, #tpu.memory_space<vmem>> -> memref<1x128x32xf32, #tpu.memory_space<vmem>>
      %dma_start3A_941 = tpu.memref_squeeze %dma_start3A_940 : memref<1x128x32xf32, #tpu.memory_space<vmem>> -> memref<128x32xf32, #tpu.memory_space<vmem>>
      %dma_start3A_942 = arith.constant 0 : i32
      %dma_start3A_943 = tpu.memref_slice %arg7[%dma_start3A_935, %dma_start3A_936, %dma_start3A_942] : memref<2x2x128xi32, #tpu.memory_space<vmem>> -> memref<1x1x128xi32, #tpu.memory_space<vmem>>
      %dma_start3A_944 = tpu.memref_squeeze %dma_start3A_943 : memref<1x1x128xi32, #tpu.memory_space<vmem>> -> memref<128xi32, #tpu.memory_space<vmem>>
      %dma_start3A_945 = arith.constant 0 : i32
      %dma_start3A_946 = arith.constant 0 : i32
      %dma_start3A_947 = tpu.memref_slice %arg4[%dma_start3A_945, %dma_start3A_946] : memref<1000000x32xf32, #tpu.memory_space<hbm>> -> memref<1000000x32xf32, #tpu.memory_space<hbm>>
      tpu.enqueue_indirect_dma source(%dma_start3A_947 : memref<1000000x32xf32, #tpu.memory_space<hbm>>) target(%dma_start3A_941 : memref<128x32xf32, #tpu.memory_space<vmem>>) offsets(%dma_start3A_944 : memref<128xi32, #tpu.memory_space<vmem>>) semaphore(%arg12 : memref<!tpu.dma_semaphore, #tpu.memory_space<semaphore_mem>>)
      %dma_start3A_948 = arith.constant 0 : i32
      %dma_start3A_949 = arith.constant 1 : i32
      %dma_start3A_950 = arith.constant 0 : i32
      %dma_start3A_951 = arith.constant 128 : i32
      %dma_start3A_952 = arith.constant 0 : i32
      %dma_start3A_953 = tpu.memref_slice %arg10[%dma_start3A_950, %dma_start3A_951, %dma_start3A_952] : memref<2x256x32xf32, #tpu.memory_space<vmem>> -> memref<1x128x32xf32, #tpu.memory_space<vmem>>
      %dma_start3A_954 = tpu.memref_squeeze %dma_start3A_953 : memref<1x128x32xf32, #tpu.memory_space<vmem>> -> memref<128x32xf32, #tpu.memory_space<vmem>>
      %dma_start3A_955 = arith.constant 0 : i32
      %dma_start3A_956 = tpu.memref_slice %arg8[%dma_start3A_948, %dma_start3A_949, %dma_start3A_955] : memref<2x2x128xi32, #tpu.memory_space<vmem>> -> memref<1x1x128xi32, #tpu.memory_space<vmem>>
      %dma_start3A_957 = tpu.memref_squeeze %dma_start3A_956 : memref<1x1x128xi32, #tpu.memory_space<vmem>> -> memref<128xi32, #tpu.memory_space<vmem>>
      %dma_start3A_958 = arith.constant 0 : i32
      %dma_start3A_959 = arith.constant 0 : i32
      %dma_start3A_960 = tpu.memref_slice %arg5[%dma_start3A_958, %dma_start3A_959] : memref<100000x32xf32, #tpu.memory_space<hbm>> -> memref<100000x32xf32, #tpu.memory_space<hbm>>
      tpu.enqueue_indirect_dma source(%dma_start3A_960 : memref<100000x32xf32, #tpu.memory_space<hbm>>) target(%dma_start3A_954 : memref<128x32xf32, #tpu.memory_space<vmem>>) offsets(%dma_start3A_957 : memref<128xi32, #tpu.memory_space<vmem>>) semaphore(%arg14 : memref<!tpu.dma_semaphore, #tpu.memory_space<semaphore_mem>>)
      %mul3A_961 = arith.constant 2 : i32
      %mul3A_962 = arith.muli %mul3A_961, %scan3A_783 : i32
      %add3A_963 = arith.constant 1 : i32
      %add3A_964 = arith.addi %mul3A_962, %add3A_963 : i32
      %dma_wait3A_965 = arith.constant 1 : i32
      %dma_wait3A_966 = arith.constant 0 : i32
      %dma_wait3A_967 = arith.constant 0 : i32
      %dma_wait3A_968 = tpu.memref_slice %arg9[%dma_wait3A_965, %dma_wait3A_966, %dma_wait3A_967] : memref<2x256x32xf32, #tpu.memory_space<vmem>> -> memref<1x128x32xf32, #tpu.memory_space<vmem>>
      %dma_wait3A_969 = tpu.memref_squeeze %dma_wait3A_968 : memref<1x128x32xf32, #tpu.memory_space<vmem>> -> memref<128x32xf32, #tpu.memory_space<vmem>>
      %dma_wait3A_970 = arith.constant 0 : i32
      %dma_wait3A_971 = arith.constant 0 : i32
      %dma_wait3A_972 = tpu.memref_slice %arg4[%dma_wait3A_970, %dma_wait3A_971] : memref<1000000x32xf32, #tpu.memory_space<hbm>> -> memref<128x32xf32, #tpu.memory_space<hbm>>
      %dma_wait3A_973 = arith.constant 0 : i32
      %dma_wait3A_974 = arith.constant 0 : i32
      %dma_wait3A_975 = tpu.memref_slice %arg9[%dma_wait3A_965, %dma_wait3A_973, %dma_wait3A_974] : memref<2x256x32xf32, #tpu.memory_space<vmem>> -> memref<1x128x32xf32, #tpu.memory_space<vmem>>
      %dma_wait3A_976 = tpu.memref_squeeze %dma_wait3A_975 : memref<1x128x32xf32, #tpu.memory_space<vmem>> -> memref<128x32xf32, #tpu.memory_space<vmem>>
      %dma_wait3A_977 = arith.constant 0 : i32
      %dma_wait3A_978 = arith.constant 0 : i32
      %dma_wait3A_979 = tpu.memref_slice %arg4[%dma_wait3A_977, %dma_wait3A_978] : memref<1000000x32xf32, #tpu.memory_space<hbm>> -> memref<128x32xf32, #tpu.memory_space<hbm>>
      tpu.wait_dma2 semaphore(%arg13 : memref<!tpu.dma_semaphore, #tpu.memory_space<semaphore_mem>>) src(%dma_wait3A_979 : memref<128x32xf32, #tpu.memory_space<hbm>>) dst(%dma_wait3A_976 : memref<128x32xf32, #tpu.memory_space<vmem>>)
      %dma_wait3A_980 = arith.constant 1 : i32
      %dma_wait3A_981 = arith.constant 0 : i32
      %dma_wait3A_982 = arith.constant 0 : i32
      %dma_wait3A_983 = tpu.memref_slice %arg10[%dma_wait3A_980, %dma_wait3A_981, %dma_wait3A_982] : memref<2x256x32xf32, #tpu.memory_space<vmem>> -> memref<1x128x32xf32, #tpu.memory_space<vmem>>
      %dma_wait3A_984 = tpu.memref_squeeze %dma_wait3A_983 : memref<1x128x32xf32, #tpu.memory_space<vmem>> -> memref<128x32xf32, #tpu.memory_space<vmem>>
      %dma_wait3A_985 = arith.constant 0 : i32
      %dma_wait3A_986 = arith.constant 0 : i32
      %dma_wait3A_987 = tpu.memref_slice %arg5[%dma_wait3A_985, %dma_wait3A_986] : memref<100000x32xf32, #tpu.memory_space<hbm>> -> memref<128x32xf32, #tpu.memory_space<hbm>>
      %dma_wait3A_988 = arith.constant 0 : i32
      %dma_wait3A_989 = arith.constant 0 : i32
      %dma_wait3A_990 = tpu.memref_slice %arg10[%dma_wait3A_980, %dma_wait3A_988, %dma_wait3A_989] : memref<2x256x32xf32, #tpu.memory_space<vmem>> -> memref<1x128x32xf32, #tpu.memory_space<vmem>>
      %dma_wait3A_991 = tpu.memref_squeeze %dma_wait3A_990 : memref<1x128x32xf32, #tpu.memory_space<vmem>> -> memref<128x32xf32, #tpu.memory_space<vmem>>
      %dma_wait3A_992 = arith.constant 0 : i32
      %dma_wait3A_993 = arith.constant 0 : i32
      %dma_wait3A_994 = tpu.memref_slice %arg5[%dma_wait3A_992, %dma_wait3A_993] : memref<100000x32xf32, #tpu.memory_space<hbm>> -> memref<128x32xf32, #tpu.memory_space<hbm>>
      tpu.wait_dma2 semaphore(%arg15 : memref<!tpu.dma_semaphore, #tpu.memory_space<semaphore_mem>>) src(%dma_wait3A_994 : memref<128x32xf32, #tpu.memory_space<hbm>>) dst(%dma_wait3A_991 : memref<128x32xf32, #tpu.memory_space<vmem>>)
      %dma_wait3A_995 = arith.constant 1 : i32
      %dma_wait3A_996 = arith.constant 128 : i32
      %dma_wait3A_997 = arith.constant 0 : i32
      %dma_wait3A_998 = tpu.memref_slice %arg9[%dma_wait3A_995, %dma_wait3A_996, %dma_wait3A_997] : memref<2x256x32xf32, #tpu.memory_space<vmem>> -> memref<1x128x32xf32, #tpu.memory_space<vmem>>
      %dma_wait3A_999 = tpu.memref_squeeze %dma_wait3A_998 : memref<1x128x32xf32, #tpu.memory_space<vmem>> -> memref<128x32xf32, #tpu.memory_space<vmem>>
      %dma_wait3A_1000 = arith.constant 0 : i32
      %dma_wait3A_1001 = arith.constant 0 : i32
      %dma_wait3A_1002 = tpu.memref_slice %arg4[%dma_wait3A_1000, %dma_wait3A_1001] : memref<1000000x32xf32, #tpu.memory_space<hbm>> -> memref<128x32xf32, #tpu.memory_space<hbm>>
      %dma_wait3A_1003 = arith.constant 128 : i32
      %dma_wait3A_1004 = arith.constant 0 : i32
      %dma_wait3A_1005 = tpu.memref_slice %arg9[%dma_wait3A_995, %dma_wait3A_1003, %dma_wait3A_1004] : memref<2x256x32xf32, #tpu.memory_space<vmem>> -> memref<1x128x32xf32, #tpu.memory_space<vmem>>
      %dma_wait3A_1006 = tpu.memref_squeeze %dma_wait3A_1005 : memref<1x128x32xf32, #tpu.memory_space<vmem>> -> memref<128x32xf32, #tpu.memory_space<vmem>>
      %dma_wait3A_1007 = arith.constant 0 : i32
      %dma_wait3A_1008 = arith.constant 0 : i32
      %dma_wait3A_1009 = tpu.memref_slice %arg4[%dma_wait3A_1007, %dma_wait3A_1008] : memref<1000000x32xf32, #tpu.memory_space<hbm>> -> memref<128x32xf32, #tpu.memory_space<hbm>>
      tpu.wait_dma2 semaphore(%arg13 : memref<!tpu.dma_semaphore, #tpu.memory_space<semaphore_mem>>) src(%dma_wait3A_1009 : memref<128x32xf32, #tpu.memory_space<hbm>>) dst(%dma_wait3A_1006 : memref<128x32xf32, #tpu.memory_space<vmem>>)
      %dma_wait3A_1010 = arith.constant 1 : i32
      %dma_wait3A_1011 = arith.constant 128 : i32
      %dma_wait3A_1012 = arith.constant 0 : i32
      %dma_wait3A_1013 = tpu.memref_slice %arg10[%dma_wait3A_1010, %dma_wait3A_1011, %dma_wait3A_1012] : memref<2x256x32xf32, #tpu.memory_space<vmem>> -> memref<1x128x32xf32, #tpu.memory_space<vmem>>
      %dma_wait3A_1014 = tpu.memref_squeeze %dma_wait3A_1013 : memref<1x128x32xf32, #tpu.memory_space<vmem>> -> memref<128x32xf32, #tpu.memory_space<vmem>>
      %dma_wait3A_1015 = arith.constant 0 : i32
      %dma_wait3A_1016 = arith.constant 0 : i32
      %dma_wait3A_1017 = tpu.memref_slice %arg5[%dma_wait3A_1015, %dma_wait3A_1016] : memref<100000x32xf32, #tpu.memory_space<hbm>> -> memref<128x32xf32, #tpu.memory_space<hbm>>
      %dma_wait3A_1018 = arith.constant 128 : i32
      %dma_wait3A_1019 = arith.constant 0 : i32
      %dma_wait3A_1020 = tpu.memref_slice %arg10[%dma_wait3A_1010, %dma_wait3A_1018, %dma_wait3A_1019] : memref<2x256x32xf32, #tpu.memory_space<vmem>> -> memref<1x128x32xf32, #tpu.memory_space<vmem>>
      %dma_wait3A_1021 = tpu.memref_squeeze %dma_wait3A_1020 : memref<1x128x32xf32, #tpu.memory_space<vmem>> -> memref<128x32xf32, #tpu.memory_space<vmem>>
      %dma_wait3A_1022 = arith.constant 0 : i32
      %dma_wait3A_1023 = arith.constant 0 : i32
      %dma_wait3A_1024 = tpu.memref_slice %arg5[%dma_wait3A_1022, %dma_wait3A_1023] : memref<100000x32xf32, #tpu.memory_space<hbm>> -> memref<128x32xf32, #tpu.memory_space<hbm>>
      tpu.wait_dma2 semaphore(%arg15 : memref<!tpu.dma_semaphore, #tpu.memory_space<semaphore_mem>>) src(%dma_wait3A_1024 : memref<128x32xf32, #tpu.memory_space<hbm>>) dst(%dma_wait3A_1021 : memref<128x32xf32, #tpu.memory_space<vmem>>)
      %ge3A_1025 = arith.constant 2 : i32
      %ge3A_1026 = arith.cmpi sge, %add3A_964, %ge3A_1025 : i32
      %convert_element_type3A_1027 = arith.extui %ge3A_1026 : i1 to i32
      %cond3A_1028 = arith.constant 0 : i32
      %cond3A_1029 = arith.cmpi ne, %convert_element_type3A_1027, %cond3A_1028 : i32
      scf.if %cond3A_1029 {
        %dma_wait3A_1143 = arith.constant 1 : i32
        %dma_wait3A_1144 = arith.constant 0 : i32
        %dma_wait3A_1145 = arith.constant 0 : i32
        %dma_wait3A_1146 = arith.constant 0 : i32
        %dma_wait3A_1147 = arith.constant 0 : i32
        %dma_wait3A_1148 = tpu.memref_slice %arg11[%dma_wait3A_1143, %dma_wait3A_1145, %dma_wait3A_1146, %dma_wait3A_1147] : memref<2x16x8x128xf32, #tpu.memory_space<vmem>> -> memref<1x8x8x128xf32, #tpu.memory_space<vmem>>
        %dma_wait3A_1149 = tpu.memref_squeeze %dma_wait3A_1148 : memref<1x8x8x128xf32, #tpu.memory_space<vmem>> -> memref<8x8x128xf32, #tpu.memory_space<vmem>>
        %dma_wait3A_1150 = arith.constant 0 : i32
        %dma_wait3A_1151 = arith.constant 0 : i32
        %dma_wait3A_1152 = arith.constant 0 : i32
        %dma_wait3A_1153 = tpu.memref_slice %arg6[%dma_wait3A_1144, %dma_wait3A_1150, %add3A, %dma_wait3A_1151, %dma_wait3A_1152] : memref<200x8x32x8x128xf32, #tpu.memory_space<hbm>> -> memref<1x8x1x8x128xf32, #tpu.memory_space<hbm>>
        %dma_wait3A_1154 = tpu.memref_squeeze %dma_wait3A_1153 : memref<1x8x1x8x128xf32, #tpu.memory_space<hbm>> -> memref<8x8x128xf32, #tpu.memory_space<hbm>>
        %dma_wait3A_1155 = arith.constant 0 : i32
        %dma_wait3A_1156 = arith.constant 0 : i32
        %dma_wait3A_1157 = arith.constant 0 : i32
        %dma_wait3A_1158 = tpu.memref_slice %arg6[%dma_wait3A_1144, %dma_wait3A_1155, %add3A, %dma_wait3A_1156, %dma_wait3A_1157] : memref<200x8x32x8x128xf32, #tpu.memory_space<hbm>> -> memref<1x8x1x8x128xf32, #tpu.memory_space<hbm>>
        %dma_wait3A_1159 = tpu.memref_squeeze %dma_wait3A_1158 : memref<1x8x1x8x128xf32, #tpu.memory_space<hbm>> -> memref<8x8x128xf32, #tpu.memory_space<hbm>>
        %dma_wait3A_1160 = arith.constant 0 : i32
        %dma_wait3A_1161 = arith.constant 0 : i32
        %dma_wait3A_1162 = arith.constant 0 : i32
        %dma_wait3A_1163 = tpu.memref_slice %arg11[%dma_wait3A_1143, %dma_wait3A_1160, %dma_wait3A_1161, %dma_wait3A_1162] : memref<2x16x8x128xf32, #tpu.memory_space<vmem>> -> memref<1x8x8x128xf32, #tpu.memory_space<vmem>>
        %dma_wait3A_1164 = tpu.memref_squeeze %dma_wait3A_1163 : memref<1x8x8x128xf32, #tpu.memory_space<vmem>> -> memref<8x8x128xf32, #tpu.memory_space<vmem>>
        tpu.wait_dma2 semaphore(%arg17 : memref<!tpu.dma_semaphore, #tpu.memory_space<semaphore_mem>>) src(%dma_wait3A_1164 : memref<8x8x128xf32, #tpu.memory_space<vmem>>) dst(%dma_wait3A_1159 : memref<8x8x128xf32, #tpu.memory_space<hbm>>)
        %dma_wait3A_1165 = arith.constant 1 : i32
        %dma_wait3A_1166 = arith.constant 0 : i32
        %dma_wait3A_1167 = arith.constant 8 : i32
        %dma_wait3A_1168 = arith.constant 0 : i32
        %dma_wait3A_1169 = arith.constant 0 : i32
        %dma_wait3A_1170 = tpu.memref_slice %arg11[%dma_wait3A_1165, %dma_wait3A_1167, %dma_wait3A_1168, %dma_wait3A_1169] : memref<2x16x8x128xf32, #tpu.memory_space<vmem>> -> memref<1x8x8x128xf32, #tpu.memory_space<vmem>>
        %dma_wait3A_1171 = tpu.memref_squeeze %dma_wait3A_1170 : memref<1x8x8x128xf32, #tpu.memory_space<vmem>> -> memref<8x8x128xf32, #tpu.memory_space<vmem>>
        %dma_wait3A_1172 = arith.constant 0 : i32
        %dma_wait3A_1173 = arith.constant 0 : i32
        %dma_wait3A_1174 = arith.constant 0 : i32
        %dma_wait3A_1175 = tpu.memref_slice %arg6[%dma_wait3A_1166, %dma_wait3A_1172, %add3A, %dma_wait3A_1173, %dma_wait3A_1174] : memref<200x8x32x8x128xf32, #tpu.memory_space<hbm>> -> memref<1x8x1x8x128xf32, #tpu.memory_space<hbm>>
        %dma_wait3A_1176 = tpu.memref_squeeze %dma_wait3A_1175 : memref<1x8x1x8x128xf32, #tpu.memory_space<hbm>> -> memref<8x8x128xf32, #tpu.memory_space<hbm>>
        %dma_wait3A_1177 = arith.constant 0 : i32
        %dma_wait3A_1178 = arith.constant 0 : i32
        %dma_wait3A_1179 = arith.constant 0 : i32
        %dma_wait3A_1180 = tpu.memref_slice %arg6[%dma_wait3A_1166, %dma_wait3A_1177, %add3A, %dma_wait3A_1178, %dma_wait3A_1179] : memref<200x8x32x8x128xf32, #tpu.memory_space<hbm>> -> memref<1x8x1x8x128xf32, #tpu.memory_space<hbm>>
        %dma_wait3A_1181 = tpu.memref_squeeze %dma_wait3A_1180 : memref<1x8x1x8x128xf32, #tpu.memory_space<hbm>> -> memref<8x8x128xf32, #tpu.memory_space<hbm>>
        %dma_wait3A_1182 = arith.constant 8 : i32
        %dma_wait3A_1183 = arith.constant 0 : i32
        %dma_wait3A_1184 = arith.constant 0 : i32
        %dma_wait3A_1185 = tpu.memref_slice %arg11[%dma_wait3A_1165, %dma_wait3A_1182, %dma_wait3A_1183, %dma_wait3A_1184] : memref<2x16x8x128xf32, #tpu.memory_space<vmem>> -> memref<1x8x8x128xf32, #tpu.memory_space<vmem>>
        %dma_wait3A_1186 = tpu.memref_squeeze %dma_wait3A_1185 : memref<1x8x8x128xf32, #tpu.memory_space<vmem>> -> memref<8x8x128xf32, #tpu.memory_space<vmem>>
        tpu.wait_dma2 semaphore(%arg17 : memref<!tpu.dma_semaphore, #tpu.memory_space<semaphore_mem>>) src(%dma_wait3A_1186 : memref<8x8x128xf32, #tpu.memory_space<vmem>>) dst(%dma_wait3A_1181 : memref<8x8x128xf32, #tpu.memory_space<hbm>>)
      } else {
      }
      %parallel_loop3A_1030 = arith.constant 0 : i32
      %parallel_loop3A_1031 = arith.constant 128 : i32
      %parallel_loop3A_1032 = arith.constant 1 : i32
      scf.for %parallel_loop3A_1143 = %parallel_loop3A_1030 to %parallel_loop3A_1031 step %parallel_loop3A_1032  : i32 {
        %parallel_loop3A_1144 = vector.broadcast %parallel_loop3A_1143 : i32 to vector<16xi32>
        %parallel_loop3A_1145 = arith.constant 0 : i32
        %parallel_loop3A_1146 = arith.addi %parallel_loop3A_1145, %parallel_loop3A_1143 : i32
        %parallel_loop3A_1147 = arith.constant 1 : i32
        %parallel_loop3A_1148 = arith.index_cast %parallel_loop3A_1147 : i32 to index
        %parallel_loop3A_1149 = arith.index_cast %parallel_loop3A_1146 : i32 to index
        %parallel_loop3A_1150 = arith.constant 0 : index
        %parallel_loop3A_1151 = tpu.vector_load %arg9[%parallel_loop3A_1148, %parallel_loop3A_1149, %parallel_loop3A_1150] {strides = array<i32>} : memref<2x256x32xf32, #tpu.memory_space<vmem>>, vector<16xf32>,
        %parallel_loop3A_1152 = arith.constant 1 : i32
        %parallel_loop3A_1153 = arith.constant 0 : i32
        %parallel_loop3A_1154 = arith.constant 0 : i32
        %parallel_loop3A_1155 = arith.constant 0 : i32
        %parallel_loop3A_1156 = tpu.memref_slice %arg11[%parallel_loop3A_1152, %parallel_loop3A_1153, %parallel_loop3A_1154, %parallel_loop3A_1155] : memref<2x16x8x128xf32, #tpu.memory_space<vmem>> -> memref<1x16x8x128xf32, #tpu.memory_space<vmem>>
        %parallel_loop3A_1157 = tpu.memref_squeeze %parallel_loop3A_1156 : memref<1x16x8x128xf32, #tpu.memory_space<vmem>> -> memref<16x8x128xf32, #tpu.memory_space<vmem>>
        tpu.vector_store_idx %parallel_loop3A_1157[%add3A_31, %select_n3A_51, %parallel_loop3A_1144], %parallel_loop3A_1151 : memref<16x8x128xf32, #tpu.memory_space<vmem>>[vector<16xi32>, vector<16xi32>, vector<16xi32>], vector<16xf32>,
        %parallel_loop3A_1158 = arith.constant 1 : i32
        %parallel_loop3A_1159 = arith.index_cast %parallel_loop3A_1158 : i32 to index
        %parallel_loop3A_1160 = arith.index_cast %parallel_loop3A_1146 : i32 to index
        %parallel_loop3A_1161 = arith.constant 16 : index
        %parallel_loop3A_1162 = tpu.vector_load %arg9[%parallel_loop3A_1159, %parallel_loop3A_1160, %parallel_loop3A_1161] {strides = array<i32>} : memref<2x256x32xf32, #tpu.memory_space<vmem>>, vector<16xf32>,
        %parallel_loop3A_1163 = arith.constant 1 : i32
        %parallel_loop3A_1164 = arith.constant 0 : i32
        %parallel_loop3A_1165 = arith.constant 0 : i32
        %parallel_loop3A_1166 = arith.constant 0 : i32
        %parallel_loop3A_1167 = tpu.memref_slice %arg11[%parallel_loop3A_1163, %parallel_loop3A_1164, %parallel_loop3A_1165, %parallel_loop3A_1166] : memref<2x16x8x128xf32, #tpu.memory_space<vmem>> -> memref<1x16x8x128xf32, #tpu.memory_space<vmem>>
        %parallel_loop3A_1168 = tpu.memref_squeeze %parallel_loop3A_1167 : memref<1x16x8x128xf32, #tpu.memory_space<vmem>> -> memref<16x8x128xf32, #tpu.memory_space<vmem>>
        tpu.vector_store_idx %parallel_loop3A_1168[%add3A_88, %select_n3A_110, %parallel_loop3A_1144], %parallel_loop3A_1162 : memref<16x8x128xf32, #tpu.memory_space<vmem>>[vector<16xi32>, vector<16xi32>, vector<16xi32>], vector<16xf32>,
        %parallel_loop3A_1169 = arith.constant 1 : i32
        %parallel_loop3A_1170 = arith.index_cast %parallel_loop3A_1169 : i32 to index
        %parallel_loop3A_1171 = arith.index_cast %parallel_loop3A_1146 : i32 to index
        %parallel_loop3A_1172 = arith.constant 0 : index
        %parallel_loop3A_1173 = tpu.vector_load %arg10[%parallel_loop3A_1170, %parallel_loop3A_1171, %parallel_loop3A_1172] {strides = array<i32>} : memref<2x256x32xf32, #tpu.memory_space<vmem>>, vector<16xf32>,
        %parallel_loop3A_1174 = arith.constant 1 : i32
        %parallel_loop3A_1175 = arith.constant 0 : i32
        %parallel_loop3A_1176 = arith.constant 0 : i32
        %parallel_loop3A_1177 = arith.constant 0 : i32
        %parallel_loop3A_1178 = tpu.memref_slice %arg11[%parallel_loop3A_1174, %parallel_loop3A_1175, %parallel_loop3A_1176, %parallel_loop3A_1177] : memref<2x16x8x128xf32, #tpu.memory_space<vmem>> -> memref<1x16x8x128xf32, #tpu.memory_space<vmem>>
        %parallel_loop3A_1179 = tpu.memref_squeeze %parallel_loop3A_1178 : memref<1x16x8x128xf32, #tpu.memory_space<vmem>> -> memref<16x8x128xf32, #tpu.memory_space<vmem>>
        tpu.vector_store_idx %parallel_loop3A_1179[%add3A_147, %select_n3A_169, %parallel_loop3A_1144], %parallel_loop3A_1173 : memref<16x8x128xf32, #tpu.memory_space<vmem>>[vector<16xi32>, vector<16xi32>, vector<16xi32>], vector<16xf32>,
        %parallel_loop3A_1180 = arith.constant 1 : i32
        %parallel_loop3A_1181 = arith.index_cast %parallel_loop3A_1180 : i32 to index
        %parallel_loop3A_1182 = arith.index_cast %parallel_loop3A_1146 : i32 to index
        %parallel_loop3A_1183 = arith.constant 16 : index
        %parallel_loop3A_1184 = tpu.vector_load %arg10[%parallel_loop3A_1181, %parallel_loop3A_1182, %parallel_loop3A_1183] {strides = array<i32>} : memref<2x256x32xf32, #tpu.memory_space<vmem>>, vector<16xf32>,
        %parallel_loop3A_1185 = arith.constant 1 : i32
        %parallel_loop3A_1186 = arith.constant 0 : i32
        %parallel_loop3A_1187 = arith.constant 0 : i32
        %parallel_loop3A_1188 = arith.constant 0 : i32
        %parallel_loop3A_1189 = tpu.memref_slice %arg11[%parallel_loop3A_1185, %parallel_loop3A_1186, %parallel_loop3A_1187, %parallel_loop3A_1188] : memref<2x16x8x128xf32, #tpu.memory_space<vmem>> -> memref<1x16x8x128xf32, #tpu.memory_space<vmem>>
        %parallel_loop3A_1190 = tpu.memref_squeeze %parallel_loop3A_1189 : memref<1x16x8x128xf32, #tpu.memory_space<vmem>> -> memref<16x8x128xf32, #tpu.memory_space<vmem>>
        tpu.vector_store_idx %parallel_loop3A_1190[%add3A_206, %select_n3A_228, %parallel_loop3A_1144], %parallel_loop3A_1184 : memref<16x8x128xf32, #tpu.memory_space<vmem>>[vector<16xi32>, vector<16xi32>, vector<16xi32>], vector<16xf32>,
        %parallel_loop3A_1191 = arith.constant 128 : i32
        %parallel_loop3A_1192 = arith.addi %parallel_loop3A_1191, %parallel_loop3A_1143 : i32
        %parallel_loop3A_1193 = arith.constant 1 : i32
        %parallel_loop3A_1194 = arith.index_cast %parallel_loop3A_1193 : i32 to index
        %parallel_loop3A_1195 = arith.index_cast %parallel_loop3A_1192 : i32 to index
        %parallel_loop3A_1196 = arith.constant 0 : index
        %parallel_loop3A_1197 = tpu.vector_load %arg9[%parallel_loop3A_1194, %parallel_loop3A_1195, %parallel_loop3A_1196] {strides = array<i32>} : memref<2x256x32xf32, #tpu.memory_space<vmem>>, vector<16xf32>,
        %parallel_loop3A_1198 = arith.constant 1 : i32
        %parallel_loop3A_1199 = arith.constant 0 : i32
        %parallel_loop3A_1200 = arith.constant 0 : i32
        %parallel_loop3A_1201 = arith.constant 0 : i32
        %parallel_loop3A_1202 = tpu.memref_slice %arg11[%parallel_loop3A_1198, %parallel_loop3A_1199, %parallel_loop3A_1200, %parallel_loop3A_1201] : memref<2x16x8x128xf32, #tpu.memory_space<vmem>> -> memref<1x16x8x128xf32, #tpu.memory_space<vmem>>
        %parallel_loop3A_1203 = tpu.memref_squeeze %parallel_loop3A_1202 : memref<1x16x8x128xf32, #tpu.memory_space<vmem>> -> memref<16x8x128xf32, #tpu.memory_space<vmem>>
        tpu.vector_store_idx %parallel_loop3A_1203[%add3A_265, %select_n3A_287, %parallel_loop3A_1144], %parallel_loop3A_1197 : memref<16x8x128xf32, #tpu.memory_space<vmem>>[vector<16xi32>, vector<16xi32>, vector<16xi32>], vector<16xf32>,
        %parallel_loop3A_1204 = arith.constant 1 : i32
        %parallel_loop3A_1205 = arith.index_cast %parallel_loop3A_1204 : i32 to index
        %parallel_loop3A_1206 = arith.index_cast %parallel_loop3A_1192 : i32 to index
        %parallel_loop3A_1207 = arith.constant 16 : index
        %parallel_loop3A_1208 = tpu.vector_load %arg9[%parallel_loop3A_1205, %parallel_loop3A_1206, %parallel_loop3A_1207] {strides = array<i32>} : memref<2x256x32xf32, #tpu.memory_space<vmem>>, vector<16xf32>,
        %parallel_loop3A_1209 = arith.constant 1 : i32
        %parallel_loop3A_1210 = arith.constant 0 : i32
        %parallel_loop3A_1211 = arith.constant 0 : i32
        %parallel_loop3A_1212 = arith.constant 0 : i32
        %parallel_loop3A_1213 = tpu.memref_slice %arg11[%parallel_loop3A_1209, %parallel_loop3A_1210, %parallel_loop3A_1211, %parallel_loop3A_1212] : memref<2x16x8x128xf32, #tpu.memory_space<vmem>> -> memref<1x16x8x128xf32, #tpu.memory_space<vmem>>
        %parallel_loop3A_1214 = tpu.memref_squeeze %parallel_loop3A_1213 : memref<1x16x8x128xf32, #tpu.memory_space<vmem>> -> memref<16x8x128xf32, #tpu.memory_space<vmem>>
        tpu.vector_store_idx %parallel_loop3A_1214[%add3A_324, %select_n3A_346, %parallel_loop3A_1144], %parallel_loop3A_1208 : memref<16x8x128xf32, #tpu.memory_space<vmem>>[vector<16xi32>, vector<16xi32>, vector<16xi32>], vector<16xf32>,
        %parallel_loop3A_1215 = arith.constant 1 : i32
        %parallel_loop3A_1216 = arith.index_cast %parallel_loop3A_1215 : i32 to index
        %parallel_loop3A_1217 = arith.index_cast %parallel_loop3A_1192 : i32 to index
        %parallel_loop3A_1218 = arith.constant 0 : index
        %parallel_loop3A_1219 = tpu.vector_load %arg10[%parallel_loop3A_1216, %parallel_loop3A_1217, %parallel_loop3A_1218] {strides = array<i32>} : memref<2x256x32xf32, #tpu.memory_space<vmem>>, vector<16xf32>,
        %parallel_loop3A_1220 = arith.constant 1 : i32
        %parallel_loop3A_1221 = arith.constant 0 : i32
        %parallel_loop3A_1222 = arith.constant 0 : i32
        %parallel_loop3A_1223 = arith.constant 0 : i32
        %parallel_loop3A_1224 = tpu.memref_slice %arg11[%parallel_loop3A_1220, %parallel_loop3A_1221, %parallel_loop3A_1222, %parallel_loop3A_1223] : memref<2x16x8x128xf32, #tpu.memory_space<vmem>> -> memref<1x16x8x128xf32, #tpu.memory_space<vmem>>
        %parallel_loop3A_1225 = tpu.memref_squeeze %parallel_loop3A_1224 : memref<1x16x8x128xf32, #tpu.memory_space<vmem>> -> memref<16x8x128xf32, #tpu.memory_space<vmem>>
        tpu.vector_store_idx %parallel_loop3A_1225[%add3A_383, %select_n3A_405, %parallel_loop3A_1144], %parallel_loop3A_1219 : memref<16x8x128xf32, #tpu.memory_space<vmem>>[vector<16xi32>, vector<16xi32>, vector<16xi32>], vector<16xf32>,
        %parallel_loop3A_1226 = arith.constant 1 : i32
        %parallel_loop3A_1227 = arith.index_cast %parallel_loop3A_1226 : i32 to index
        %parallel_loop3A_1228 = arith.index_cast %parallel_loop3A_1192 : i32 to index
        %parallel_loop3A_1229 = arith.constant 16 : index
        %parallel_loop3A_1230 = tpu.vector_load %arg10[%parallel_loop3A_1227, %parallel_loop3A_1228, %parallel_loop3A_1229] {strides = array<i32>} : memref<2x256x32xf32, #tpu.memory_space<vmem>>, vector<16xf32>,
        %parallel_loop3A_1231 = arith.constant 1 : i32
        %parallel_loop3A_1232 = arith.constant 0 : i32
        %parallel_loop3A_1233 = arith.constant 0 : i32
        %parallel_loop3A_1234 = arith.constant 0 : i32
        %parallel_loop3A_1235 = tpu.memref_slice %arg11[%parallel_loop3A_1231, %parallel_loop3A_1232, %parallel_loop3A_1233, %parallel_loop3A_1234] : memref<2x16x8x128xf32, #tpu.memory_space<vmem>> -> memref<1x16x8x128xf32, #tpu.memory_space<vmem>>
        %parallel_loop3A_1236 = tpu.memref_squeeze %parallel_loop3A_1235 : memref<1x16x8x128xf32, #tpu.memory_space<vmem>> -> memref<16x8x128xf32, #tpu.memory_space<vmem>>
        tpu.vector_store_idx %parallel_loop3A_1236[%add3A_442, %select_n3A_464, %parallel_loop3A_1144], %parallel_loop3A_1230 : memref<16x8x128xf32, #tpu.memory_space<vmem>>[vector<16xi32>, vector<16xi32>, vector<16xi32>], vector<16xf32>,
      } {sc.loop_unroll_factor = 8 : i64, sc.parallel_access}
      %mul3A_1033 = arith.constant 2 : i32
      %mul3A_1034 = arith.muli %add3A_964, %mul3A_1033 : i32
      %add3A_1035 = arith.constant 0 : i32
      %add3A_1036 = arith.addi %mul3A_1034, %add3A_1035 : i32
      %dma_start3A_1037 = arith.constant 1 : i32
      %dma_start3A_1038 = arith.constant 0 : i32
      %dma_start3A_1039 = arith.constant 0 : i32
      %dma_start3A_1040 = arith.constant 0 : i32
      %dma_start3A_1041 = tpu.memref_slice %arg11[%dma_start3A_1037, %dma_start3A_1038, %dma_start3A_1039, %dma_start3A_1040] : memref<2x16x8x128xf32, #tpu.memory_space<vmem>> -> memref<1x8x8x128xf32, #tpu.memory_space<vmem>>
      %dma_start3A_1042 = tpu.memref_squeeze %dma_start3A_1041 : memref<1x8x8x128xf32, #tpu.memory_space<vmem>> -> memref<8x8x128xf32, #tpu.memory_space<vmem>>
      %dma_start3A_1043 = arith.constant 0 : i32
      %dma_start3A_1044 = arith.constant 0 : i32
      %dma_start3A_1045 = arith.constant 0 : i32
      %dma_start3A_1046 = tpu.memref_slice %arg6[%add3A_1036, %dma_start3A_1043, %add3A, %dma_start3A_1044, %dma_start3A_1045] : memref<200x8x32x8x128xf32, #tpu.memory_space<hbm>> -> memref<1x8x1x8x128xf32, #tpu.memory_space<hbm>>
      %dma_start3A_1047 = tpu.memref_squeeze %dma_start3A_1046 : memref<1x8x1x8x128xf32, #tpu.memory_space<hbm>> -> memref<8x8x128xf32, #tpu.memory_space<hbm>>
      %dma_start3A_1048 = arith.constant 0 : i32
      %dma_start3A_1049 = arith.constant 0 : i32
      %dma_start3A_1050 = arith.constant 0 : i32
      %dma_start3A_1051 = tpu.memref_slice %arg6[%add3A_1036, %dma_start3A_1048, %add3A, %dma_start3A_1049, %dma_start3A_1050] : memref<200x8x32x8x128xf32, #tpu.memory_space<hbm>> -> memref<1x8x1x8x128xf32, #tpu.memory_space<hbm>>
      %dma_start3A_1052 = tpu.memref_squeeze %dma_start3A_1051 : memref<1x8x1x8x128xf32, #tpu.memory_space<hbm>> -> memref<8x8x128xf32, #tpu.memory_space<hbm>>
      %dma_start3A_1053 = arith.constant 0 : i32
      %dma_start3A_1054 = arith.constant 0 : i32
      %dma_start3A_1055 = arith.constant 0 : i32
      %dma_start3A_1056 = tpu.memref_slice %arg11[%dma_start3A_1037, %dma_start3A_1053, %dma_start3A_1054, %dma_start3A_1055] : memref<2x16x8x128xf32, #tpu.memory_space<vmem>> -> memref<1x8x8x128xf32, #tpu.memory_space<vmem>>
      %dma_start3A_1057 = tpu.memref_squeeze %dma_start3A_1056 : memref<1x8x8x128xf32, #tpu.memory_space<vmem>> -> memref<8x8x128xf32, #tpu.memory_space<vmem>>
      tpu.enqueue_dma source(%dma_start3A_1057 : memref<8x8x128xf32, #tpu.memory_space<vmem>>) target(%dma_start3A_1052 : memref<8x8x128xf32, #tpu.memory_space<hbm>>) target_semaphore(%arg17 : memref<!tpu.dma_semaphore, #tpu.memory_space<semaphore_mem>>)
      %mul3A_1058 = arith.constant 2 : i32
      %mul3A_1059 = arith.muli %add3A_964, %mul3A_1058 : i32
      %add3A_1060 = arith.constant 1 : i32
      %add3A_1061 = arith.addi %mul3A_1059, %add3A_1060 : i32
      %dma_start3A_1062 = arith.constant 1 : i32
      %dma_start3A_1063 = arith.constant 8 : i32
      %dma_start3A_1064 = arith.constant 0 : i32
      %dma_start3A_1065 = arith.constant 0 : i32
      %dma_start3A_1066 = tpu.memref_slice %arg11[%dma_start3A_1062, %dma_start3A_1063, %dma_start3A_1064, %dma_start3A_1065] : memref<2x16x8x128xf32, #tpu.memory_space<vmem>> -> memref<1x8x8x128xf32, #tpu.memory_space<vmem>>
      %dma_start3A_1067 = tpu.memref_squeeze %dma_start3A_1066 : memref<1x8x8x128xf32, #tpu.memory_space<vmem>> -> memref<8x8x128xf32, #tpu.memory_space<vmem>>
      %dma_start3A_1068 = arith.constant 0 : i32
      %dma_start3A_1069 = arith.constant 0 : i32
      %dma_start3A_1070 = arith.constant 0 : i32
      %dma_start3A_1071 = tpu.memref_slice %arg6[%add3A_1061, %dma_start3A_1068, %add3A, %dma_start3A_1069, %dma_start3A_1070] : memref<200x8x32x8x128xf32, #tpu.memory_space<hbm>> -> memref<1x8x1x8x128xf32, #tpu.memory_space<hbm>>
      %dma_start3A_1072 = tpu.memref_squeeze %dma_start3A_1071 : memref<1x8x1x8x128xf32, #tpu.memory_space<hbm>> -> memref<8x8x128xf32, #tpu.memory_space<hbm>>
      %dma_start3A_1073 = arith.constant 0 : i32
      %dma_start3A_1074 = arith.constant 0 : i32
      %dma_start3A_1075 = arith.constant 0 : i32
      %dma_start3A_1076 = tpu.memref_slice %arg6[%add3A_1061, %dma_start3A_1073, %add3A, %dma_start3A_1074, %dma_start3A_1075] : memref<200x8x32x8x128xf32, #tpu.memory_space<hbm>> -> memref<1x8x1x8x128xf32, #tpu.memory_space<hbm>>
      %dma_start3A_1077 = tpu.memref_squeeze %dma_start3A_1076 : memref<1x8x1x8x128xf32, #tpu.memory_space<hbm>> -> memref<8x8x128xf32, #tpu.memory_space<hbm>>
      %dma_start3A_1078 = arith.constant 8 : i32
      %dma_start3A_1079 = arith.constant 0 : i32
      %dma_start3A_1080 = arith.constant 0 : i32
      %dma_start3A_1081 = tpu.memref_slice %arg11[%dma_start3A_1062, %dma_start3A_1078, %dma_start3A_1079, %dma_start3A_1080] : memref<2x16x8x128xf32, #tpu.memory_space<vmem>> -> memref<1x8x8x128xf32, #tpu.memory_space<vmem>>
      %dma_start3A_1082 = tpu.memref_squeeze %dma_start3A_1081 : memref<1x8x8x128xf32, #tpu.memory_space<vmem>> -> memref<8x8x128xf32, #tpu.memory_space<vmem>>
      tpu.enqueue_dma source(%dma_start3A_1082 : memref<8x8x128xf32, #tpu.memory_space<vmem>>) target(%dma_start3A_1077 : memref<8x8x128xf32, #tpu.memory_space<hbm>>) target_semaphore(%arg17 : memref<!tpu.dma_semaphore, #tpu.memory_space<semaphore_mem>>)
      %add3A_1083 = arith.constant 2 : i32
      %add3A_1084 = arith.addi %add3A_964, %add3A_1083 : i32
      %min3A_1085 = arith.constant 99 : i32
      %min3A_1086 = arith.minsi %add3A_1084, %min3A_1085 : i32
      %mul3A_1087 = arith.constant 2 : i32
      %mul3A_1088 = arith.muli %min3A_1086, %mul3A_1087 : i32
      %run_scoped3A_1089 = arith.constant 1 : i32
      "tpu.region"() ({
        %run_scoped3A_1143 = tpu.sem_alloc : memref<!tpu.dma_semaphore, #tpu.memory_space<semaphore_mem>>
        %dma_start3A_1144 = arith.constant 0 : i32
        %dma_start3A_1145 = arith.constant 0 : i32
        %dma_start3A_1146 = tpu.memref_slice %arg7[%run_scoped3A_1089, %dma_start3A_1144, %dma_start3A_1145] : memref<2x2x128xi32, #tpu.memory_space<vmem>> -> memref<1x2x128xi32, #tpu.memory_space<vmem>>
        %dma_start3A_1147 = tpu.memref_squeeze %dma_start3A_1146 : memref<1x2x128xi32, #tpu.memory_space<vmem>> -> memref<2x128xi32, #tpu.memory_space<vmem>>
        %dma_start3A_1148 = tpu.memref_slice %arg2[%mul3A_1088, %mul3A_2] : memref<200x4096xi32, #tpu.memory_space<hbm>> -> memref<2x128xi32, #tpu.memory_space<hbm>>
        %dma_start3A_1149 = arith.constant 0 : i32
        %dma_start3A_1150 = arith.constant 0 : i32
        %dma_start3A_1151 = tpu.memref_slice %arg7[%run_scoped3A_1089, %dma_start3A_1149, %dma_start3A_1150] : memref<2x2x128xi32, #tpu.memory_space<vmem>> -> memref<1x2x128xi32, #tpu.memory_space<vmem>>
        %dma_start3A_1152 = tpu.memref_squeeze %dma_start3A_1151 : memref<1x2x128xi32, #tpu.memory_space<vmem>> -> memref<2x128xi32, #tpu.memory_space<vmem>>
        %dma_start3A_1153 = tpu.memref_slice %arg2[%mul3A_1088, %mul3A_2] : memref<200x4096xi32, #tpu.memory_space<hbm>> -> memref<2x128xi32, #tpu.memory_space<hbm>>
        tpu.enqueue_dma source(%dma_start3A_1153 : memref<2x128xi32, #tpu.memory_space<hbm>>) target(%dma_start3A_1152 : memref<2x128xi32, #tpu.memory_space<vmem>>) target_semaphore(%run_scoped3A_1143 : memref<!tpu.dma_semaphore, #tpu.memory_space<semaphore_mem>>)
        %dma_wait3A_1154 = arith.constant 0 : i32
        %dma_wait3A_1155 = arith.constant 0 : i32
        %dma_wait3A_1156 = tpu.memref_slice %arg7[%run_scoped3A_1089, %dma_wait3A_1154, %dma_wait3A_1155] : memref<2x2x128xi32, #tpu.memory_space<vmem>> -> memref<1x2x128xi32, #tpu.memory_space<vmem>>
        %dma_wait3A_1157 = tpu.memref_squeeze %dma_wait3A_1156 : memref<1x2x128xi32, #tpu.memory_space<vmem>> -> memref<2x128xi32, #tpu.memory_space<vmem>>
        %dma_wait3A_1158 = tpu.memref_slice %arg2[%mul3A_1088, %mul3A_2] : memref<200x4096xi32, #tpu.memory_space<hbm>> -> memref<2x128xi32, #tpu.memory_space<hbm>>
        %dma_wait3A_1159 = arith.constant 0 : i32
        %dma_wait3A_1160 = arith.constant 0 : i32
        %dma_wait3A_1161 = tpu.memref_slice %arg7[%run_scoped3A_1089, %dma_wait3A_1159, %dma_wait3A_1160] : memref<2x2x128xi32, #tpu.memory_space<vmem>> -> memref<1x2x128xi32, #tpu.memory_space<vmem>>
        %dma_wait3A_1162 = tpu.memref_squeeze %dma_wait3A_1161 : memref<1x2x128xi32, #tpu.memory_space<vmem>> -> memref<2x128xi32, #tpu.memory_space<vmem>>
        %dma_wait3A_1163 = tpu.memref_slice %arg2[%mul3A_1088, %mul3A_2] : memref<200x4096xi32, #tpu.memory_space<hbm>> -> memref<2x128xi32, #tpu.memory_space<hbm>>
        tpu.wait_dma2 semaphore(%run_scoped3A_1143 : memref<!tpu.dma_semaphore, #tpu.memory_space<semaphore_mem>>) src(%dma_wait3A_1163 : memref<2x128xi32, #tpu.memory_space<hbm>>) dst(%dma_wait3A_1162 : memref<2x128xi32, #tpu.memory_space<vmem>>)
        tpu.yield
      }) : () -> ()
      %run_scoped3A_1090 = arith.constant 1 : i32
      "tpu.region"() ({
        %run_scoped3A_1143 = tpu.sem_alloc : memref<!tpu.dma_semaphore, #tpu.memory_space<semaphore_mem>>
        %dma_start3A_1144 = arith.constant 0 : i32
        %dma_start3A_1145 = arith.constant 0 : i32
        %dma_start3A_1146 = tpu.memref_slice %arg8[%run_scoped3A_1090, %dma_start3A_1144, %dma_start3A_1145] : memref<2x2x128xi32, #tpu.memory_space<vmem>> -> memref<1x2x128xi32, #tpu.memory_space<vmem>>
        %dma_start3A_1147 = tpu.memref_squeeze %dma_start3A_1146 : memref<1x2x128xi32, #tpu.memory_space<vmem>> -> memref<2x128xi32, #tpu.memory_space<vmem>>
        %dma_start3A_1148 = tpu.memref_slice %arg3[%mul3A_1088, %mul3A_2] : memref<200x4096xi32, #tpu.memory_space<hbm>> -> memref<2x128xi32, #tpu.memory_space<hbm>>
        %dma_start3A_1149 = arith.constant 0 : i32
        %dma_start3A_1150 = arith.constant 0 : i32
        %dma_start3A_1151 = tpu.memref_slice %arg8[%run_scoped3A_1090, %dma_start3A_1149, %dma_start3A_1150] : memref<2x2x128xi32, #tpu.memory_space<vmem>> -> memref<1x2x128xi32, #tpu.memory_space<vmem>>
        %dma_start3A_1152 = tpu.memref_squeeze %dma_start3A_1151 : memref<1x2x128xi32, #tpu.memory_space<vmem>> -> memref<2x128xi32, #tpu.memory_space<vmem>>
        %dma_start3A_1153 = tpu.memref_slice %arg3[%mul3A_1088, %mul3A_2] : memref<200x4096xi32, #tpu.memory_space<hbm>> -> memref<2x128xi32, #tpu.memory_space<hbm>>
        tpu.enqueue_dma source(%dma_start3A_1153 : memref<2x128xi32, #tpu.memory_space<hbm>>) target(%dma_start3A_1152 : memref<2x128xi32, #tpu.memory_space<vmem>>) target_semaphore(%run_scoped3A_1143 : memref<!tpu.dma_semaphore, #tpu.memory_space<semaphore_mem>>)
        %dma_wait3A_1154 = arith.constant 0 : i32
        %dma_wait3A_1155 = arith.constant 0 : i32
        %dma_wait3A_1156 = tpu.memref_slice %arg8[%run_scoped3A_1090, %dma_wait3A_1154, %dma_wait3A_1155] : memref<2x2x128xi32, #tpu.memory_space<vmem>> -> memref<1x2x128xi32, #tpu.memory_space<vmem>>
        %dma_wait3A_1157 = tpu.memref_squeeze %dma_wait3A_1156 : memref<1x2x128xi32, #tpu.memory_space<vmem>> -> memref<2x128xi32, #tpu.memory_space<vmem>>
        %dma_wait3A_1158 = tpu.memref_slice %arg3[%mul3A_1088, %mul3A_2] : memref<200x4096xi32, #tpu.memory_space<hbm>> -> memref<2x128xi32, #tpu.memory_space<hbm>>
        %dma_wait3A_1159 = arith.constant 0 : i32
        %dma_wait3A_1160 = arith.constant 0 : i32
        %dma_wait3A_1161 = tpu.memref_slice %arg8[%run_scoped3A_1090, %dma_wait3A_1159, %dma_wait3A_1160] : memref<2x2x128xi32, #tpu.memory_space<vmem>> -> memref<1x2x128xi32, #tpu.memory_space<vmem>>
        %dma_wait3A_1162 = tpu.memref_squeeze %dma_wait3A_1161 : memref<1x2x128xi32, #tpu.memory_space<vmem>> -> memref<2x128xi32, #tpu.memory_space<vmem>>
        %dma_wait3A_1163 = tpu.memref_slice %arg3[%mul3A_1088, %mul3A_2] : memref<200x4096xi32, #tpu.memory_space<hbm>> -> memref<2x128xi32, #tpu.memory_space<hbm>>
        tpu.wait_dma2 semaphore(%run_scoped3A_1143 : memref<!tpu.dma_semaphore, #tpu.memory_space<semaphore_mem>>) src(%dma_wait3A_1163 : memref<2x128xi32, #tpu.memory_space<hbm>>) dst(%dma_wait3A_1162 : memref<2x128xi32, #tpu.memory_space<vmem>>)
        tpu.yield
      }) : () -> ()
      %dma_start3A_1091 = arith.constant 1 : i32
      %dma_start3A_1092 = arith.constant 0 : i32
      %dma_start3A_1093 = arith.constant 1 : i32
      %dma_start3A_1094 = arith.constant 0 : i32
      %dma_start3A_1095 = arith.constant 0 : i32
      %dma_start3A_1096 = tpu.memref_slice %arg9[%dma_start3A_1093, %dma_start3A_1094, %dma_start3A_1095] : memref<2x256x32xf32, #tpu.memory_space<vmem>> -> memref<1x128x32xf32, #tpu.memory_space<vmem>>
      %dma_start3A_1097 = tpu.memref_squeeze %dma_start3A_1096 : memref<1x128x32xf32, #tpu.memory_space<vmem>> -> memref<128x32xf32, #tpu.memory_space<vmem>>
      %dma_start3A_1098 = arith.constant 0 : i32
      %dma_start3A_1099 = tpu.memref_slice %arg7[%dma_start3A_1091, %dma_start3A_1092, %dma_start3A_1098] : memref<2x2x128xi32, #tpu.memory_space<vmem>> -> memref<1x1x128xi32, #tpu.memory_space<vmem>>
      %dma_start3A_1100 = tpu.memref_squeeze %dma_start3A_1099 : memref<1x1x128xi32, #tpu.memory_space<vmem>> -> memref<128xi32, #tpu.memory_space<vmem>>
      %dma_start3A_1101 = arith.constant 0 : i32
      %dma_start3A_1102 = arith.constant 0 : i32
      %dma_start3A_1103 = tpu.memref_slice %arg4[%dma_start3A_1101, %dma_start3A_1102] : memref<1000000x32xf32, #tpu.memory_space<hbm>> -> memref<1000000x32xf32, #tpu.memory_space<hbm>>
      tpu.enqueue_indirect_dma source(%dma_start3A_1103 : memref<1000000x32xf32, #tpu.memory_space<hbm>>) target(%dma_start3A_1097 : memref<128x32xf32, #tpu.memory_space<vmem>>) offsets(%dma_start3A_1100 : memref<128xi32, #tpu.memory_space<vmem>>) semaphore(%arg13 : memref<!tpu.dma_semaphore, #tpu.memory_space<semaphore_mem>>)
      %dma_start3A_1104 = arith.constant 1 : i32
      %dma_start3A_1105 = arith.constant 0 : i32
      %dma_start3A_1106 = arith.constant 1 : i32
      %dma_start3A_1107 = arith.constant 0 : i32
      %dma_start3A_1108 = arith.constant 0 : i32
      %dma_start3A_1109 = tpu.memref_slice %arg10[%dma_start3A_1106, %dma_start3A_1107, %dma_start3A_1108] : memref<2x256x32xf32, #tpu.memory_space<vmem>> -> memref<1x128x32xf32, #tpu.memory_space<vmem>>
      %dma_start3A_1110 = tpu.memref_squeeze %dma_start3A_1109 : memref<1x128x32xf32, #tpu.memory_space<vmem>> -> memref<128x32xf32, #tpu.memory_space<vmem>>
      %dma_start3A_1111 = arith.constant 0 : i32
      %dma_start3A_1112 = tpu.memref_slice %arg8[%dma_start3A_1104, %dma_start3A_1105, %dma_start3A_1111] : memref<2x2x128xi32, #tpu.memory_space<vmem>> -> memref<1x1x128xi32, #tpu.memory_space<vmem>>
      %dma_start3A_1113 = tpu.memref_squeeze %dma_start3A_1112 : memref<1x1x128xi32, #tpu.memory_space<vmem>> -> memref<128xi32, #tpu.memory_space<vmem>>
      %dma_start3A_1114 = arith.constant 0 : i32
      %dma_start3A_1115 = arith.constant 0 : i32
      %dma_start3A_1116 = tpu.memref_slice %arg5[%dma_start3A_1114, %dma_start3A_1115] : memref<100000x32xf32, #tpu.memory_space<hbm>> -> memref<100000x32xf32, #tpu.memory_space<hbm>>
      tpu.enqueue_indirect_dma source(%dma_start3A_1116 : memref<100000x32xf32, #tpu.memory_space<hbm>>) target(%dma_start3A_1110 : memref<128x32xf32, #tpu.memory_space<vmem>>) offsets(%dma_start3A_1113 : memref<128xi32, #tpu.memory_space<vmem>>) semaphore(%arg15 : memref<!tpu.dma_semaphore, #tpu.memory_space<semaphore_mem>>)
      %dma_start3A_1117 = arith.constant 1 : i32
      %dma_start3A_1118 = arith.constant 1 : i32
      %dma_start3A_1119 = arith.constant 1 : i32
      %dma_start3A_1120 = arith.constant 128 : i32
      %dma_start3A_1121 = arith.constant 0 : i32
      %dma_start3A_1122 = tpu.memref_slice %arg9[%dma_start3A_1119, %dma_start3A_1120, %dma_start3A_1121] : memref<2x256x32xf32, #tpu.memory_space<vmem>> -> memref<1x128x32xf32, #tpu.memory_space<vmem>>
      %dma_start3A_1123 = tpu.memref_squeeze %dma_start3A_1122 : memref<1x128x32xf32, #tpu.memory_space<vmem>> -> memref<128x32xf32, #tpu.memory_space<vmem>>
      %dma_start3A_1124 = arith.constant 0 : i32
      %dma_start3A_1125 = tpu.memref_slice %arg7[%dma_start3A_1117, %dma_start3A_1118, %dma_start3A_1124] : memref<2x2x128xi32, #tpu.memory_space<vmem>> -> memref<1x1x128xi32, #tpu.memory_space<vmem>>
      %dma_start3A_1126 = tpu.memref_squeeze %dma_start3A_1125 : memref<1x1x128xi32, #tpu.memory_space<vmem>> -> memref<128xi32, #tpu.memory_space<vmem>>
      %dma_start3A_1127 = arith.constant 0 : i32
      %dma_start3A_1128 = arith.constant 0 : i32
      %dma_start3A_1129 = tpu.memref_slice %arg4[%dma_start3A_1127, %dma_start3A_1128] : memref<1000000x32xf32, #tpu.memory_space<hbm>> -> memref<1000000x32xf32, #tpu.memory_space<hbm>>
      tpu.enqueue_indirect_dma source(%dma_start3A_1129 : memref<1000000x32xf32, #tpu.memory_space<hbm>>) target(%dma_start3A_1123 : memref<128x32xf32, #tpu.memory_space<vmem>>) offsets(%dma_start3A_1126 : memref<128xi32, #tpu.memory_space<vmem>>) semaphore(%arg13 : memref<!tpu.dma_semaphore, #tpu.memory_space<semaphore_mem>>)
      %dma_start3A_1130 = arith.constant 1 : i32
      %dma_start3A_1131 = arith.constant 1 : i32
      %dma_start3A_1132 = arith.constant 1 : i32
      %dma_start3A_1133 = arith.constant 128 : i32
      %dma_start3A_1134 = arith.constant 0 : i32
      %dma_start3A_1135 = tpu.memref_slice %arg10[%dma_start3A_1132, %dma_start3A_1133, %dma_start3A_1134] : memref<2x256x32xf32, #tpu.memory_space<vmem>> -> memref<1x128x32xf32, #tpu.memory_space<vmem>>
      %dma_start3A_1136 = tpu.memref_squeeze %dma_start3A_1135 : memref<1x128x32xf32, #tpu.memory_space<vmem>> -> memref<128x32xf32, #tpu.memory_space<vmem>>
      %dma_start3A_1137 = arith.constant 0 : i32
      %dma_start3A_1138 = tpu.memref_slice %arg8[%dma_start3A_1130, %dma_start3A_1131, %dma_start3A_1137] : memref<2x2x128xi32, #tpu.memory_space<vmem>> -> memref<1x1x128xi32, #tpu.memory_space<vmem>>
      %dma_start3A_1139 = tpu.memref_squeeze %dma_start3A_1138 : memref<1x1x128xi32, #tpu.memory_space<vmem>> -> memref<128xi32, #tpu.memory_space<vmem>>
      %dma_start3A_1140 = arith.constant 0 : i32
      %dma_start3A_1141 = arith.constant 0 : i32
      %dma_start3A_1142 = tpu.memref_slice %arg5[%dma_start3A_1140, %dma_start3A_1141] : memref<100000x32xf32, #tpu.memory_space<hbm>> -> memref<100000x32xf32, #tpu.memory_space<hbm>>
      tpu.enqueue_indirect_dma source(%dma_start3A_1142 : memref<100000x32xf32, #tpu.memory_space<hbm>>) target(%dma_start3A_1136 : memref<128x32xf32, #tpu.memory_space<vmem>>) offsets(%dma_start3A_1139 : memref<128xi32, #tpu.memory_space<vmem>>) semaphore(%arg15 : memref<!tpu.dma_semaphore, #tpu.memory_space<semaphore_mem>>)
    }
    %scan3A_575 = arith.constant 50 : i32
    %dma_wait3A = arith.constant 0 : i32
    %dma_wait3A_576 = arith.constant 0 : i32
    %dma_wait3A_577 = arith.constant 0 : i32
    %dma_wait3A_578 = tpu.memref_slice %arg9[%dma_wait3A, %dma_wait3A_576, %dma_wait3A_577] : memref<2x256x32xf32, #tpu.memory_space<vmem>> -> memref<1x128x32xf32, #tpu.memory_space<vmem>>
    %dma_wait3A_579 = tpu.memref_squeeze %dma_wait3A_578 : memref<1x128x32xf32, #tpu.memory_space<vmem>> -> memref<128x32xf32, #tpu.memory_space<vmem>>
    %dma_wait3A_580 = arith.constant 0 : i32
    %dma_wait3A_581 = arith.constant 0 : i32
    %dma_wait3A_582 = tpu.memref_slice %arg4[%dma_wait3A_580, %dma_wait3A_581] : memref<1000000x32xf32, #tpu.memory_space<hbm>> -> memref<128x32xf32, #tpu.memory_space<hbm>>
    %dma_wait3A_583 = arith.constant 0 : i32
    %dma_wait3A_584 = arith.constant 0 : i32
    %dma_wait3A_585 = tpu.memref_slice %arg9[%dma_wait3A, %dma_wait3A_583, %dma_wait3A_584] : memref<2x256x32xf32, #tpu.memory_space<vmem>> -> memref<1x128x32xf32, #tpu.memory_space<vmem>>
    %dma_wait3A_586 = tpu.memref_squeeze %dma_wait3A_585 : memref<1x128x32xf32, #tpu.memory_space<vmem>> -> memref<128x32xf32, #tpu.memory_space<vmem>>
    %dma_wait3A_587 = arith.constant 0 : i32
    %dma_wait3A_588 = arith.constant 0 : i32
    %dma_wait3A_589 = tpu.memref_slice %arg4[%dma_wait3A_587, %dma_wait3A_588] : memref<1000000x32xf32, #tpu.memory_space<hbm>> -> memref<128x32xf32, #tpu.memory_space<hbm>>
    tpu.wait_dma2 semaphore(%arg12 : memref<!tpu.dma_semaphore, #tpu.memory_space<semaphore_mem>>) src(%dma_wait3A_589 : memref<128x32xf32, #tpu.memory_space<hbm>>) dst(%dma_wait3A_586 : memref<128x32xf32, #tpu.memory_space<vmem>>)
    %dma_wait3A_590 = arith.constant 0 : i32
    %dma_wait3A_591 = arith.constant 0 : i32
    %dma_wait3A_592 = arith.constant 0 : i32
    %dma_wait3A_593 = tpu.memref_slice %arg10[%dma_wait3A_590, %dma_wait3A_591, %dma_wait3A_592] : memref<2x256x32xf32, #tpu.memory_space<vmem>> -> memref<1x128x32xf32, #tpu.memory_space<vmem>>
    %dma_wait3A_594 = tpu.memref_squeeze %dma_wait3A_593 : memref<1x128x32xf32, #tpu.memory_space<vmem>> -> memref<128x32xf32, #tpu.memory_space<vmem>>
    %dma_wait3A_595 = arith.constant 0 : i32
    %dma_wait3A_596 = arith.constant 0 : i32
    %dma_wait3A_597 = tpu.memref_slice %arg5[%dma_wait3A_595, %dma_wait3A_596] : memref<100000x32xf32, #tpu.memory_space<hbm>> -> memref<128x32xf32, #tpu.memory_space<hbm>>
    %dma_wait3A_598 = arith.constant 0 : i32
    %dma_wait3A_599 = arith.constant 0 : i32
    %dma_wait3A_600 = tpu.memref_slice %arg10[%dma_wait3A_590, %dma_wait3A_598, %dma_wait3A_599] : memref<2x256x32xf32, #tpu.memory_space<vmem>> -> memref<1x128x32xf32, #tpu.memory_space<vmem>>
    %dma_wait3A_601 = tpu.memref_squeeze %dma_wait3A_600 : memref<1x128x32xf32, #tpu.memory_space<vmem>> -> memref<128x32xf32, #tpu.memory_space<vmem>>
    %dma_wait3A_602 = arith.constant 0 : i32
    %dma_wait3A_603 = arith.constant 0 : i32
    %dma_wait3A_604 = tpu.memref_slice %arg5[%dma_wait3A_602, %dma_wait3A_603] : memref<100000x32xf32, #tpu.memory_space<hbm>> -> memref<128x32xf32, #tpu.memory_space<hbm>>
    tpu.wait_dma2 semaphore(%arg14 : memref<!tpu.dma_semaphore, #tpu.memory_space<semaphore_mem>>) src(%dma_wait3A_604 : memref<128x32xf32, #tpu.memory_space<hbm>>) dst(%dma_wait3A_601 : memref<128x32xf32, #tpu.memory_space<vmem>>)
    %dma_wait3A_605 = arith.constant 0 : i32
    %dma_wait3A_606 = arith.constant 128 : i32
    %dma_wait3A_607 = arith.constant 0 : i32
    %dma_wait3A_608 = tpu.memref_slice %arg9[%dma_wait3A_605, %dma_wait3A_606, %dma_wait3A_607] : memref<2x256x32xf32, #tpu.memory_space<vmem>> -> memref<1x128x32xf32, #tpu.memory_space<vmem>>
    %dma_wait3A_609 = tpu.memref_squeeze %dma_wait3A_608 : memref<1x128x32xf32, #tpu.memory_space<vmem>> -> memref<128x32xf32, #tpu.memory_space<vmem>>
    %dma_wait3A_610 = arith.constant 0 : i32
    %dma_wait3A_611 = arith.constant 0 : i32
    %dma_wait3A_612 = tpu.memref_slice %arg4[%dma_wait3A_610, %dma_wait3A_611] : memref<1000000x32xf32, #tpu.memory_space<hbm>> -> memref<128x32xf32, #tpu.memory_space<hbm>>
    %dma_wait3A_613 = arith.constant 128 : i32
    %dma_wait3A_614 = arith.constant 0 : i32
    %dma_wait3A_615 = tpu.memref_slice %arg9[%dma_wait3A_605, %dma_wait3A_613, %dma_wait3A_614] : memref<2x256x32xf32, #tpu.memory_space<vmem>> -> memref<1x128x32xf32, #tpu.memory_space<vmem>>
    %dma_wait3A_616 = tpu.memref_squeeze %dma_wait3A_615 : memref<1x128x32xf32, #tpu.memory_space<vmem>> -> memref<128x32xf32, #tpu.memory_space<vmem>>
    %dma_wait3A_617 = arith.constant 0 : i32
    %dma_wait3A_618 = arith.constant 0 : i32
    %dma_wait3A_619 = tpu.memref_slice %arg4[%dma_wait3A_617, %dma_wait3A_618] : memref<1000000x32xf32, #tpu.memory_space<hbm>> -> memref<128x32xf32, #tpu.memory_space<hbm>>
    tpu.wait_dma2 semaphore(%arg12 : memref<!tpu.dma_semaphore, #tpu.memory_space<semaphore_mem>>) src(%dma_wait3A_619 : memref<128x32xf32, #tpu.memory_space<hbm>>) dst(%dma_wait3A_616 : memref<128x32xf32, #tpu.memory_space<vmem>>)
    %dma_wait3A_620 = arith.constant 0 : i32
    %dma_wait3A_621 = arith.constant 128 : i32
    %dma_wait3A_622 = arith.constant 0 : i32
    %dma_wait3A_623 = tpu.memref_slice %arg10[%dma_wait3A_620, %dma_wait3A_621, %dma_wait3A_622] : memref<2x256x32xf32, #tpu.memory_space<vmem>> -> memref<1x128x32xf32, #tpu.memory_space<vmem>>
    %dma_wait3A_624 = tpu.memref_squeeze %dma_wait3A_623 : memref<1x128x32xf32, #tpu.memory_space<vmem>> -> memref<128x32xf32, #tpu.memory_space<vmem>>
    %dma_wait3A_625 = arith.constant 0 : i32
    %dma_wait3A_626 = arith.constant 0 : i32
    %dma_wait3A_627 = tpu.memref_slice %arg5[%dma_wait3A_625, %dma_wait3A_626] : memref<100000x32xf32, #tpu.memory_space<hbm>> -> memref<128x32xf32, #tpu.memory_space<hbm>>
    %dma_wait3A_628 = arith.constant 128 : i32
    %dma_wait3A_629 = arith.constant 0 : i32
    %dma_wait3A_630 = tpu.memref_slice %arg10[%dma_wait3A_620, %dma_wait3A_628, %dma_wait3A_629] : memref<2x256x32xf32, #tpu.memory_space<vmem>> -> memref<1x128x32xf32, #tpu.memory_space<vmem>>
    %dma_wait3A_631 = tpu.memref_squeeze %dma_wait3A_630 : memref<1x128x32xf32, #tpu.memory_space<vmem>> -> memref<128x32xf32, #tpu.memory_space<vmem>>
    %dma_wait3A_632 = arith.constant 0 : i32
    %dma_wait3A_633 = arith.constant 0 : i32
    %dma_wait3A_634 = tpu.memref_slice %arg5[%dma_wait3A_632, %dma_wait3A_633] : memref<100000x32xf32, #tpu.memory_space<hbm>> -> memref<128x32xf32, #tpu.memory_space<hbm>>
    tpu.wait_dma2 semaphore(%arg14 : memref<!tpu.dma_semaphore, #tpu.memory_space<semaphore_mem>>) src(%dma_wait3A_634 : memref<128x32xf32, #tpu.memory_space<hbm>>) dst(%dma_wait3A_631 : memref<128x32xf32, #tpu.memory_space<vmem>>)
    %dma_wait3A_635 = arith.constant 0 : i32
    %dma_wait3A_636 = arith.constant 0 : i32
    %dma_wait3A_637 = arith.constant 0 : i32
    %dma_wait3A_638 = arith.constant 0 : i32
    %dma_wait3A_639 = arith.constant 0 : i32
    %dma_wait3A_640 = tpu.memref_slice %arg11[%dma_wait3A_635, %dma_wait3A_637, %dma_wait3A_638, %dma_wait3A_639] : memref<2x16x8x128xf32, #tpu.memory_space<vmem>> -> memref<1x8x8x128xf32, #tpu.memory_space<vmem>>
    %dma_wait3A_641 = tpu.memref_squeeze %dma_wait3A_640 : memref<1x8x8x128xf32, #tpu.memory_space<vmem>> -> memref<8x8x128xf32, #tpu.memory_space<vmem>>
    %dma_wait3A_642 = arith.constant 0 : i32
    %dma_wait3A_643 = arith.constant 0 : i32
    %dma_wait3A_644 = arith.constant 0 : i32
    %dma_wait3A_645 = tpu.memref_slice %arg6[%dma_wait3A_636, %dma_wait3A_642, %add3A, %dma_wait3A_643, %dma_wait3A_644] : memref<200x8x32x8x128xf32, #tpu.memory_space<hbm>> -> memref<1x8x1x8x128xf32, #tpu.memory_space<hbm>>
    %dma_wait3A_646 = tpu.memref_squeeze %dma_wait3A_645 : memref<1x8x1x8x128xf32, #tpu.memory_space<hbm>> -> memref<8x8x128xf32, #tpu.memory_space<hbm>>
    %dma_wait3A_647 = arith.constant 0 : i32
    %dma_wait3A_648 = arith.constant 0 : i32
    %dma_wait3A_649 = arith.constant 0 : i32
    %dma_wait3A_650 = tpu.memref_slice %arg6[%dma_wait3A_636, %dma_wait3A_647, %add3A, %dma_wait3A_648, %dma_wait3A_649] : memref<200x8x32x8x128xf32, #tpu.memory_space<hbm>> -> memref<1x8x1x8x128xf32, #tpu.memory_space<hbm>>
    %dma_wait3A_651 = tpu.memref_squeeze %dma_wait3A_650 : memref<1x8x1x8x128xf32, #tpu.memory_space<hbm>> -> memref<8x8x128xf32, #tpu.memory_space<hbm>>
    %dma_wait3A_652 = arith.constant 0 : i32
    %dma_wait3A_653 = arith.constant 0 : i32
    %dma_wait3A_654 = arith.constant 0 : i32
    %dma_wait3A_655 = tpu.memref_slice %arg11[%dma_wait3A_635, %dma_wait3A_652, %dma_wait3A_653, %dma_wait3A_654] : memref<2x16x8x128xf32, #tpu.memory_space<vmem>> -> memref<1x8x8x128xf32, #tpu.memory_space<vmem>>
    %dma_wait3A_656 = tpu.memref_squeeze %dma_wait3A_655 : memref<1x8x8x128xf32, #tpu.memory_space<vmem>> -> memref<8x8x128xf32, #tpu.memory_space<vmem>>
    tpu.wait_dma2 semaphore(%arg16 : memref<!tpu.dma_semaphore, #tpu.memory_space<semaphore_mem>>) src(%dma_wait3A_656 : memref<8x8x128xf32, #tpu.memory_space<vmem>>) dst(%dma_wait3A_651 : memref<8x8x128xf32, #tpu.memory_space<hbm>>)
    %dma_wait3A_657 = arith.constant 0 : i32
    %dma_wait3A_658 = arith.constant 0 : i32
    %dma_wait3A_659 = arith.constant 8 : i32
    %dma_wait3A_660 = arith.constant 0 : i32
    %dma_wait3A_661 = arith.constant 0 : i32
    %dma_wait3A_662 = tpu.memref_slice %arg11[%dma_wait3A_657, %dma_wait3A_659, %dma_wait3A_660, %dma_wait3A_661] : memref<2x16x8x128xf32, #tpu.memory_space<vmem>> -> memref<1x8x8x128xf32, #tpu.memory_space<vmem>>
    %dma_wait3A_663 = tpu.memref_squeeze %dma_wait3A_662 : memref<1x8x8x128xf32, #tpu.memory_space<vmem>> -> memref<8x8x128xf32, #tpu.memory_space<vmem>>
    %dma_wait3A_664 = arith.constant 0 : i32
    %dma_wait3A_665 = arith.constant 0 : i32
    %dma_wait3A_666 = arith.constant 0 : i32
    %dma_wait3A_667 = tpu.memref_slice %arg6[%dma_wait3A_658, %dma_wait3A_664, %add3A, %dma_wait3A_665, %dma_wait3A_666] : memref<200x8x32x8x128xf32, #tpu.memory_space<hbm>> -> memref<1x8x1x8x128xf32, #tpu.memory_space<hbm>>
    %dma_wait3A_668 = tpu.memref_squeeze %dma_wait3A_667 : memref<1x8x1x8x128xf32, #tpu.memory_space<hbm>> -> memref<8x8x128xf32, #tpu.memory_space<hbm>>
    %dma_wait3A_669 = arith.constant 0 : i32
    %dma_wait3A_670 = arith.constant 0 : i32
    %dma_wait3A_671 = arith.constant 0 : i32
    %dma_wait3A_672 = tpu.memref_slice %arg6[%dma_wait3A_658, %dma_wait3A_669, %add3A, %dma_wait3A_670, %dma_wait3A_671] : memref<200x8x32x8x128xf32, #tpu.memory_space<hbm>> -> memref<1x8x1x8x128xf32, #tpu.memory_space<hbm>>
    %dma_wait3A_673 = tpu.memref_squeeze %dma_wait3A_672 : memref<1x8x1x8x128xf32, #tpu.memory_space<hbm>> -> memref<8x8x128xf32, #tpu.memory_space<hbm>>
    %dma_wait3A_674 = arith.constant 8 : i32
    %dma_wait3A_675 = arith.constant 0 : i32
    %dma_wait3A_676 = arith.constant 0 : i32
    %dma_wait3A_677 = tpu.memref_slice %arg11[%dma_wait3A_657, %dma_wait3A_674, %dma_wait3A_675, %dma_wait3A_676] : memref<2x16x8x128xf32, #tpu.memory_space<vmem>> -> memref<1x8x8x128xf32, #tpu.memory_space<vmem>>
    %dma_wait3A_678 = tpu.memref_squeeze %dma_wait3A_677 : memref<1x8x8x128xf32, #tpu.memory_space<vmem>> -> memref<8x8x128xf32, #tpu.memory_space<vmem>>
    tpu.wait_dma2 semaphore(%arg16 : memref<!tpu.dma_semaphore, #tpu.memory_space<semaphore_mem>>) src(%dma_wait3A_678 : memref<8x8x128xf32, #tpu.memory_space<vmem>>) dst(%dma_wait3A_673 : memref<8x8x128xf32, #tpu.memory_space<hbm>>)
    %dma_wait3A_679 = arith.constant 1 : i32
    %dma_wait3A_680 = arith.constant 0 : i32
    %dma_wait3A_681 = arith.constant 0 : i32
    %dma_wait3A_682 = tpu.memref_slice %arg9[%dma_wait3A_679, %dma_wait3A_680, %dma_wait3A_681] : memref<2x256x32xf32, #tpu.memory_space<vmem>> -> memref<1x128x32xf32, #tpu.memory_space<vmem>>
    %dma_wait3A_683 = tpu.memref_squeeze %dma_wait3A_682 : memref<1x128x32xf32, #tpu.memory_space<vmem>> -> memref<128x32xf32, #tpu.memory_space<vmem>>
    %dma_wait3A_684 = arith.constant 0 : i32
    %dma_wait3A_685 = arith.constant 0 : i32
    %dma_wait3A_686 = tpu.memref_slice %arg4[%dma_wait3A_684, %dma_wait3A_685] : memref<1000000x32xf32, #tpu.memory_space<hbm>> -> memref<128x32xf32, #tpu.memory_space<hbm>>
    %dma_wait3A_687 = arith.constant 0 : i32
    %dma_wait3A_688 = arith.constant 0 : i32
    %dma_wait3A_689 = tpu.memref_slice %arg9[%dma_wait3A_679, %dma_wait3A_687, %dma_wait3A_688] : memref<2x256x32xf32, #tpu.memory_space<vmem>> -> memref<1x128x32xf32, #tpu.memory_space<vmem>>
    %dma_wait3A_690 = tpu.memref_squeeze %dma_wait3A_689 : memref<1x128x32xf32, #tpu.memory_space<vmem>> -> memref<128x32xf32, #tpu.memory_space<vmem>>
    %dma_wait3A_691 = arith.constant 0 : i32
    %dma_wait3A_692 = arith.constant 0 : i32
    %dma_wait3A_693 = tpu.memref_slice %arg4[%dma_wait3A_691, %dma_wait3A_692] : memref<1000000x32xf32, #tpu.memory_space<hbm>> -> memref<128x32xf32, #tpu.memory_space<hbm>>
    tpu.wait_dma2 semaphore(%arg13 : memref<!tpu.dma_semaphore, #tpu.memory_space<semaphore_mem>>) src(%dma_wait3A_693 : memref<128x32xf32, #tpu.memory_space<hbm>>) dst(%dma_wait3A_690 : memref<128x32xf32, #tpu.memory_space<vmem>>)
    %dma_wait3A_694 = arith.constant 1 : i32
    %dma_wait3A_695 = arith.constant 0 : i32
    %dma_wait3A_696 = arith.constant 0 : i32
    %dma_wait3A_697 = tpu.memref_slice %arg10[%dma_wait3A_694, %dma_wait3A_695, %dma_wait3A_696] : memref<2x256x32xf32, #tpu.memory_space<vmem>> -> memref<1x128x32xf32, #tpu.memory_space<vmem>>
    %dma_wait3A_698 = tpu.memref_squeeze %dma_wait3A_697 : memref<1x128x32xf32, #tpu.memory_space<vmem>> -> memref<128x32xf32, #tpu.memory_space<vmem>>
    %dma_wait3A_699 = arith.constant 0 : i32
    %dma_wait3A_700 = arith.constant 0 : i32
    %dma_wait3A_701 = tpu.memref_slice %arg5[%dma_wait3A_699, %dma_wait3A_700] : memref<100000x32xf32, #tpu.memory_space<hbm>> -> memref<128x32xf32, #tpu.memory_space<hbm>>
    %dma_wait3A_702 = arith.constant 0 : i32
    %dma_wait3A_703 = arith.constant 0 : i32
    %dma_wait3A_704 = tpu.memref_slice %arg10[%dma_wait3A_694, %dma_wait3A_702, %dma_wait3A_703] : memref<2x256x32xf32, #tpu.memory_space<vmem>> -> memref<1x128x32xf32, #tpu.memory_space<vmem>>
    %dma_wait3A_705 = tpu.memref_squeeze %dma_wait3A_704 : memref<1x128x32xf32, #tpu.memory_space<vmem>> -> memref<128x32xf32, #tpu.memory_space<vmem>>
    %dma_wait3A_706 = arith.constant 0 : i32
    %dma_wait3A_707 = arith.constant 0 : i32
    %dma_wait3A_708 = tpu.memref_slice %arg5[%dma_wait3A_706, %dma_wait3A_707] : memref<100000x32xf32, #tpu.memory_space<hbm>> -> memref<128x32xf32, #tpu.memory_space<hbm>>
    tpu.wait_dma2 semaphore(%arg15 : memref<!tpu.dma_semaphore, #tpu.memory_space<semaphore_mem>>) src(%dma_wait3A_708 : memref<128x32xf32, #tpu.memory_space<hbm>>) dst(%dma_wait3A_705 : memref<128x32xf32, #tpu.memory_space<vmem>>)
    %dma_wait3A_709 = arith.constant 1 : i32
    %dma_wait3A_710 = arith.constant 128 : i32
    %dma_wait3A_711 = arith.constant 0 : i32
    %dma_wait3A_712 = tpu.memref_slice %arg9[%dma_wait3A_709, %dma_wait3A_710, %dma_wait3A_711] : memref<2x256x32xf32, #tpu.memory_space<vmem>> -> memref<1x128x32xf32, #tpu.memory_space<vmem>>
    %dma_wait3A_713 = tpu.memref_squeeze %dma_wait3A_712 : memref<1x128x32xf32, #tpu.memory_space<vmem>> -> memref<128x32xf32, #tpu.memory_space<vmem>>
    %dma_wait3A_714 = arith.constant 0 : i32
    %dma_wait3A_715 = arith.constant 0 : i32
    %dma_wait3A_716 = tpu.memref_slice %arg4[%dma_wait3A_714, %dma_wait3A_715] : memref<1000000x32xf32, #tpu.memory_space<hbm>> -> memref<128x32xf32, #tpu.memory_space<hbm>>
    %dma_wait3A_717 = arith.constant 128 : i32
    %dma_wait3A_718 = arith.constant 0 : i32
    %dma_wait3A_719 = tpu.memref_slice %arg9[%dma_wait3A_709, %dma_wait3A_717, %dma_wait3A_718] : memref<2x256x32xf32, #tpu.memory_space<vmem>> -> memref<1x128x32xf32, #tpu.memory_space<vmem>>
    %dma_wait3A_720 = tpu.memref_squeeze %dma_wait3A_719 : memref<1x128x32xf32, #tpu.memory_space<vmem>> -> memref<128x32xf32, #tpu.memory_space<vmem>>
    %dma_wait3A_721 = arith.constant 0 : i32
    %dma_wait3A_722 = arith.constant 0 : i32
    %dma_wait3A_723 = tpu.memref_slice %arg4[%dma_wait3A_721, %dma_wait3A_722] : memref<1000000x32xf32, #tpu.memory_space<hbm>> -> memref<128x32xf32, #tpu.memory_space<hbm>>
    tpu.wait_dma2 semaphore(%arg13 : memref<!tpu.dma_semaphore, #tpu.memory_space<semaphore_mem>>) src(%dma_wait3A_723 : memref<128x32xf32, #tpu.memory_space<hbm>>) dst(%dma_wait3A_720 : memref<128x32xf32, #tpu.memory_space<vmem>>)
    %dma_wait3A_724 = arith.constant 1 : i32
    %dma_wait3A_725 = arith.constant 128 : i32
    %dma_wait3A_726 = arith.constant 0 : i32
    %dma_wait3A_727 = tpu.memref_slice %arg10[%dma_wait3A_724, %dma_wait3A_725, %dma_wait3A_726] : memref<2x256x32xf32, #tpu.memory_space<vmem>> -> memref<1x128x32xf32, #tpu.memory_space<vmem>>
    %dma_wait3A_728 = tpu.memref_squeeze %dma_wait3A_727 : memref<1x128x32xf32, #tpu.memory_space<vmem>> -> memref<128x32xf32, #tpu.memory_space<vmem>>
    %dma_wait3A_729 = arith.constant 0 : i32
    %dma_wait3A_730 = arith.constant 0 : i32
    %dma_wait3A_731 = tpu.memref_slice %arg5[%dma_wait3A_729, %dma_wait3A_730] : memref<100000x32xf32, #tpu.memory_space<hbm>> -> memref<128x32xf32, #tpu.memory_space<hbm>>
    %dma_wait3A_732 = arith.constant 128 : i32
    %dma_wait3A_733 = arith.constant 0 : i32
    %dma_wait3A_734 = tpu.memref_slice %arg10[%dma_wait3A_724, %dma_wait3A_732, %dma_wait3A_733] : memref<2x256x32xf32, #tpu.memory_space<vmem>> -> memref<1x128x32xf32, #tpu.memory_space<vmem>>
    %dma_wait3A_735 = tpu.memref_squeeze %dma_wait3A_734 : memref<1x128x32xf32, #tpu.memory_space<vmem>> -> memref<128x32xf32, #tpu.memory_space<vmem>>
    %dma_wait3A_736 = arith.constant 0 : i32
    %dma_wait3A_737 = arith.constant 0 : i32
    %dma_wait3A_738 = tpu.memref_slice %arg5[%dma_wait3A_736, %dma_wait3A_737] : memref<100000x32xf32, #tpu.memory_space<hbm>> -> memref<128x32xf32, #tpu.memory_space<hbm>>
    tpu.wait_dma2 semaphore(%arg15 : memref<!tpu.dma_semaphore, #tpu.memory_space<semaphore_mem>>) src(%dma_wait3A_738 : memref<128x32xf32, #tpu.memory_space<hbm>>) dst(%dma_wait3A_735 : memref<128x32xf32, #tpu.memory_space<vmem>>)
    %dma_wait3A_739 = arith.constant 1 : i32
    %dma_wait3A_740 = arith.constant 0 : i32
    %dma_wait3A_741 = arith.constant 0 : i32
    %dma_wait3A_742 = arith.constant 0 : i32
    %dma_wait3A_743 = arith.constant 0 : i32
    %dma_wait3A_744 = tpu.memref_slice %arg11[%dma_wait3A_739, %dma_wait3A_741, %dma_wait3A_742, %dma_wait3A_743] : memref<2x16x8x128xf32, #tpu.memory_space<vmem>> -> memref<1x8x8x128xf32, #tpu.memory_space<vmem>>
    %dma_wait3A_745 = tpu.memref_squeeze %dma_wait3A_744 : memref<1x8x8x128xf32, #tpu.memory_space<vmem>> -> memref<8x8x128xf32, #tpu.memory_space<vmem>>
    %dma_wait3A_746 = arith.constant 0 : i32
    %dma_wait3A_747 = arith.constant 0 : i32
    %dma_wait3A_748 = arith.constant 0 : i32
    %dma_wait3A_749 = tpu.memref_slice %arg6[%dma_wait3A_740, %dma_wait3A_746, %add3A, %dma_wait3A_747, %dma_wait3A_748] : memref<200x8x32x8x128xf32, #tpu.memory_space<hbm>> -> memref<1x8x1x8x128xf32, #tpu.memory_space<hbm>>
    %dma_wait3A_750 = tpu.memref_squeeze %dma_wait3A_749 : memref<1x8x1x8x128xf32, #tpu.memory_space<hbm>> -> memref<8x8x128xf32, #tpu.memory_space<hbm>>
    %dma_wait3A_751 = arith.constant 0 : i32
    %dma_wait3A_752 = arith.constant 0 : i32
    %dma_wait3A_753 = arith.constant 0 : i32
    %dma_wait3A_754 = tpu.memref_slice %arg6[%dma_wait3A_740, %dma_wait3A_751, %add3A, %dma_wait3A_752, %dma_wait3A_753] : memref<200x8x32x8x128xf32, #tpu.memory_space<hbm>> -> memref<1x8x1x8x128xf32, #tpu.memory_space<hbm>>
    %dma_wait3A_755 = tpu.memref_squeeze %dma_wait3A_754 : memref<1x8x1x8x128xf32, #tpu.memory_space<hbm>> -> memref<8x8x128xf32, #tpu.memory_space<hbm>>
    %dma_wait3A_756 = arith.constant 0 : i32
    %dma_wait3A_757 = arith.constant 0 : i32
    %dma_wait3A_758 = arith.constant 0 : i32
    %dma_wait3A_759 = tpu.memref_slice %arg11[%dma_wait3A_739, %dma_wait3A_756, %dma_wait3A_757, %dma_wait3A_758] : memref<2x16x8x128xf32, #tpu.memory_space<vmem>> -> memref<1x8x8x128xf32, #tpu.memory_space<vmem>>
    %dma_wait3A_760 = tpu.memref_squeeze %dma_wait3A_759 : memref<1x8x8x128xf32, #tpu.memory_space<vmem>> -> memref<8x8x128xf32, #tpu.memory_space<vmem>>
    tpu.wait_dma2 semaphore(%arg17 : memref<!tpu.dma_semaphore, #tpu.memory_space<semaphore_mem>>) src(%dma_wait3A_760 : memref<8x8x128xf32, #tpu.memory_space<vmem>>) dst(%dma_wait3A_755 : memref<8x8x128xf32, #tpu.memory_space<hbm>>)
    %dma_wait3A_761 = arith.constant 1 : i32
    %dma_wait3A_762 = arith.constant 0 : i32
    %dma_wait3A_763 = arith.constant 8 : i32
    %dma_wait3A_764 = arith.constant 0 : i32
    %dma_wait3A_765 = arith.constant 0 : i32
    %dma_wait3A_766 = tpu.memref_slice %arg11[%dma_wait3A_761, %dma_wait3A_763, %dma_wait3A_764, %dma_wait3A_765] : memref<2x16x8x128xf32, #tpu.memory_space<vmem>> -> memref<1x8x8x128xf32, #tpu.memory_space<vmem>>
    %dma_wait3A_767 = tpu.memref_squeeze %dma_wait3A_766 : memref<1x8x8x128xf32, #tpu.memory_space<vmem>> -> memref<8x8x128xf32, #tpu.memory_space<vmem>>
    %dma_wait3A_768 = arith.constant 0 : i32
    %dma_wait3A_769 = arith.constant 0 : i32
    %dma_wait3A_770 = arith.constant 0 : i32
    %dma_wait3A_771 = tpu.memref_slice %arg6[%dma_wait3A_762, %dma_wait3A_768, %add3A, %dma_wait3A_769, %dma_wait3A_770] : memref<200x8x32x8x128xf32, #tpu.memory_space<hbm>> -> memref<1x8x1x8x128xf32, #tpu.memory_space<hbm>>
    %dma_wait3A_772 = tpu.memref_squeeze %dma_wait3A_771 : memref<1x8x1x8x128xf32, #tpu.memory_space<hbm>> -> memref<8x8x128xf32, #tpu.memory_space<hbm>>
    %dma_wait3A_773 = arith.constant 0 : i32
    %dma_wait3A_774 = arith.constant 0 : i32
    %dma_wait3A_775 = arith.constant 0 : i32
    %dma_wait3A_776 = tpu.memref_slice %arg6[%dma_wait3A_762, %dma_wait3A_773, %add3A, %dma_wait3A_774, %dma_wait3A_775] : memref<200x8x32x8x128xf32, #tpu.memory_space<hbm>> -> memref<1x8x1x8x128xf32, #tpu.memory_space<hbm>>
    %dma_wait3A_777 = tpu.memref_squeeze %dma_wait3A_776 : memref<1x8x1x8x128xf32, #tpu.memory_space<hbm>> -> memref<8x8x128xf32, #tpu.memory_space<hbm>>
    %dma_wait3A_778 = arith.constant 8 : i32
    %dma_wait3A_779 = arith.constant 0 : i32
    %dma_wait3A_780 = arith.constant 0 : i32
    %dma_wait3A_781 = tpu.memref_slice %arg11[%dma_wait3A_761, %dma_wait3A_778, %dma_wait3A_779, %dma_wait3A_780] : memref<2x16x8x128xf32, #tpu.memory_space<vmem>> -> memref<1x8x8x128xf32, #tpu.memory_space<vmem>>
    %dma_wait3A_782 = tpu.memref_squeeze %dma_wait3A_781 : memref<1x8x8x128xf32, #tpu.memory_space<vmem>> -> memref<8x8x128xf32, #tpu.memory_space<vmem>>
    tpu.wait_dma2 semaphore(%arg17 : memref<!tpu.dma_semaphore, #tpu.memory_space<semaphore_mem>>) src(%dma_wait3A_782 : memref<8x8x128xf32, #tpu.memory_space<vmem>>) dst(%dma_wait3A_777 : memref<8x8x128xf32, #tpu.memory_space<hbm>>)
    return
  }
}

</mosaic_0001>

<sc_bundles>
// kernel: kernel.3.cloned.1.call-start
scs
__scs_entry_jumppad:
0x0: {  	(pc) =	sbr.rel $0x88, $3  }
0x1: {  	(tag) =	ssettag $0x0;
	lr =	simm.s32 $0x1  }
0x2: {  	[smem:$0x3F9D] =	sst lr;
	_ =	strace $0xD0000000  }
0x3: {  	_ = 	snop  }
0x4: {  	_ = 	snop  }
0x5: {  	_ = 	snop  }
0x6: {  	_ = 	snop  }
0x7: {  	_ = 	snop  }
__scs_overlays_trampoline_lowered:
0x8: {  	[smem:$0x3FAC] =	sst s0  }
0x9: {  	[smem:$0x3FAD] =	sst s1  }
0xa: {  	[smem:$0x3FAE] =	sst s2  }
0xb: {  	[smem:$0x3FAF] =	sst s3  }
0xc: {  	[smem:$0x3FB0] =	sst s4  }
0xd: {  	[smem:$0x3FB1] =	sst s5  }
0xe: {  	[smem:$0x3FB2] =	sst s6  }
0xf: {  	[smem:$0x3FB3] =	sst s7  }
0x10: {  	[smem:$0x3FB4] =	sst s8  }
0x11: {  	[smem:$0x3FB5] =	sst s9;
	s0 =	simm.s32 @!p0 $0x0  }
0x12: {  	s1 =	sld [smem:$0x3F9B];
	s0 =	simm.s32 @p0 $0x1  }
0x13: {  	[smem:$0x3FB6] =	sst s0;
	s0 =	simm.s32 @!p1 $0x0  }
0x14: {  	s2 =	sld [smem:$0x3F9A];
	s0 =	simm.s32 @p1 $0x1  }
0x15: {  	[smem:$0x3FB7] =	sst s0;
	s0 =	simm.s32 @!p2 $0x0  }
0x16: {  	s3 =	sld [smem:$0x3FDB];
	s0 =	simm.s32 @p2 $0x1  }
0x17: {  	s4 =	simm.s32 $0x1BF5;
	[smem:$0x3FB9] =	sst s0  }
0x18: {  	s0 =	sld [smem:$0x3F9C];
	_ =	swait.ge [sflag:s4], $0x0  }
0x19: {  	s7 =	sld [smem:$0x3F9D]  }
0x1a: {  	s8 =	sadd.s32 $0xFFFFE003, lr  }
0x1b: {  	s9 =	sadd.s32 $0xFFFFFEF7, lr;
	s5 =	simm.s32 $0xFFFFFFFF;
	p2 =	slt.u32 s8, $0xFFFFF086  }
0x1c: {  	p1 =	slt.u32 s9, $0xF7A;
	s5 =	simm.s32 @!p2 $0x0  }
0x1d: {  	s5 =	simm.s32 @p1 $0x1;
	p0 =	seq.s32 s7, s2  }
0x1e: {  	s7 =	smul.u32 @!p0 $0xF7A, s2;
	p2 =	seq.s32 @!p0 s5, $0x0  }
0x1f: {  	s9 =	smul.u32 $0xF7A, s1;
	s8 =	simm.s32 @!p0 $0x1BF5;
	p2 =	por !p2, p0  }
0x20: {  	[sflag:s8] =	ssyncset.s32 @!p0 $0xFFFFF086;
	s6 =	sadd.s32 @!p0 s3, s7;
	s7 =	simm.s32 @!p0 $0x108  }
0x21: {  	s3 =	sadd.s32 s3, s9;
	s6 =	sadd.s32 @!p0 $0x88, s6;
	s7 =	simm.s32 @p2 $0x1082  }
0x22: {  	[simem:s7], [sflag:s8] =	dma.local @!p0 [hbm:s6], $0xF7A  }
0x23: {  	s9 =	sor.u32 $0xD0000000, s2;
	s6 =	simm.s32 $0x108;
	_ =	swait.ge @!p0 [sflag:s8], $0x0  }
0x24: {  	s3 =	sadd.s32 $0x88, s3;
	s6 =	simm.s32 @!p1 $0x1082;
	[sflag:s4] =	ssyncset.s32 $0xFFFFF086  }
0x25: {  	[simem:s6], [sflag:s4] =	dma.local [hbm:s3], $0xF7A  }
0x26: {  	[smem:$0x3F9D] =	sst s1;
	(tag) =	ssettag s2;
	_ =	strace s9  }
0x27: {  	s1 =	sld [smem:$0x3FAD]  }
0x28: {  	s2 =	sld [smem:$0x3FAE]  }
0x29: {  	s4 =	sld [smem:$0x3FB0]  }
0x2a: {  	p0 =	seq.s32 s5, $0x0;
	s5 =	sld [smem:$0x3FB1]  }
0x2b: {  	s6 =	sld [smem:$0x3FB2]  }
0x2c: {  	s7 =	sld [smem:$0x3FB3]  }
0x2d: {  	s3 =	simm.s32 $0x108;
	s8 =	sld [smem:$0x3FB4]  }
0x2e: {  	s3 =	simm.s32 @!p0 $0x1082;
	s9 =	sld [smem:$0x3FB5]  }
0x2f: {  	lr =	sadd.s32 s0, s3;
	s0 =	sld [smem:$0x3FAC]  }
0x30: {  	s3 =	sld [smem:$0x3FAF]  }
0x31: {  	[smem:$0x3FB8] =	sst s10  }
0x32: {  	s10 =	sld [smem:$0x3FB6];
	_ =	sdelay $0x3  }
0x33: {  	p0 =	seq.s32 s10, $0x1;
	s10 =	sld [smem:$0x3FB8];
	_ =	sdelay $0x3  }
0x34: {  	[smem:$0x3FB8] =	sst s10  }
0x35: {  	s10 =	sld [smem:$0x3FB7];
	_ =	sdelay $0x3  }
0x36: {  	p1 =	seq.s32 s10, $0x1;
	s10 =	sld [smem:$0x3FB8];
	_ =	sdelay $0x3  }
0x37: {  	[smem:$0x3FB8] =	sst s10  }
0x38: {  	s10 =	sld [smem:$0x3FB9]  }
0x39: {  	_ = 	snop;
	(pc) =	sbr.ind lr, $3  }
0x3a: {  	_ = 	snop  }
0x3b: {  	_ = 	snop  }
0x3c: {  	p2 =	seq.s32 s10, $0x1;
	s10 =	sld [smem:$0x3FB8]  }
0x3d: {  	_ =	shalt  }
0x3e: {  	_ =	shalt  }
0x3f: {  	_ =	shalt  }
0x40: {  	_ =	shalt  }
0x41: {  	_ =	shalt  }
0x42: {  	_ =	shalt  }
0x43: {  	_ =	shalt  }
0x44: {  	_ =	shalt  }
0x45: {  	_ =	shalt  }
0x46: {  	_ =	shalt  }
0x47: {  	_ =	shalt  }
0x48: {  	_ =	shalt  }
0x49: {  	_ =	shalt  }
0x4a: {  	_ =	shalt  }
0x4b: {  	_ =	shalt  }
0x4c: {  	_ =	shalt  }
0x4d: {  	_ =	shalt  }
0x4e: {  	_ =	shalt  }
0x4f: {  	_ =	shalt  }
0x50: {  	_ =	shalt  }
0x51: {  	_ =	shalt  }
0x52: {  	_ =	shalt  }
0x53: {  	_ =	shalt  }
0x54: {  	_ =	shalt  }
0x55: {  	_ =	shalt  }
0x56: {  	_ =	shalt  }
0x57: {  	_ =	shalt  }
0x58: {  	_ =	shalt  }
0x59: {  	_ =	shalt  }
0x5a: {  	_ =	shalt  }
0x5b: {  	_ =	shalt  }
0x5c: {  	_ =	shalt  }
0x5d: {  	_ =	shalt  }
0x5e: {  	_ =	shalt  }
0x5f: {  	_ =	shalt  }
0x60: {  	_ =	shalt  }
0x61: {  	_ =	shalt  }
0x62: {  	_ =	shalt  }
0x63: {  	_ =	shalt  }
0x64: {  	_ =	shalt  }
0x65: {  	_ =	shalt  }
0x66: {  	_ =	shalt  }
0x67: {  	_ =	shalt  }
0x68: {  	_ =	shalt  }
0x69: {  	_ =	shalt  }
0x6a: {  	_ =	shalt  }
0x6b: {  	_ =	shalt  }
0x6c: {  	_ =	shalt  }
0x6d: {  	_ =	shalt  }
0x6e: {  	_ =	shalt  }
0x6f: {  	_ =	shalt  }
0x70: {  	_ =	shalt  }
0x71: {  	_ =	shalt  }
0x72: {  	_ =	shalt  }
0x73: {  	_ =	shalt  }
0x74: {  	_ =	shalt  }
0x75: {  	_ =	shalt  }
0x76: {  	_ =	shalt  }
0x77: {  	_ =	shalt  }
0x78: {  	_ =	shalt  }
0x79: {  	_ =	shalt  }
0x7a: {  	_ =	shalt  }
0x7b: {  	_ =	shalt  }
0x7c: {  	_ =	shalt  }
0x7d: {  	_ =	shalt  }
0x7e: {  	_ =	shalt  }
0x7f: {  	_ =	shalt  }
0x80: {  	_ =	shalt  }
0x81: {  	_ =	shalt  }
0x82: {  	_ =	shalt  }
0x83: {  	_ =	shalt  }
0x84: {  	_ =	shalt  }
0x85: {  	_ =	shalt  }
0x86: {  	_ =	shalt  }
0x87: {  	_ =	shalt  }
.Lfunc_end0:
.L_simem_size_0:
called_computation_lowered:
.L_overlay_start_0:
0x88: {  	s2 =	sld [smem:$0x3FD9]  }
0x89: {  	s3 =	sld [smem:$0x3FFE];
	_ =	sdelay $0x1  }
0x8a: {  	s1 =	srdreg.scid  }
0x8b: {  	s0 =	sand.u32 $0x1, s1  }
0x8c: {  	s17 =	sshll.u32 s0, $0xA;
	s2 =	sadd.s32 s3, s2  }
0x8d: {  	s2 =	sadd.s32 s2, s17  }
0x8e: {  	[smem:$0x3FC4] =	sst s2  }
0x8f: {  	_ = 	snop  }
0x90: {  	s2 =	sld [smem:$0x3FD0];
	(tm) =	ssettm $0x1  }
0x91: {  	s18 =	sld [smem:$0x3FFB];
	_ =	sdelay $0x3  }
0x92: {  	_ =	strace s18  }
0x93: {  	s3 =	sld [smem:$0x3FFC];
	_ =	sdelay $0x3  }
0x94: {  	_ =	strace s3  }
0x95: {  	s3 =	sld [smem:$0x3FFD];
	_ =	sdelay $0x3  }
0x96: {  	_ =	strace s3  }
0x97: {  	_ =	strace $0x8FFFFFFF  }
0x98: {  	s19 =	sld [smem:$0x3FDB];
	_ =	sdelay $0x1  }
0x99: {  	s4 =	simm.s32 $_scs_section_size  }
0x9a: {  	s5 =	simm.s32 $_size__tile_overlayer_lowered;
	s6 =	simm.s32 $_tile_overlayer_lowered  }
0x9b: {  	s22 =	simm.s32 $0x1BFF;
	s21 =	sshll.u32 s6, $0x1;
	s3 =	sadd.s32 s4, s19  }
0x9c: {  	s7 =	simm.s32 $0x0;
	s20 =	sshll.u32 s5, $0x1;
	s5 =	sadd.s32 s21, s3  }
0x9d: {  	[timem:s7], [sflag:s22] =	dma.local [hbm:s5], s20  }
0x9e: {  	_ =	swait.ge [sflag:s22], s20  }
0x9f: {  	s4 =	ssub.s32 $0x0, s20;
	[sflag:s22] =	ssyncset.done $0x0  }
0xa0: {  	[sflag:s22] =	ssyncadd.s32 s4;
	_ =	sdelay $0x1  }
0xa1: {  	s23 =	simm.s32 $0x1B8B  }
0xa2: {  	_ =	swait.ge [sflag:s23], $0x1  }
0xa3: {  	[sflag:s23] =	ssyncset.done $0x0  }
0xa4: {  	s25 =	simm.s32 $0x1B8E;
	s24 =	sld [smem:$0x3FFE];
	[sflag:s23] =	ssyncadd.s32 $0xFFFFFFFF  }
0xa5: {  	s26 =	simm.s32 $execute0_lowered;
	[smem:$0x3FD2] =	sst s25  }
0xa6: {  	s5 =	sshll.u32 s26, $0x1;
	_ =	strace $0x80000046;
	[dreg:$0x1] =	wrdreg $0xFFFFFFFF  }
0xa7: {  	s28 =	simm.s32 $_size_execute0_lowered;
	s3 =	sadd.s32 s3, s5;
	[dreg:$0x0] =	wrdreg $0x0  }
0xa8: {  	s5 =	sshll.u32 s28, $0x1;
	[dreg:$0x2] =	wrdreg s3  }
0xa9: {  	[dreg:$0x3] =	wrdreg s5  }
0xaa: {  	[dreg:$0x4] =	wrdreg $0xC0  }
0xab: {  	_ =	task [dreg:s7], $0x5FFFF  }
0xac: {  	[dreg:$0x1] =	wrdreg $0xFFFFFFFF  }
0xad: {  	[dreg:$0x0] =	wrdreg $0x60  }
0xae: {  	[dreg:$0x2] =	wrdreg s24  }
0xaf: {  	[dreg:$0x3] =	wrdreg s2  }
0xb0: {  	[dreg:$0x4] =	wrdreg $0x9  }
0xb1: {  	_ =	task.clear_ibuf [dreg:s7], $0x5FFFF;
	_ =	strace $0x90000046  }
0xb2: {  	s29 =	simm.s32 $0x9;
	_ =	strace $0x80000048  }
0xb3: {  	_ =	swait.ge [sflag:s29], $0x1  }
0xb4: {  	[sflag:s29] =	ssyncadd.s32 $0xFFFFFFFF  }
0xb5: {  	_ =	strace $0x90000048  }
0xb6: {  	_ =	sfence  }
0xb7: {  	s30 =	sld [smem:$0x0];
	_ =	sdelay $0x2  }
0xb8: {  	s31 =	sshll.u32 s1, $0xD;
	s1 =	sshrl.u32 s1, $0x2  }
0xb9: {  	s3 =	sand.u32 $0x4000, s31;
	s1 =	sadd.s32 s1, s30  }
0xba: {  	s0 =	sor.u32 s3, s0;
	s1 =	sshll.u32 s1, $0x11  }
0xbb: {  	s0 =	sor.u32 s1, s0  }
0xbc: {  	s0 =	sadd.s32 $0x8F2B, s0  }
0xbd: {  	[sflag:s0] =	ssyncadd.remote.s32 $0x1  }
0xbe: {  	_ =	sfence.sel $0xFFFF  }
0xbf: {  	[dreg:$0x0] =	wrdreg $0xFFFFFFFF;
	(pc) =	sbr.abs _section_cstart, $3  }
0xc0: {  	[dreg:$0x1] =	wrdreg $0xFFFFFFFF  }
0xc1: {  	_ =	task.clear_ibuf [dreg:s7], $0x2FFFF;
	_ =	strace $0x9FFFFFFF  }
0xc2: {  	(tm) =	ssettm $0x7FFFFFFF  }
0xc3: {  	_ =	shalt  }
tec
execute0_lowered:
.L_overlay_start_1:
0x0: {  	(tag) =	ssettag $0x1  }
0x1: {  	v0 =	vlaneseq.u32  }
0x2: {  	v28 =	vmul.u32 $0x80, v0  }
0x3: {  	s0 =	rddreg [dreg:$0x0];
	vm0 =	vcmask $0x300;
	s2 =	simm.s32 $0x0;
	v0 =	vimm.s32 $0x0  }
0x4: {  	[smem:$0x7FF] =	sst s2;
	v1 =	vsel vm0, $0x3, v0;
	v0 =	vor.u32 $0x1001, v28  }
0x5: {  	s9 =	rddreg [dreg:$0x1];
	_ =	strace $0x80000047;
	v12 =	vor.u32 $0x3005, v28;
	[tilespmem:$0x1FCB0] =	vst v0  }
0x6: {  	v19 =	vor.u32 $0x3004, v28;
	[tilespmem:$0x1FCC0] =	vst v12  }
0x7: {  	v41 =	vor.u32 $0x3006, v28;
	[tilespmem:$0x1FCD0] =	vst v19  }
0x8: {  	v42 =	vor.u32 $0x2805, v28;
	[tilespmem:$0x1FCE0] =	vst v41  }
0x9: {  	v38 =	vor.u32 $0x2005, v28;
	[tilespmem:$0x1FCF0] =	vst v42  }
0xa: {  	v49 =	vor.u32 $0x1805, v28;
	[tilespmem:$0x1FD00] =	vst v38  }
0xb: {  	v57 =	vor.u32 $0x1005, v28;
	[tilespmem:$0x1FD10] =	vst v49  }
0xc: {  	v18 =	vor.u32 $0x3806, v28;
	[tilespmem:$0x1FD20] =	vst v57  }
0xd: {  	v10 =	vor.u32 $0x3805, v28;
	[tilespmem:$0x1FD30] =	vst v18  }
0xe: {  	v9 =	vor.u32 $0x3804, v28;
	[tilespmem:$0x1FD40] =	vst v10  }
0xf: {  	v11 =	vor.u32 $0x805, v28;
	[tilespmem:$0x1FD50] =	vst v9  }
0x10: {  	v2 =	vor.u32 $0x804, v28;
	[tilespmem:$0x1FD60] =	vst v11  }
0x11: {  	v3 =	vor.u32 $0x1004, v28;
	[tilespmem:$0x1FD80] =	vst v2  }
0x12: {  	v4 =	vor.u32 $0x1804, v28;
	[tilespmem:$0x1FD90] =	vst v3  }
0x13: {  	v55 =	vor.u32 $0x3802, v28;
	[tilespmem:$0x1FDA0] =	vst v4  }
0x14: {  	v23 =	vor.u32 $0x3801, v28;
	[tilespmem:$0x1FDB0] =	vst v55  }
0x15: {  	v22 =	vor.u32 $0x2806, v28;
	[tilespmem:$0x1FDC0] =	vst v23  }
0x16: {  	v61 =	vor.u32 $0x3000, v28;
	[tilespmem:$0x1FDD0] =	vst v22  }
0x17: {  	v25 =	vor.u32 $0x3002, v28;
	[tilespmem:$0x1FDE0] =	vst v61  }
0x18: {  	v20 =	vor.u32 $0x2006, v28;
	[tilespmem:$0x1FDF0] =	vst v25  }
0x19: {  	v44 =	vor.u32 $0x3001, v28;
	[tilespmem:$0x1FE00] =	vst v20  }
0x1a: {  	v48 =	vor.u32 $0x2803, v28;
	[tilespmem:$0x1FE10] =	vst v44  }
0x1b: {  	v51 =	vor.u32 $0x3007, v28;
	[tilespmem:$0x1FE20] =	vst v48  }
0x1c: {  	v53 =	vor.u32 $0x2802, v28;
	[tilespmem:$0x1FE30] =	vst v51  }
0x1d: {  	v8 =	vor.u32 $0x2801, v28;
	[tilespmem:$0x1FE40] =	vst v53  }
0x1e: {  	v37 =	vor.u32 $0x1806, v28;
	[tilespmem:$0x1FE50] =	vst v8  }
0x1f: {  	v47 =	vor.u32 $0x2807, v28;
	[tilespmem:$0x1FE60] =	vst v37  }
0x20: {  	v63 =	vor.u32 $0x2003, v28;
	[tilespmem:$0x1FE70] =	vst v47  }
0x21: {  	v58 =	vor.u32 $0x2002, v28;
	[tilespmem:$0x1FE80] =	vst v63  }
0x22: {  	v17 =	vor.u32 $0x1006, v28;
	[tilespmem:$0x1FE90] =	vst v58  }
0x23: {  	v21 =	vor.u32 $0x807, v28;
	[tilespmem:$0x1FEA0] =	vst v17  }
0x24: {  	v50 =	vor.u32 $0x6, v28;
	[tilespmem:$0x1FEB0] =	vst v21  }
0x25: {  	v36 =	vor.u32 $0x2007, v28;
	[tilespmem:$0x1FEC0] =	vst v50  }
0x26: {  	v40 =	vor.u32 $0x1807, v28;
	[tilespmem:$0x1FED0] =	vst v36  }
0x27: {  	v39 =	vor.u32 $0x1007, v28;
	[tilespmem:$0x1FEE0] =	vst v40  }
0x28: {  	v14 =	vor.u32 $0x5, v28;
	[tilespmem:$0x1FEF0] =	vst v39  }
0x29: {  	v7 =	vor.u32 $0x2001, v28;
	[tilespmem:$0x1FF00] =	vst v14  }
0x2a: {  	s1 =	srdreg.scid;
	s3 =	stileid.u32;
	s19 =	simm.s32 $0x80;
	v5 =	vor.u32 $0x3800, v28;
	[tilespmem:$0x1FF10] =	vst v7  }
0x2b: {  	s20 =	simm.s32 $0x1000;
	s21 =	simm.s32 $0x7;
	s29 =	simm.s32 $0x100;
	v34 =	vor.u32 $0x3803, v28;
	[tilespmem:$0x1FF20] =	vst v5  }
0x2c: {  	s30 =	simm.s32 $0x300;
	s12 =	simm.s32 $0x1;
	s18 =	simm.s32 $0x3;
	v46 =	vor.u32 $0x2, v28;
	[tilespmem:$0x1FF30] =	vst v34  }
0x2d: {  	s28 =	simm.s32 $0xC400;
	s4 =	sadd.s32 $0x7B600, s0;
	s5 =	sadd.s32 $0x62600, s0;
	v45 =	vor.u32 $0x3, v28;
	[tilespmem:$0x1FF40] =	vst v46  }
0x2e: {  	s1 =	sand.u32 $0x1, s1;
	s3 =	sshll.u32 s3, $0x1;
	s6 =	sadd.s32 $0xF42E00, s0;
	v24 =	vor.u32 $0x803, v28;
	[tilespmem:$0x1FF50] =	vst v45  }
0x2f: {  	s7 =	sadd.s32 $0xA00, s0;
	s15 =	sadd.s32 $0x8000, s9;
	s16 =	sadd.s32 $0x10000, s9;
	v60 =	vor.u32 $0x802, v28;
	[tilespmem:$0x1FF60] =	vst v24  }
0x30: {  	s17 =	sadd.s32 $0x18000, s9;
	s8 =	ssub.s32 $0x2, s1;
	s1 =	sor.u32 s1, s3;
	v43 =	vor.u32 $0x801, v28;
	[tilespmem:$0x1FF70] =	vst v60  }
0x31: {  	s22 =	sshrl.u32 s8, $0x1;
	s3 =	sshll.u32 s1, $0x4;
	v52 =	vor.u32 $0x1002, v28;
	s23 =	sshll.u32 s1, $0x7;
	[tilespmem:$0x1FF80] =	vst v43  }
0x32: {  	v56 =	vor.u32 $0x1802, v28;
	s0 =	ssub.s32 s8, s22;
	s24 =	sor.u32 $0x400, s3;
	s10 =	sadd.s32 s4, s3;
	[tilespmem:$0x1FF90] =	vst v52  }
0x33: {  	v6 =	vor.u32 $0x1801, v28;
	s3 =	sadd.s32 s5, s3;
	s26 =	sor.u32 $0x4000, s23;
	[tilespmem:$0x1FFA0] =	vst v56;
	[dreg:$0x3] =	wrdreg s10  }
0x34: {  	v62 =	vor.u32 $0x1803, v28;
	s14 =	smov.u32 s23;
	s31 =	sor.u32 $0x6000, s23;
	[tilespmem:$0x1FFB0] =	vst v6;
	[dreg:$0x4] =	wrdreg s3  }
0x35: {  	v59 =	vor.u32 $0x7, v28;
	s22 =	simm.s32 $0x200;
	s23 =	simm.s32 $0x400;
	[tilespmem:$0x1FFC0] =	vst v62;
	[dreg:$0x7] =	wrdreg s26  }
0x36: {  	v29 =	vor.u32 $0x800, v28;
	v30 =	vor.u32 $0x1000, v28;
	v16 =	vor.u32 $0x1, v28;
	s8 =	simm.s32 $0x0;
	[tilespmem:$0x1FFD0] =	vst v59;
	s25 =	sadd.s32 s4, s24;
	[dreg:$0x8] =	wrdreg s31  }
0x37: {  	v31 =	vor.u32 $0x1800, v28;
	v32 =	vor.u32 $0x2000, v28;
	v35 =	vor.u32 $0x4, v28;
	[tilespmem:$0x1FFE0] =	vst v16;
	s1 =	sadd.s32 s5, s24;
	s0 =	smax.u32 s0, $0x1;
	[dreg:$0x5] =	wrdreg s25  }
0x38: {  	v33 =	vor.u32 $0x2800, v28;
	v54 =	vor.u32 $0x1003, v28;
	v0 =	vor.u32 $0x3003, v28;
	[tilespmem:$0x1FFF0] =	vst v35;
	s24 =	simm.s32 $0x8000;
	s26 =	simm.s32 $0x4;
	[dreg:$0x6] =	wrdreg s1  }
0x39: {  	v26 =	vor.u32 $0x2004, v28;
	v27 =	vor.u32 $0x2804, v28;
	v15 =	vor.u32 $0x806, v28;
	[tilespmem:$0x1FD70] =	vst v0;
	[dreg:$0x9] =	wrdreg s0;
	s1 =	simm.s32 $0x8400;
	s25 =	simm.s32 $0x2  }
.LBB2_1:
0x3a: {  	[dreg:$0xa] =	wrdreg s8  }
0x3b: {  	s0 =	rddreg [dreg:$0x3]  }
0x3c: {  	[tilespmem:s2], [sflag:$0x7] =	stream.strided.gather [hbm4b:s0+s19], $0x100, s20, s19, $0x38;
	[tilespmem:$0x10400] =	vst v63  }
0x3d: {  	_ =	swait.ge [sflag:s21], $0x100  }
0x3e: {  	[sflag:s21] =	ssyncset.done $0x0  }
0x3f: {  	s3 =	rddreg [dreg:$0x4];
	[sflag:s21] =	ssyncadd.s32 $0xFFFFFF00  }
0x40: {  	[tilespmem:s22], [sflag:$0x7] =	stream.strided.gather [hbm4b:s3+s19], $0x100, s20, s19, $0x38;
	[tilespmem:$0x10400] =	vst v63  }
0x41: {  	_ =	swait.ge [sflag:s21], $0x100  }
0x42: {  	[sflag:s21] =	ssyncset.done $0x0  }
0x43: {  	[sflag:s21] =	ssyncadd.s32 $0xFFFFFF00  }
0x44: {  	[tilespmem:s23], [sflag:$0x1] =	stream.indirect.gather [hbm4b:s6+s19], $0x20, s2, s19, $0xb8;
	[tilespmem:$0x10400] =	vst v63  }
0x45: {  	s8 =	simm.s32 $0x4400  }
0x46: {  	[tilespmem:s8], [sflag:$0x3] =	stream.indirect.gather [hbm4b:s7+s19], $0x20, s22, s19, $0xb8;
	[tilespmem:$0x10400] =	vst v63  }
0x47: {  	s9 =	simm.s32 $0x1400  }
0x48: {  	[tilespmem:s9], [sflag:$0x1] =	stream.indirect.gather [hbm4b:s6+s19], $0x20, s19, s19, $0xb8;
	[tilespmem:$0x10400] =	vst v63  }
0x49: {  	s10 =	simm.s32 $0x280;
	s3 =	simm.s32 $0x5400  }
0x4a: {  	[tilespmem:s3], [sflag:$0x3] =	stream.indirect.gather [hbm4b:s7+s19], $0x20, s10, s19, $0xb8;
	[tilespmem:$0x10400] =	vst v63  }
0x4b: {  	s11 =	rddreg [dreg:$0x5]  }
0x4c: {  	[tilespmem:s29], [sflag:$0x7] =	stream.strided.gather [hbm4b:s11+s19], $0x100, s20, s19, $0x38;
	[tilespmem:$0x10400] =	vst v63  }
0x4d: {  	_ =	swait.ge [sflag:s21], $0x100  }
0x4e: {  	[sflag:s21] =	ssyncset.done $0x0  }
0x4f: {  	s13 =	rddreg [dreg:$0x6];
	[sflag:s21] =	ssyncadd.s32 $0xFFFFFF00  }
0x50: {  	[tilespmem:s30], [sflag:$0x7] =	stream.strided.gather [hbm4b:s13+s19], $0x100, s20, s19, $0x38;
	[tilespmem:$0x10400] =	vst v63  }
0x51: {  	_ =	swait.ge [sflag:s21], $0x100  }
0x52: {  	[sflag:s21] =	ssyncset.done $0x0  }
0x53: {  	s3 =	simm.s32 $0x2400;
	[sflag:s21] =	ssyncadd.s32 $0xFFFFFF00  }
0x54: {  	[tilespmem:s3], [sflag:$0x2] =	stream.indirect.gather [hbm4b:s6+s19], $0x20, s29, s19, $0xb8;
	[tilespmem:$0x10400] =	vst v63  }
0x55: {  	s8 =	simm.s32 $0x6400  }
0x56: {  	[tilespmem:s8], [sflag:$0x4] =	stream.indirect.gather [hbm4b:s7+s19], $0x20, s30, s19, $0xb8;
	[tilespmem:$0x10400] =	vst v63  }
0x57: {  	s9 =	simm.s32 $0x180;
	s10 =	simm.s32 $0x3400  }
0x58: {  	[tilespmem:s10], [sflag:$0x2] =	stream.indirect.gather [hbm4b:s6+s19], $0x20, s9, s19, $0xb8;
	[tilespmem:$0x10400] =	vst v63  }
0x59: {  	s31 =	simm.s32 $0x0;
	s11 =	simm.s32 $0x380;
	s13 =	simm.s32 $0x7400  }
0x5a: {  	[tilespmem:s13], [sflag:$0x4] =	stream.indirect.gather [hbm4b:s7+s19], $0x20, s11, s19, $0xb8;
	[tilespmem:$0x10400] =	vst v63  }
.LBB2_2:
0x5b: {  	_ =	swait.ge [sflag:s12], $0x1000  }
0x5c: {  	[sflag:s12] =	ssyncset.done $0x0  }
0x5d: {  	[sflag:s12] =	ssyncadd.s32 $0xFFFFF000  }
0x5e: {  	_ =	swait.ge [sflag:s18], $0x1000  }
0x5f: {  	[sflag:s18] =	ssyncset.done $0x0  }
0x60: {  	[sflag:s18] =	ssyncadd.s32 $0xFFFFF000  }
0x61: {  	_ =	swait.ge [sflag:s12], $0x1000  }
0x62: {  	[sflag:s12] =	ssyncset.done $0x0  }
0x63: {  	p0 =	seq.s32 s31, $0x0;
	s3 =	simm.s32 $0x0;
	[sflag:s12] =	ssyncadd.s32 $0xFFFFF000  }
0x64: {  	s11 =	simm.s32 $0x1;
	s8 =	simm.s32 $0x2;
	_ =	swait.ge [sflag:s18], $0x1000  }
0x65: {  	s13 =	simm.s32 $0x3;
	s10 =	simm.s32 $0x4;
	[sflag:s18] =	ssyncset.done $0x0  }
0x66: {  	s9 =	simm.s32 $0x7;
	s0 =	simm.s32 @!p0 $0x5;
	v0 =	vmov s3;
	v2 =	vmov s11;
	v3 =	vmov s8;
	[sflag:s18] =	ssyncadd.s32 $0xFFFFF000  }
0x67: {  	v53 =	vmovc v6;
	v4 =	vmov s13;
	s11 =	simm.s32 $0x5;
	v5 =	vmov s10;
	v6 =	vmov s9;
	_ =	swait.ge @!p0 [sflag:s0], $0x2000  }
0x68: {  	s13 =	simm.s32 $0x6;
	v0 =	vshrl.u32 v0, $0x3;
	v7 =	vmov s11;
	v6 =	vshrl.u32 v6, $0x3;
	[sflag:s0] =	ssyncset.done @!p0 $0x0  }
0x69: {  	v10 =	vmov s13;
	v8 =	vshrl.u32 v2, $0x3;
	v3 =	vshrl.u32 v3, $0x3;
	[sflag:s0] =	ssyncadd.s32 @!p0 $0xFFFFE000  }
0x6a: {  	v4 =	vshrl.u32 v4, $0x3;
	v0 =	vshll.u32 v0, v1;
	v2 =	vshll.u32 v6, v1;
	_ =	swait.ge @!p0 [sflag:s0], $0x2000  }
0x6b: {  	v9 =	vbroadcast v2, $0x0;
	v2 =	vbroadcast v0, $0x0;
	v0 =	vshll.u32 v8, v1;
	[sflag:s0] =	ssyncset.done @!p0 $0x0  }
0x6c: {  	v61 =	vmovc v59;
	s9 =	simm.s32 $0x1400;
	v5 =	vshrl.u32 v5, $0x3;
	v8 =	vbroadcast v0, $0x0;
	v0 =	vshll.u32 v3, v1;
	[sflag:s0] =	ssyncadd.s32 @!p0 $0xFFFFE000  }
0x6d: {  	v55 =	vmovc v11;
	v25 =	vmovc v24;
	v12 =	vor.u32 v61, v9;
	v24 =	vbroadcast v0, $0x0;
	v0 =	vshll.u32 v4, v1;
	v11 =	vld [tilespmem:s9+$0xFFFFF0E0]  }
0x6e: {  	v42 =	vmovc v14;
	v14 =	vor.u32 v28, v2;
	v16 =	vor.u32 v16, v8;
	v4 =	vbroadcast v0, $0x0;
	v13 =	vld [tilespmem:s9+$0xFFFFF000]  }
0x6f: {  	v38 =	vmovc v15;
	v34 =	vmovc v17;
	v0 =	vshll.u32 v5, v1;
	v5 =	vshrl.u32 v10, $0x3;
	v18 =	vor.u32 v46, v24;
	v15 =	vld [tilespmem:s9+$0xFFFFF020]  }
0x70: {  	v23 =	vmovc v57;
	v57 =	vmovc v45;
	v3 =	vbroadcast v0, $0x0;
	v0 =	vshrl.u32 v7, $0x3;
	v19 =	vor.u32 v45, v4;
	v17 =	vld [tilespmem:s9+$0xFFFFF040]  }
0x71: {  	v0 =	vshll.u32 v0, v1;
	v45 =	vmovc v22;
	v22 =	vmovc v44;
	v44 =	vmov v35;
	v35 =	vmov v20;
	v7 =	vld [tilespmem:s9+$0xFFFFF060]  }
0x72: {  	v20 =	vor.u32 v44, v3;
	v6 =	vbroadcast v0, $0x0;
	v0 =	vshll.u32 v5, v1;
	v10 =	vld [tilespmem:s9+$0xFFFFF080];
	[tilespmem:v12+s1+$0x0] =	vst.idx.msk $0xffff, v11  }
0x73: {  	v5 =	vbroadcast v0, $0x0;
	[tilespmem:v14+s1+$0x0] =	vst.idx.msk $0xffff, v13;
	v11 =	vor.u32 v21, v9;
	v0 =	vld [tilespmem:s9+$0xFFFFF0F0]  }
0x74: {  	[tilespmem:v16+s1+$0x0] =	vst.idx.msk $0xffff, v15;
	v12 =	vld [tilespmem:s9+$0xFFFFF0A0];
	v13 =	vor.u32 v42, v6  }
0x75: {  	[tilespmem:v18+s1+$0x0] =	vst.idx.msk $0xffff, v17;
	v14 =	vld [tilespmem:s9+$0xFFFFF0C0];
	v15 =	vor.u32 v50, v5  }
0x76: {  	v17 =	vor.u32 v43, v8;
	[tilespmem:v19+s1+$0x0] =	vst.idx.msk $0xffff, v7;
	v16 =	vld [tilespmem:s9+$0xFFFFF030]  }
0x77: {  	v18 =	vor.u32 v60, v24;
	[tilespmem:v20+s1+$0x0] =	vst.idx.msk $0xffff, v10;
	v7 =	vld [tilespmem:s9+$0xFFFFF050]  }
0x78: {  	s3 =	simm.s32 $0x5400;
	v19 =	vor.u32 v25, v4;
	v10 =	vld [tilespmem:s9+$0xFFFFF070];
	[tilespmem:v11+s1+$0x0] =	vst.idx.msk $0xffff, v0  }
0x79: {  	[tilespmem:v13+s1+$0x0] =	vst.idx.msk $0xffff, v12;
	v0 =	vld [tilespmem:s3+$0xFFFFF0E0]  }
0x7a: {  	v49 =	vld [tilespmem:$0x1FD80];
	[tilespmem:v15+s1+$0x0] =	vst.idx.msk $0xffff, v14  }
0x7b: {  	v11 =	vor.u32 v39, v9;
	[tilespmem:v17+s1+$0x0] =	vst.idx.msk $0xffff, v16;
	v14 =	vld [tilespmem:s9+$0xFFFFF0B0]  }
0x7c: {  	v15 =	vor.u32 v55, v6;
	[tilespmem:v18+s1+$0x0] =	vst.idx.msk $0xffff, v7;
	v17 =	vld [tilespmem:s9+$0xFFFFF010]  }
0x7d: {  	v18 =	vor.u32 v29, v2;
	[tilespmem:v19+s1+$0x0] =	vst.idx.msk $0xffff, v10;
	v7 =	vld [tilespmem:s9+$0xFFFFF0D0]  }
0x7e: {  	v16 =	vor.u32 v38, v5;
	v46 =	vld [tilespmem:$0x1FCB0]  }
0x7f: {  	v12 =	vld [tilespmem:s9+$0xFFFFF090];
	v13 =	vor.u32 v49, v3  }
0x80: {  	[tilespmem:v11+s1+$0x0] =	vst.idx.msk $0xffff, v0  }
0x81: {  	[tilespmem:v15+s1+$0x0] =	vst.idx.msk $0xffff, v14  }
0x82: {  	[tilespmem:v18+s1+$0x0] =	vst.idx.msk $0xffff, v17  }
0x83: {  	v10 =	vld [tilespmem:s3+$0xFFFFF020];
	v19 =	vor.u32 v46, v8;
	[tilespmem:v16+s1+$0x0] =	vst.idx.msk $0xffff, v7  }
0x84: {  	v0 =	vld [tilespmem:s3+$0xFFFFF0F0];
	[tilespmem:v13+s1+$0x0] =	vst.idx.msk $0xffff, v12  }
0x85: {  	v55 =	vmov v43;
	v11 =	vor.u32 v40, v9;
	v43 =	vld [tilespmem:$0x1FD90]  }
0x86: {  	v14 =	vld [tilespmem:s3+$0xFFFFF060];
	v15 =	vor.u32 v54, v4  }
0x87: {  	v12 =	vld [tilespmem:s3+$0xFFFFF040];
	v13 =	vor.u32 v52, v24  }
0x88: {  	v17 =	vor.u32 v23, v6;
	[tilespmem:v19+s1+$0x0] =	vst.idx.msk $0xffff, v10;
	v10 =	vld [tilespmem:s3+$0xFFFFF0A0]  }
0x89: {  	v18 =	vld [tilespmem:s3+$0xFFFFF0C0];
	v19 =	vor.u32 v34, v5  }
0x8a: {  	v7 =	vld [tilespmem:s3+$0xFFFFF080];
	[tilespmem:v11+s1+$0x0] =	vst.idx.msk $0xffff, v0;
	v16 =	vor.u32 v43, v3  }
0x8b: {  	v11 =	vor.u32 v36, v9;
	[tilespmem:v15+s1+$0x0] =	vst.idx.msk $0xffff, v14;
	v0 =	vld [tilespmem:s9+$0xE0]  }
0x8c: {  	[tilespmem:v13+s1+$0x0] =	vst.idx.msk $0xffff, v12;
	v12 =	vld [tilespmem:s3+$0xFFFFF000];
	v13 =	vor.u32 v30, v2  }
0x8d: {  	v15 =	vor.u32 v53, v8;
	v14 =	vld [tilespmem:s3+$0xFFFFF030];
	[tilespmem:v17+s1+$0x0] =	vst.idx.msk $0xffff, v10  }
0x8e: {  	v10 =	vld [tilespmem:s3+$0xFFFFF070];
	v17 =	vor.u32 v62, v4;
	[tilespmem:v19+s1+$0x0] =	vst.idx.msk $0xffff, v18  }
0x8f: {  	[tilespmem:v16+s1+$0x0] =	vst.idx.msk $0xffff, v7;
	v7 =	vld [tilespmem:s3+$0xFFFFF050];
	v16 =	vor.u32 v56, v24  }
0x90: {  	v34 =	vld [tilespmem:$0x1FDA0];
	[tilespmem:v11+s1+$0x0] =	vst.idx.msk $0xffff, v0  }
0x91: {  	[tilespmem:v13+s1+$0x0] =	vst.idx.msk $0xffff, v12  }
0x92: {  	[tilespmem:v15+s1+$0x0] =	vst.idx.msk $0xffff, v14;
	v0 =	vld [tilespmem:s9+$0xF0]  }
0x93: {  	v13 =	vld [tilespmem:$0x1FD10];
	[tilespmem:v17+s1+$0x0] =	vst.idx.msk $0xffff, v10  }
0x94: {  	v11 =	vor.u32 v47, v9;
	[tilespmem:v16+s1+$0x0] =	vst.idx.msk $0xffff, v7;
	v7 =	vld [tilespmem:s3+$0xFFFFF0D0]  }
0x95: {  	v14 =	vor.u32 v37, v5;
	v17 =	vld [tilespmem:$0x1FF10]  }
0x96: {  	v18 =	vld [tilespmem:s3+$0xFFFFF090];
	v19 =	vor.u32 v34, v3  }
0x97: {  	v15 =	vld [tilespmem:s3+$0xFFFFF010];
	v16 =	vor.u32 v31, v2  }
0x98: {  	v12 =	vld [tilespmem:s3+$0xFFFFF0B0];
	v13 =	vor.u32 v13, v6  }
0x99: {  	v10 =	vld [tilespmem:s9+$0x20];
	[tilespmem:v11+s1+$0x0] =	vst.idx.msk $0xffff, v0  }
0x9a: {  	v0 =	vld [tilespmem:s3+$0xE0];
	[tilespmem:v14+s1+$0x0] =	vst.idx.msk $0xffff, v7;
	v17 =	vor.u32 v17, v8  }
0x9b: {  	[tilespmem:v19+s1+$0x0] =	vst.idx.msk $0xffff, v18;
	v18 =	vld [tilespmem:s9+$0x40];
	v19 =	vor.u32 v58, v24  }
0x9c: {  	v11 =	vor.u32 v51, v9;
	[tilespmem:v16+s1+$0x0] =	vst.idx.msk $0xffff, v15;
	v16 =	vld [tilespmem:s9+$0xC0]  }
0x9d: {  	[tilespmem:v13+s1+$0x0] =	vst.idx.msk $0xffff, v12;
	v12 =	vld [tilespmem:s9+$0x60];
	v13 =	vor.u32 v63, v4  }
0x9e: {  	v7 =	vld [tilespmem:s9+$0x80]  }
0x9f: {  	[tilespmem:v17+s1+$0x0] =	vst.idx.msk $0xffff, v10;
	v10 =	vld [tilespmem:s9+$0xA0]  }
0xa0: {  	v15 =	vld [tilespmem:$0x1FD00];
	[tilespmem:v19+s1+$0x0] =	vst.idx.msk $0xffff, v18  }
0xa1: {  	v18 =	vld [tilespmem:s9+$0x0];
	[tilespmem:v11+s1+$0x0] =	vst.idx.msk $0xffff, v0  }
0xa2: {  	v14 =	vor.u32 v26, v3;
	v0 =	vor.u32 $0x3807, v28;
	[tilespmem:v13+s1+$0x0] =	vst.idx.msk $0xffff, v12;
	v11 =	vld [tilespmem:s3+$0xF0]  }
0xa3: {  	[tilespmem:$0x1FCA0] =	vst v0;
	v9 =	vor.u32 v0, v9;
	v0 =	vld [tilespmem:$0x1FE50];
	_ =	sdelay $0x2  }
0xa4: {  	v17 =	vor.u32 v35, v5  }
0xa5: {  	[tilespmem:v14+s1+$0x0] =	vst.idx.msk $0xffff, v7;
	v15 =	vor.u32 v15, v6  }
0xa6: {  	v19 =	vor.u32 v32, v2;
	v13 =	vor.u32 v0, v8;
	v0 =	vld [tilespmem:$0x1FE40];
	_ =	sdelay $0x2  }
0xa7: {  	v12 =	vld [tilespmem:s9+$0x30];
	[tilespmem:v17+s1+$0x0] =	vst.idx.msk $0xffff, v16  }
0xa8: {  	[tilespmem:v15+s1+$0x0] =	vst.idx.msk $0xffff, v10;
	v10 =	vld [tilespmem:s9+$0x70];
	v15 =	vor.u32 v48, v4  }
0xa9: {  	v7 =	vld [tilespmem:s9+$0x50];
	[tilespmem:v19+s1+$0x0] =	vst.idx.msk $0xffff, v18;
	v14 =	vor.u32 v0, v24  }
0xaa: {  	v0 =	vld [tilespmem:$0x1FCF0]  }
0xab: {  	[tilespmem:v9+s1+$0x0] =	vst.idx.msk $0xffff, v11  }
0xac: {  	[tilespmem:v13+s1+$0x0] =	vst.idx.msk $0xffff, v12  }
0xad: {  	[tilespmem:v15+s1+$0x0] =	vst.idx.msk $0xffff, v10  }
0xae: {  	v16 =	vld [tilespmem:s9+$0x90];
	v17 =	vor.u32 v27, v3;
	[tilespmem:v14+s1+$0x0] =	vst.idx.msk $0xffff, v7  }
0xaf: {  	v19 =	vor.u32 v0, v6;
	v0 =	vld [tilespmem:$0x1FDF0];
	_ =	sdelay $0x3  }
0xb0: {  	v18 =	vld [tilespmem:s9+$0xB0];
	[tilespmem:v17+s1+$0x0] =	vst.idx.msk $0xffff, v16  }
0xb1: {  	v20 =	vor.u32 v0, v24;
	v0 =	vld [tilespmem:$0x1FD70];
	_ =	sdelay $0x2  }
0xb2: {  	v9 =	vld [tilespmem:s9+$0xD0];
	v11 =	vor.u32 v45, v5  }
0xb3: {  	v12 =	vld [tilespmem:s9+$0x10];
	v13 =	vor.u32 v33, v2;
	[tilespmem:v19+s1+$0x0] =	vst.idx.msk $0xffff, v18  }
0xb4: {  	v10 =	vor.u32 v0, v4;
	v0 =	vld [tilespmem:$0x1FCD0];
	_ =	sdelay $0x2  }
0xb5: {  	v7 =	vld [tilespmem:s3+$0x20];
	v14 =	vor.u32 v22, v8;
	[tilespmem:v11+s1+$0x0] =	vst.idx.msk $0xffff, v9  }
0xb6: {  	v58 =	vld [tilespmem:s3+$0x40];
	[tilespmem:v13+s1+$0x0] =	vst.idx.msk $0xffff, v12  }
0xb7: {  	v63 =	vor.u32 v0, v3;
	v0 =	vld [tilespmem:$0x1FCC0];
	_ =	sdelay $0x2  }
0xb8: {  	v22 =	vld [tilespmem:s3+$0x60];
	[tilespmem:v14+s1+$0x0] =	vst.idx.msk $0xffff, v7  }
0xb9: {  	v45 =	vld [tilespmem:$0x1FD30];
	[tilespmem:v20+s1+$0x0] =	vst.idx.msk $0xffff, v58  }
0xba: {  	v12 =	vor.u32 v0, v6;
	v0 =	vld [tilespmem:$0x1FDE0];
	_ =	sdelay $0x1  }
0xbb: {  	v51 =	vld [tilespmem:s3+$0x80]  }
0xbc: {  	v9 =	vld [tilespmem:s3+$0xA0]  }
0xbd: {  	v13 =	vld [tilespmem:s3+$0xC0];
	[tilespmem:v10+s1+$0x0] =	vst.idx.msk $0xffff, v22  }
0xbe: {  	v18 =	vor.u32 v0, v2;
	v0 =	vld [tilespmem:$0x1FDC0]  }
0xbf: {  	v16 =	vld [tilespmem:s3+$0x0]  }
0xc0: {  	v19 =	vld [tilespmem:s3+$0x30]  }
0xc1: {  	v20 =	vld [tilespmem:s3+$0x50];
	[tilespmem:v63+s1+$0x0] =	vst.idx.msk $0xffff, v51  }
0xc2: {  	v36 =	vmov v53;
	v53 =	vld [tilespmem:$0x1FF30]  }
0xc3: {  	s11 =	simm.s32 $0xA;
	v22 =	vor.u32 v0, v8;
	v0 =	vld [tilespmem:$0x1FDB0]  }
0xc4: {  	v59 =	vmovc v56;
	s8 =	simm.s32 $0x8;
	v23 =	vmov s11;
	v37 =	vmov v39;
	v35 =	vmov v54;
	v39 =	vld [tilespmem:$0x1FF40]  }
0xc5: {  	s10 =	simm.s32 $0x9;
	v56 =	vmovc v52;
	v52 =	vmovc v38;
	v38 =	vmov v40;
	v11 =	vmov s8;
	v58 =	vmov v35;
	v35 =	vld [tilespmem:$0x1FFE0]  }
0xc6: {  	s13 =	simm.s32 $0xB;
	v47 =	vmovc v21;
	v21 =	vmov s10;
	s10 =	simm.s32 $0xC;
	v11 =	vshrl.u32 v11, $0x3;
	v14 =	vor.u32 v41, v5;
	v41 =	vmovc v46;
	v46 =	vld [tilespmem:$0x1FD50]  }
0xc7: {  	s11 =	simm.s32 $0xD;
	v54 =	vmovc v62;
	v48 =	vmovc v25;
	v15 =	vmov s13;
	s13 =	simm.s32 $0xE;
	v17 =	vmov s10;
	v7 =	vshll.u32 v11, v1;
	v40 =	vld [tilespmem:$0x1FD40]  }
0xc8: {  	s0 =	sshll.u32 s31, $0x1;
	s10 =	simm.s32 $0x10;
	v11 =	vmov s13;
	v10 =	vmov s11;
	s11 =	simm.s32 $0xF;
	v51 =	vmovc v34;
	v8 =	vor.u32 v0, v24;
	v0 =	vmovc v36;
	v36 =	vld [tilespmem:$0x1FF20]  }
.LBB2_3:
0xc9: {  	_ =	sdelay $0x1  }
0xca: {  	v21 =	vshrl.u32 v21, $0x3  }
0xcb: {  	v24 =	vmov s11;
	v25 =	vld [tilespmem:s3+$0x70];
	v4 =	vor.u32 v53, v4;
	v3 =	vor.u32 v46, v3;
	[tilespmem:v12+s1+$0x0] =	vst.idx.msk $0xffff, v9  }
0xcc: {  	v6 =	vor.u32 v40, v6;
	v5 =	vor.u32 v45, v5;
	v12 =	vshrl.u32 v23, $0x3;
	v23 =	vld [tilespmem:s3+$0x90];
	[tilespmem:v14+s1+$0x0] =	vst.idx.msk $0xffff, v13  }
0xcd: {  	v9 =	vshrl.u32 v24, $0x3;
	v13 =	vshrl.u32 v15, $0x3;
	[tilespmem:v18+s1+$0x0] =	vst.idx.msk $0xffff, v16;
	v15 =	vshrl.u32 v17, $0x3;
	v14 =	vld [tilespmem:s3+$0xB0]  }
0xce: {  	[tilespmem:v22+s1+$0x0] =	vst.idx.msk $0xffff, v19;
	v17 =	vshll.u32 v21, v1;
	v19 =	vor.u32 v36, v2;
	v2 =	vbroadcast v7, $0x0;
	v16 =	vld [tilespmem:s3+$0xD0]  }
0xcf: {  	s9 =	sadd.s32 $0x100, s9;
	[tilespmem:v8+s1+$0x0] =	vst.idx.msk $0xffff, v20;
	v9 =	vshll.u32 v9, v1;
	v18 =	vld [tilespmem:s3+$0x10];
	v7 =	vbroadcast v17, $0x0  }
0xd0: {  	v8 =	vshll.u32 v12, v1;
	[tilespmem:v4+s1+$0x0] =	vst.idx.msk $0xffff, v25;
	v20 =	vld [tilespmem:s9+$0xFFFFF000];
	v9 =	vbroadcast v9, $0x0;
	v21 =	vor.u32 v28, v2  }
0xd1: {  	v4 =	vshll.u32 v13, v1;
	v13 =	vld [tilespmem:s9+$0xFFFFF020];
	v22 =	vor.u32 v35, v7;
	[tilespmem:v3+s1+$0x0] =	vst.idx.msk $0xffff, v23  }
0xd2: {  	v12 =	vld [tilespmem:s9+$0xFFFFF0E0];
	v8 =	vbroadcast v8, $0x0;
	v17 =	vor.u32 v61, v9;
	[tilespmem:v6+s1+$0x0] =	vst.idx.msk $0xffff, v14  }
0xd3: {  	v4 =	vbroadcast v4, $0x0;
	v3 =	vshll.u32 v15, v1;
	[tilespmem:v5+s1+$0x0] =	vst.idx.msk $0xffff, v16  }
0xd4: {  	v15 =	vor.u32 v39, v8;
	v14 =	vld [tilespmem:s9+$0xFFFFF040];
	v3 =	vbroadcast v3, $0x0;
	[tilespmem:v19+s1+$0x0] =	vst.idx.msk $0xffff, v18  }
0xd5: {  	v6 =	vshrl.u32 v10, $0x3;
	v10 =	vld [tilespmem:s9+$0xFFFFF060];
	v16 =	vor.u32 v57, v4;
	[tilespmem:v21+s1+$0x0] =	vst.idx.msk $0xffff, v20  }
0xd6: {  	v18 =	vld [tilespmem:s9+$0xFFFFF080];
	v5 =	vshll.u32 v6, v1;
	v19 =	vor.u32 v44, v3;
	[tilespmem:v22+s1+$0x0] =	vst.idx.msk $0xffff, v13  }
0xd7: {  	v11 =	vshrl.u32 v11, $0x3;
	v21 =	vor.u32 v55, v7;
	v6 =	vbroadcast v5, $0x0;
	[tilespmem:v17+s1+$0x0] =	vst.idx.msk $0xffff, v12;
	v20 =	vld [tilespmem:s9+$0xFFFFF030]  }
0xd8: {  	v5 =	vshll.u32 v11, v1;
	v12 =	vor.u32 v47, v9;
	v11 =	vld [tilespmem:s9+$0xFFFFF0F0]  }
0xd9: {  	v13 =	vld [tilespmem:s9+$0xFFFFF0A0];
	v5 =	vbroadcast v5, $0x0;
	v17 =	vor.u32 v42, v6;
	[tilespmem:v15+s1+$0x0] =	vst.idx.msk $0xffff, v14  }
0xda: {  	v14 =	vld [tilespmem:s9+$0xFFFFF0C0];
	[tilespmem:v16+s1+$0x0] =	vst.idx.msk $0xffff, v10  }
0xdb: {  	v15 =	vor.u32 v50, v5;
	v10 =	vld [tilespmem:s9+$0xFFFFF050];
	[tilespmem:v19+s1+$0x0] =	vst.idx.msk $0xffff, v18  }
0xdc: {  	v16 =	vor.u32 v60, v8;
	v18 =	vld [tilespmem:s9+$0xFFFFF070];
	[tilespmem:v21+s1+$0x0] =	vst.idx.msk $0xffff, v20  }
0xdd: {  	v19 =	vor.u32 v48, v4;
	v20 =	vld [tilespmem:s9+$0xFFFFF010];
	[tilespmem:v12+s1+$0x0] =	vst.idx.msk $0xffff, v11  }
0xde: {  	s3 =	sadd.s32 $0x100, s3;
	v21 =	vor.u32 v29, v2;
	[tilespmem:v17+s1+$0x0] =	vst.idx.msk $0xffff, v13;
	v13 =	vld [tilespmem:s9+$0xFFFFF090]  }
0xdf: {  	v17 =	vor.u32 v49, v3;
	v11 =	vld [tilespmem:s3+$0xFFFFF0E0]  }
0xe0: {  	v12 =	vor.u32 v37, v9;
	[tilespmem:v15+s1+$0x0] =	vst.idx.msk $0xffff, v14;
	v14 =	vld [tilespmem:s9+$0xFFFFF0B0]  }
0xe1: {  	v15 =	vld [tilespmem:$0x1FD60];
	[tilespmem:v16+s1+$0x0] =	vst.idx.msk $0xffff, v10  }
0xe2: {  	v10 =	vld [tilespmem:s9+$0xFFFFF0D0];
	v16 =	vor.u32 v52, v5;
	[tilespmem:v19+s1+$0x0] =	vst.idx.msk $0xffff, v18  }
0xe3: {  	v18 =	vld [tilespmem:s3+$0xFFFFF020];
	v19 =	vor.u32 v41, v7;
	[tilespmem:v21+s1+$0x0] =	vst.idx.msk $0xffff, v20  }
0xe4: {  	v21 =	vld [tilespmem:$0x1FEA0];
	[tilespmem:v17+s1+$0x0] =	vst.idx.msk $0xffff, v13  }
0xe5: {  	v13 =	vld [tilespmem:s3+$0xFFFFF040];
	v17 =	vor.u32 v56, v8;
	[tilespmem:v12+s1+$0x0] =	vst.idx.msk $0xffff, v11  }
0xe6: {  	v15 =	vor.u32 v15, v6;
	v11 =	vld [tilespmem:s3+$0xFFFFF0F0]  }
0xe7: {  	[tilespmem:v16+s1+$0x0] =	vst.idx.msk $0xffff, v10;
	v10 =	vld [tilespmem:s3+$0xFFFFF080]  }
0xe8: {  	v16 =	vor.u32 v43, v3;
	[tilespmem:v19+s1+$0x0] =	vst.idx.msk $0xffff, v18;
	v19 =	vld [tilespmem:$0x1FD20]  }
0xe9: {  	v12 =	vor.u32 v38, v9;
	v20 =	vld [tilespmem:s3+$0xFFFFF0C0]  }
0xea: {  	v21 =	vor.u32 v21, v5;
	[tilespmem:v17+s1+$0x0] =	vst.idx.msk $0xffff, v13;
	v13 =	vld [tilespmem:s3+$0xFFFFF000]  }
0xeb: {  	[tilespmem:v15+s1+$0x0] =	vst.idx.msk $0xffff, v14;
	v14 =	vld [tilespmem:s3+$0xFFFFF060];
	v15 =	vor.u32 v58, v4  }
0xec: {  	v17 =	vor.u32 v30, v2;
	v18 =	vld [tilespmem:s3+$0xFFFFF0A0]  }
0xed: {  	[tilespmem:v16+s1+$0x0] =	vst.idx.msk $0xffff, v10;
	v10 =	vld [tilespmem:s3+$0xFFFFF050];
	v16 =	vor.u32 v59, v8  }
0xee: {  	[tilespmem:v12+s1+$0x0] =	vst.idx.msk $0xffff, v11;
	v12 =	vld [tilespmem:$0x1FED0]  }
0xef: {  	v19 =	vor.u32 v19, v6;
	v11 =	vld [tilespmem:s9+$0xE0];
	[tilespmem:v21+s1+$0x0] =	vst.idx.msk $0xffff, v20  }
0xf0: {  	[tilespmem:v15+s1+$0x0] =	vst.idx.msk $0xffff, v14;
	v14 =	vld [tilespmem:s3+$0xFFFFF030];
	v15 =	vor.u32 v0, v7  }
0xf1: {  	v20 =	vld [tilespmem:s3+$0xFFFFF090];
	v21 =	vor.u32 v51, v3;
	[tilespmem:v17+s1+$0x0] =	vst.idx.msk $0xffff, v13  }
0xf2: {  	[tilespmem:v16+s1+$0x0] =	vst.idx.msk $0xffff, v10;
	v10 =	vld [tilespmem:s3+$0xFFFFF0D0]  }
0xf3: {  	v12 =	vor.u32 v12, v9;
	v16 =	vld [tilespmem:s3+$0xFFFFF010]  }
0xf4: {  	[tilespmem:v19+s1+$0x0] =	vst.idx.msk $0xffff, v18;
	v18 =	vld [tilespmem:s3+$0xFFFFF070]  }
0xf5: {  	[tilespmem:v15+s1+$0x0] =	vst.idx.msk $0xffff, v14;
	v14 =	vld [tilespmem:$0x1FD10]  }
0xf6: {  	v17 =	vor.u32 v31, v2;
	[tilespmem:v21+s1+$0x0] =	vst.idx.msk $0xffff, v20;
	v21 =	vld [tilespmem:$0x1FE90]  }
0xf7: {  	v19 =	vor.u32 v54, v4;
	v13 =	vld [tilespmem:s3+$0xFFFFF0B0]  }
0xf8: {  	[tilespmem:v12+s1+$0x0] =	vst.idx.msk $0xffff, v11;
	v12 =	vld [tilespmem:$0x1FE70]  }
0xf9: {  	v20 =	vld [tilespmem:s9+$0x40]  }
0xfa: {  	v15 =	vld [tilespmem:$0x1FE60];
	v14 =	vor.u32 v14, v6  }
0xfb: {  	[tilespmem:v17+s1+$0x0] =	vst.idx.msk $0xffff, v16;
	v17 =	vld [tilespmem:$0x1FD00];
	v21 =	vor.u32 v21, v8  }
0xfc: {  	[tilespmem:v19+s1+$0x0] =	vst.idx.msk $0xffff, v18;
	v19 =	vld [tilespmem:$0x1FF10]  }
0xfd: {  	v11 =	vld [tilespmem:s9+$0xF0];
	v12 =	vor.u32 v12, v9  }
0xfe: {  	v18 =	vld [tilespmem:s9+$0x20]  }
0xff: {  	v15 =	vor.u32 v15, v5;
	[tilespmem:v14+s1+$0x0] =	vst.idx.msk $0xffff, v13;
	v14 =	vld [tilespmem:$0x1FE80]  }
0x100: {  	[tilespmem:v21+s1+$0x0] =	vst.idx.msk $0xffff, v20;
	v20 =	vld [tilespmem:s9+$0x0]  }
0x101: {  	v19 =	vor.u32 v19, v7;
	v13 =	vld [tilespmem:s9+$0x60]  }
0x102: {  	[tilespmem:v12+s1+$0x0] =	vst.idx.msk $0xffff, v11;
	v12 =	vld [tilespmem:$0x1FE30]  }
0x103: {  	v17 =	vor.u32 v17, v6;
	v16 =	vld [tilespmem:s9+$0xA0]  }
0x104: {  	[tilespmem:v15+s1+$0x0] =	vst.idx.msk $0xffff, v10;
	v10 =	vld [tilespmem:s9+$0x80];
	v14 =	vor.u32 v14, v4  }
0x105: {  	v21 =	vor.u32 v32, v2;
	v11 =	vld [tilespmem:s3+$0xE0]  }
0x106: {  	[tilespmem:v19+s1+$0x0] =	vst.idx.msk $0xffff, v18;
	v19 =	vld [tilespmem:$0x1FE00]  }
0x107: {  	v18 =	vld [tilespmem:s9+$0xC0];
	v12 =	vor.u32 v12, v9  }
0x108: {  	v15 =	vor.u32 v26, v3;
	[tilespmem:v17+s1+$0x0] =	vst.idx.msk $0xffff, v16;
	v16 =	vld [tilespmem:$0x1FE20]  }
0x109: {  	[tilespmem:v14+s1+$0x0] =	vst.idx.msk $0xffff, v13;
	v14 =	vld [tilespmem:$0x1FE40]  }
0x10a: {  	[tilespmem:v21+s1+$0x0] =	vst.idx.msk $0xffff, v20;
	v20 =	vld [tilespmem:$0x1FCF0]  }
0x10b: {  	v19 =	vor.u32 v19, v5;
	v13 =	vld [tilespmem:$0x1FE50]  }
0x10c: {  	[tilespmem:v12+s1+$0x0] =	vst.idx.msk $0xffff, v11;
	v12 =	vld [tilespmem:$0x1FCA0]  }
0x10d: {  	[tilespmem:v15+s1+$0x0] =	vst.idx.msk $0xffff, v10;
	v15 =	vld [tilespmem:s9+$0x70];
	v16 =	vor.u32 v16, v4  }
0x10e: {  	v10 =	vld [tilespmem:s9+$0x50];
	v14 =	vor.u32 v14, v8  }
0x10f: {  	v17 =	vld [tilespmem:s9+$0x90]  }
0x110: {  	[tilespmem:v19+s1+$0x0] =	vst.idx.msk $0xffff, v18;
	v19 =	vld [tilespmem:s9+$0xB0]  }
0x111: {  	v20 =	vor.u32 v20, v6;
	v9 =	vor.u32 v12, v9;
	v12 =	vld [tilespmem:s9+$0x30]  }
0x112: {  	v13 =	vor.u32 v13, v7;
	[tilespmem:v16+s1+$0x0] =	vst.idx.msk $0xffff, v15;
	v15 =	vld [tilespmem:$0x1FDF0]  }
0x113: {  	[tilespmem:v14+s1+$0x0] =	vst.idx.msk $0xffff, v10;
	v14 =	vld [tilespmem:$0x1FE10]  }
0x114: {  	v11 =	vld [tilespmem:s3+$0xF0]  }
0x115: {  	v25 =	vld [tilespmem:s3+$0x60]  }
0x116: {  	[tilespmem:v20+s1+$0x0] =	vst.idx.msk $0xffff, v19;
	v20 =	vld [tilespmem:$0x1FDC0]  }
0x117: {  	v18 =	vor.u32 v27, v3;
	[tilespmem:v13+s1+$0x0] =	vst.idx.msk $0xffff, v12;
	v24 =	vor.u32 v15, v8;
	v15 =	vld [tilespmem:$0x1FD70]  }
0x118: {  	v10 =	vld [tilespmem:s3+$0x20];
	v14 =	vor.u32 v14, v7  }
0x119: {  	[tilespmem:v9+s1+$0x0] =	vst.idx.msk $0xffff, v11;
	v11 =	vld [tilespmem:$0x1FDD0]  }
0x11a: {  	v12 =	vld [tilespmem:s9+$0x10]  }
0x11b: {  	v13 =	vor.u32 v33, v2;
	v22 =	vld [tilespmem:s3+$0x40]  }
0x11c: {  	v63 =	vmov v26;
	[tilespmem:v18+s1+$0x0] =	vst.idx.msk $0xffff, v17;
	v26 =	vor.u32 v15, v4;
	v15 =	vld [tilespmem:$0x1FCD0]  }
0x11d: {  	[tilespmem:v14+s1+$0x0] =	vst.idx.msk $0xffff, v10;
	v10 =	vld [tilespmem:$0x1FCE0]  }
0x11e: {  	v62 =	vmov v27;
	v27 =	vld [tilespmem:s3+$0x80]  }
0x11f: {  	v9 =	vld [tilespmem:s9+$0xD0];
	v11 =	vor.u32 v11, v5  }
0x120: {  	[tilespmem:v13+s1+$0x0] =	vst.idx.msk $0xffff, v12;
	v12 =	vld [tilespmem:$0x1FCC0]  }
0x121: {  	v34 =	vmov v33;
	v33 =	vmov v32;
	v32 =	vmov v31;
	[tilespmem:v24+s1+$0x0] =	vst.idx.msk $0xffff, v22;
	v24 =	vld [tilespmem:$0x1FDB0]  }
0x122: {  	s8 =	sadd.s32 $0x1, s10;
	s11 =	sadd.s32 $0x2, s10;
	v31 =	vmovc v30;
	v30 =	vmovc v29;
	v29 =	vmov v28;
	v28 =	vor.u32 v15, v3;
	v14 =	vor.u32 v10, v5;
	v10 =	vld [tilespmem:$0x1FDE0]  }
0x123: {  	p1 =	slt.u32 s10, $0x78;
	v23 =	vmov s11;
	s11 =	sadd.s32 $0x4, s10;
	v21 =	vmov s8  }
.Ltmp0:
0x124: {  	v17 =	vmov s11;
	v16 =	vld [tilespmem:s3+$0x0];
	[tilespmem:v11+s1+$0x0] =	vst.idx.msk $0xffff, v9;
	v11 =	vmov s10;
	(pc) =	sbr.rel @p1 .LBB2_3-.Ltmp0, $4  }
0x125: {  	s13 =	sadd.s32 $0x3, s10;
	v22 =	vor.u32 v20, v7;
	v20 =	vld [tilespmem:s3+$0x50];
	v12 =	vor.u32 v12, v6;
	v11 =	vshrl.u32 v11, $0x3  }
0x126: {  	v9 =	vld [tilespmem:s3+$0xA0];
	v15 =	vmov s13;
	s13 =	sadd.s32 $0x5, s10;
	[tilespmem:v26+s1+$0x0] =	vst.idx.msk $0xffff, v25;
	v26 =	vmovc v63;
	v8 =	vor.u32 v24, v8;
	v7 =	vshll.u32 v11, v1  }
0x127: {  	v19 =	vld [tilespmem:s3+$0x30];
	[tilespmem:v28+s1+$0x0] =	vst.idx.msk $0xffff, v27;
	v27 =	vmovc v62;
	v28 =	vmovc v29;
	v29 =	vmov v30;
	v18 =	vor.u32 v10, v2;
	v10 =	vmov s13;
	s13 =	sadd.s32 $0x6, s10  }
0x128: {  	s11 =	sadd.s32 $0x7, s10;
	v13 =	vld [tilespmem:s3+$0xC0];
	v30 =	vmovc v31;
	v31 =	vmovc v32;
	v32 =	vmov v33;
	v33 =	vmov v34;
	s10 =	sadd.s32 $0x8, s10;
	v11 =	vmov s13  }
0x129: {  	_ =	sdelay $0x3  }
0x12a: {  	v21 =	vshrl.u32 v21, $0x3;
	v4 =	vor.u32 v53, v4;
	[tilespmem:v12+s1+$0x0] =	vst.idx.msk $0xffff, v9;
	v9 =	vmov s11;
	v12 =	vld [tilespmem:s3+$0x70]  }
0x12b: {  	v23 =	vshrl.u32 v23, $0x3;
	[tilespmem:v18+s1+$0x0] =	vst.idx.msk $0xffff, v16;
	v6 =	vor.u32 v40, v6;
	v9 =	vshrl.u32 v9, $0x3;
	v16 =	vld [tilespmem:s3+$0xB0]  }
0x12c: {  	v15 =	vshrl.u32 v15, $0x3;
	[tilespmem:v14+s1+$0x0] =	vst.idx.msk $0xffff, v13;
	v13 =	vld [tilespmem:s3+$0x90];
	v14 =	vor.u32 v46, v3;
	v3 =	vshll.u32 v9, v1  }
0x12d: {  	v17 =	vshrl.u32 v17, $0x3;
	[tilespmem:v22+s1+$0x0] =	vst.idx.msk $0xffff, v19;
	v19 =	vor.u32 v45, v5;
	v9 =	vbroadcast v3, $0x0;
	v18 =	vld [tilespmem:s3+$0xD0]  }
0x12e: {  	s9 =	sadd.s32 $0x100, s9;
	[tilespmem:v8+s1+$0x0] =	vst.idx.msk $0xffff, v20;
	v5 =	vshll.u32 v21, v1;
	v21 =	vor.u32 v36, v2;
	v3 =	vbroadcast v7, $0x0;
	v7 =	vld [tilespmem:s3+$0x10]  }
0x12f: {  	v8 =	vld [tilespmem:s9+$0xFFFFF0E0];
	v2 =	vbroadcast v5, $0x0;
	v5 =	vshll.u32 v23, v1;
	v20 =	vor.u32 v61, v9;
	[tilespmem:v4+s1+$0x0] =	vst.idx.msk $0xffff, v12  }
0x130: {  	v12 =	vld [tilespmem:s9+$0xFFFFF000];
	v22 =	vor.u32 v28, v3;
	v4 =	vbroadcast v5, $0x0;
	v5 =	vshll.u32 v15, v1;
	[tilespmem:v6+s1+$0x0] =	vst.idx.msk $0xffff, v16  }
0x131: {  	v15 =	vshll.u32 v17, v1;
	v5 =	vbroadcast v5, $0x0;
	[tilespmem:v14+s1+$0x0] =	vst.idx.msk $0xffff, v13;
	v13 =	vld [tilespmem:s9+$0xFFFFF020];
	v14 =	vor.u32 v35, v2  }
0x132: {  	v10 =	vshrl.u32 v10, $0x3;
	v16 =	vld [tilespmem:s9+$0xFFFFF040];
	v6 =	vbroadcast v15, $0x0;
	v17 =	vor.u32 v39, v4;
	[tilespmem:v19+s1+$0x0] =	vst.idx.msk $0xffff, v18  }
0x133: {  	v11 =	vshrl.u32 v11, $0x3;
	v10 =	vshll.u32 v10, v1;
	v15 =	vld [tilespmem:s9+$0xFFFFF060];
	v18 =	vor.u32 v57, v5;
	[tilespmem:v21+s1+$0x0] =	vst.idx.msk $0xffff, v7  }
0x134: {  	v19 =	vld [tilespmem:s9+$0xFFFFF080];
	v21 =	vor.u32 v44, v6;
	v7 =	vbroadcast v10, $0x0;
	v10 =	vshll.u32 v11, v1;
	[tilespmem:v20+s1+$0x0] =	vst.idx.msk $0xffff, v8  }
0x135: {  	v11 =	vor.u32 v47, v9;
	[tilespmem:v22+s1+$0x0] =	vst.idx.msk $0xffff, v12;
	v8 =	vbroadcast v10, $0x0;
	v10 =	vld [tilespmem:s9+$0xFFFFF0F0]  }
0x136: {  	v12 =	vld [tilespmem:s9+$0xFFFFF0A0];
	[tilespmem:v14+s1+$0x0] =	vst.idx.msk $0xffff, v13;
	v13 =	vor.u32 v42, v7  }
0x137: {  	[tilespmem:v17+s1+$0x0] =	vst.idx.msk $0xffff, v16;
	v14 =	vld [tilespmem:s9+$0xFFFFF0C0];
	v16 =	vor.u32 v50, v8  }
0x138: {  	v20 =	vor.u32 v55, v2;
	v17 =	vld [tilespmem:s9+$0xFFFFF030];
	[tilespmem:v18+s1+$0x0] =	vst.idx.msk $0xffff, v15  }
0x139: {  	[tilespmem:v21+s1+$0x0] =	vst.idx.msk $0xffff, v19  }
0x13a: {  	[tilespmem:v11+s1+$0x0] =	vst.idx.msk $0xffff, v10  }
0x13b: {  	v15 =	vld [tilespmem:s9+$0xFFFFF050];
	v18 =	vor.u32 v60, v4;
	[tilespmem:v13+s1+$0x0] =	vst.idx.msk $0xffff, v12  }
0x13c: {  	s8 =	sadd.s32 $0x100, s3;
	v19 =	vld [tilespmem:s9+$0xFFFFF070];
	[tilespmem:v16+s1+$0x0] =	vst.idx.msk $0xffff, v14  }
0x13d: {  	v21 =	vor.u32 v48, v5;
	v10 =	vld [tilespmem:s8+$0xFFFFF0E0];
	[tilespmem:v20+s1+$0x0] =	vst.idx.msk $0xffff, v17  }
0x13e: {  	v11 =	vor.u32 v37, v9;
	v16 =	vld [tilespmem:$0x1FD60]  }
0x13f: {  	v12 =	vld [tilespmem:s9+$0xFFFFF090];
	v13 =	vor.u32 v49, v6  }
0x140: {  	v17 =	vor.u32 v52, v8;
	[tilespmem:v18+s1+$0x0] =	vst.idx.msk $0xffff, v15;
	v15 =	vld [tilespmem:s9+$0xFFFFF0D0]  }
0x141: {  	v20 =	vor.u32 v29, v3;
	v18 =	vld [tilespmem:s9+$0xFFFFF010]  }
0x142: {  	[tilespmem:v21+s1+$0x0] =	vst.idx.msk $0xffff, v19;
	v19 =	vld [tilespmem:s8+$0xFFFFF020];
	v21 =	vor.u32 v41, v2  }
0x143: {  	v14 =	vld [tilespmem:s9+$0xFFFFF0B0];
	[tilespmem:v11+s1+$0x0] =	vst.idx.msk $0xffff, v10;
	v16 =	vor.u32 v16, v7  }
0x144: {  	[tilespmem:v13+s1+$0x0] =	vst.idx.msk $0xffff, v12  }
0x145: {  	v11 =	vor.u32 v38, v9;
	v10 =	vld [tilespmem:s8+$0xFFFFF0F0];
	[tilespmem:v17+s1+$0x0] =	vst.idx.msk $0xffff, v15  }
0x146: {  	v12 =	vld [tilespmem:s8+$0xFFFFF040];
	v13 =	vor.u32 v56, v4;
	[tilespmem:v20+s1+$0x0] =	vst.idx.msk $0xffff, v18  }
0x147: {  	[tilespmem:v21+s1+$0x0] =	vst.idx.msk $0xffff, v19  }
0x148: {  	[tilespmem:v16+s1+$0x0] =	vst.idx.msk $0xffff, v14  }
0x149: {  	v19 =	vld [tilespmem:$0x1FD20]  }
0x14a: {  	v22 =	vld [tilespmem:$0x1FEA0];
	[tilespmem:v11+s1+$0x0] =	vst.idx.msk $0xffff, v10  }
0x14b: {  	v15 =	vld [tilespmem:s8+$0xFFFFF080];
	[tilespmem:v13+s1+$0x0] =	vst.idx.msk $0xffff, v12  }
0x14c: {  	v17 =	vor.u32 v43, v6;
	v55 =	vld [tilespmem:$0x1FED0]  }
0x14d: {  	v14 =	vld [tilespmem:s8+$0xFFFFF060];
	v16 =	vor.u32 v58, v5  }
0x14e: {  	v12 =	vld [tilespmem:s8+$0xFFFFF000];
	v13 =	vor.u32 v30, v3  }
0x14f: {  	v18 =	vld [tilespmem:s8+$0xFFFFF0A0];
	v19 =	vor.u32 v19, v7  }
0x150: {  	v20 =	vld [tilespmem:s8+$0xFFFFF0C0];
	v21 =	vor.u32 v22, v8  }
0x151: {  	v10 =	vld [tilespmem:s9+$0xE0];
	[tilespmem:v17+s1+$0x0] =	vst.idx.msk $0xffff, v15;
	v11 =	vor.u32 v55, v9  }
0x152: {  	[tilespmem:v16+s1+$0x0] =	vst.idx.msk $0xffff, v14;
	v14 =	vld [tilespmem:s8+$0xFFFFF030];
	v16 =	vor.u32 v0, v2  }
0x153: {  	[tilespmem:v13+s1+$0x0] =	vst.idx.msk $0xffff, v12  }
0x154: {  	[tilespmem:v19+s1+$0x0] =	vst.idx.msk $0xffff, v18  }
0x155: {  	v15 =	vld [tilespmem:s8+$0xFFFFF050];
	v17 =	vor.u32 v59, v4;
	[tilespmem:v21+s1+$0x0] =	vst.idx.msk $0xffff, v20  }
0x156: {  	v18 =	vld [tilespmem:s8+$0xFFFFF070];
	v19 =	vor.u32 v54, v5;
	[tilespmem:v11+s1+$0x0] =	vst.idx.msk $0xffff, v10  }
0x157: {  	v48 =	vld [tilespmem:$0x1FE70];
	[tilespmem:v16+s1+$0x0] =	vst.idx.msk $0xffff, v14  }
0x158: {  	v59 =	vld [tilespmem:$0x1FD10]  }
0x159: {  	v20 =	vld [tilespmem:s8+$0xFFFFF090]  }
0x15a: {  	v10 =	vld [tilespmem:s9+$0xF0];
	[tilespmem:v17+s1+$0x0] =	vst.idx.msk $0xffff, v15  }
0x15b: {  	v36 =	vmov v37;
	v21 =	vor.u32 v51, v6;
	v37 =	vld [tilespmem:$0x1FE60];
	[tilespmem:v19+s1+$0x0] =	vst.idx.msk $0xffff, v18  }
0x15c: {  	v0 =	vld [tilespmem:$0x1FF10];
	v11 =	vor.u32 v48, v9  }
0x15d: {  	v12 =	vld [tilespmem:s8+$0xFFFFF0B0];
	v13 =	vor.u32 v59, v7;
	_ =	sdelay $0x1  }
0x15e: {  	v14 =	vld [tilespmem:s8+$0xFFFFF0D0]  }
0x15f: {  	v16 =	vld [tilespmem:s8+$0xFFFFF010];
	[tilespmem:v21+s1+$0x0] =	vst.idx.msk $0xffff, v20  }
0x160: {  	v19 =	vor.u32 v0, v2;
	v0 =	vld [tilespmem:$0x1FE90];
	[tilespmem:v11+s1+$0x0] =	vst.idx.msk $0xffff, v10  }
0x161: {  	v18 =	vld [tilespmem:s9+$0x20];
	v15 =	vor.u32 v37, v8;
	[tilespmem:v13+s1+$0x0] =	vst.idx.msk $0xffff, v12  }
0x162: {  	v25 =	vmov v47;
	v17 =	vor.u32 v31, v3;
	v47 =	vld [tilespmem:$0x1FE30]  }
0x163: {  	v23 =	vmov v52;
	v52 =	vld [tilespmem:$0x1FE80];
	_ =	sdelay $0x2  }
0x164: {  	v20 =	vld [tilespmem:s9+$0x40];
	[tilespmem:v15+s1+$0x0] =	vst.idx.msk $0xffff, v14;
	v21 =	vor.u32 v0, v4  }
0x165: {  	v10 =	vld [tilespmem:s8+$0xE0];
	[tilespmem:v17+s1+$0x0] =	vst.idx.msk $0xffff, v16;
	v11 =	vor.u32 v47, v9  }
0x166: {  	v12 =	vld [tilespmem:s9+$0x60];
	[tilespmem:v19+s1+$0x0] =	vst.idx.msk $0xffff, v18;
	v13 =	vor.u32 v52, v5  }
0x167: {  	v0 =	vld [tilespmem:$0x1FD00];
	_ =	sdelay $0x1  }
0x168: {  	[tilespmem:v21+s1+$0x0] =	vst.idx.msk $0xffff, v20  }
0x169: {  	v34 =	vmov v61;
	v61 =	vld [tilespmem:$0x1FE00];
	[tilespmem:v11+s1+$0x0] =	vst.idx.msk $0xffff, v10  }
0x16a: {  	v14 =	vld [tilespmem:s9+$0x80];
	v15 =	vor.u32 v26, v6;
	[tilespmem:v13+s1+$0x0] =	vst.idx.msk $0xffff, v12  }
0x16b: {  	v17 =	vor.u32 v0, v7;
	v0 =	vld [tilespmem:$0x1FE50];
	_ =	sdelay $0x2  }
0x16c: {  	v16 =	vld [tilespmem:s9+$0xA0]  }
0x16d: {  	v43 =	vld [tilespmem:$0x1FCA0];
	[tilespmem:v15+s1+$0x0] =	vst.idx.msk $0xffff, v14  }
0x16e: {  	v12 =	vor.u32 v0, v2;
	v0 =	vld [tilespmem:$0x1FE40];
	_ =	sdelay $0x2  }
0x16f: {  	v18 =	vld [tilespmem:s9+$0xC0];
	v19 =	vor.u32 v61, v8  }
0x170: {  	v20 =	vld [tilespmem:s9+$0x0];
	v21 =	vor.u32 v32, v3;
	[tilespmem:v17+s1+$0x0] =	vst.idx.msk $0xffff, v16  }
0x171: {  	v14 =	vor.u32 v0, v4;
	v0 =	vld [tilespmem:$0x1FE20];
	_ =	sdelay $0x1  }
0x172: {  	v10 =	vld [tilespmem:s8+$0xF0];
	v9 =	vor.u32 v43, v9  }
0x173: {  	v11 =	vld [tilespmem:s9+$0x30];
	[tilespmem:v19+s1+$0x0] =	vst.idx.msk $0xffff, v18  }
0x174: {  	v13 =	vld [tilespmem:s9+$0x50];
	[tilespmem:v21+s1+$0x0] =	vst.idx.msk $0xffff, v20  }
0x175: {  	v16 =	vor.u32 v0, v5;
	v0 =	vld [tilespmem:$0x1FCF0];
	_ =	sdelay $0x1  }
0x176: {  	[tilespmem:v9+s1+$0x0] =	vst.idx.msk $0xffff, v10  }
0x177: {  	v15 =	vld [tilespmem:s9+$0x70];
	[tilespmem:v12+s1+$0x0] =	vst.idx.msk $0xffff, v11  }
0x178: {  	v39 =	vld [tilespmem:$0x1FDD0];
	[tilespmem:v14+s1+$0x0] =	vst.idx.msk $0xffff, v13  }
0x179: {  	v20 =	vor.u32 v0, v7;
	v0 =	vld [tilespmem:$0x1FE10];
	_ =	sdelay $0x3  }
0x17a: {  	v17 =	vld [tilespmem:s9+$0x90];
	v18 =	vor.u32 v27, v6;
	[tilespmem:v16+s1+$0x0] =	vst.idx.msk $0xffff, v15  }
0x17b: {  	v14 =	vor.u32 v0, v2;
	v0 =	vld [tilespmem:$0x1FDF0];
	_ =	sdelay $0x3  }
0x17c: {  	v19 =	vld [tilespmem:s9+$0xB0];
	[tilespmem:v18+s1+$0x0] =	vst.idx.msk $0xffff, v17  }
0x17d: {  	v16 =	vor.u32 v0, v4;
	v0 =	vld [tilespmem:$0x1FD70];
	_ =	sdelay $0x2  }
0x17e: {  	v9 =	vld [tilespmem:s9+$0xD0];
	v10 =	vor.u32 v39, v8  }
0x17f: {  	v11 =	vld [tilespmem:s9+$0x10];
	v12 =	vor.u32 v33, v3;
	[tilespmem:v20+s1+$0x0] =	vst.idx.msk $0xffff, v19  }
0x180: {  	v18 =	vor.u32 v0, v5;
	v0 =	vld [tilespmem:$0x1FCD0];
	_ =	sdelay $0x2  }
0x181: {  	v13 =	vld [tilespmem:s8+$0x20];
	[tilespmem:v10+s1+$0x0] =	vst.idx.msk $0xffff, v9  }
0x182: {  	v15 =	vld [tilespmem:s8+$0x40];
	[tilespmem:v12+s1+$0x0] =	vst.idx.msk $0xffff, v11  }
0x183: {  	v20 =	vor.u32 v0, v6;
	v0 =	vld [tilespmem:$0x1FCC0];
	_ =	sdelay $0x2  }
0x184: {  	v17 =	vld [tilespmem:s8+$0x60];
	[tilespmem:v14+s1+$0x0] =	vst.idx.msk $0xffff, v13  }
0x185: {  	v60 =	vld [tilespmem:$0x1FDE0]  }
0x186: {  	v10 =	vor.u32 v0, v7;
	v0 =	vld [tilespmem:$0x1FCE0];
	[tilespmem:v16+s1+$0x0] =	vst.idx.msk $0xffff, v15  }
0x187: {  	v56 =	vld [tilespmem:$0x1FDC0]  }
0x188: {  	v19 =	vld [tilespmem:s8+$0x80]  }
0x189: {  	v9 =	vld [tilespmem:s8+$0xA0]  }
0x18a: {  	v13 =	vld [tilespmem:s8+$0x0];
	v14 =	vor.u32 v60, v3  }
0x18b: {  	v11 =	vld [tilespmem:s8+$0xC0];
	v12 =	vor.u32 v0, v8  }
0x18c: {  	v15 =	vld [tilespmem:s8+$0x30];
	[tilespmem:v18+s1+$0x0] =	vst.idx.msk $0xffff, v17;
	v2 =	vor.u32 v56, v2  }
0x18d: {  	v57 =	vld [tilespmem:$0x1FDB0];
	[tilespmem:v20+s1+$0x0] =	vst.idx.msk $0xffff, v19  }
0x18e: {  	[tilespmem:v10+s1+$0x0] =	vst.idx.msk $0xffff, v9  }
0x18f: {  	[tilespmem:v14+s1+$0x0] =	vst.idx.msk $0xffff, v13  }
0x190: {  	[tilespmem:v12+s1+$0x0] =	vst.idx.msk $0xffff, v11  }
0x191: {  	v16 =	vld [tilespmem:s8+$0x50];
	[tilespmem:v2+s1+$0x0] =	vst.idx.msk $0xffff, v15  }
0x192: {  	v4 =	vor.u32 v57, v4;
	v12 =	vld [tilespmem:$0x1FF20]  }
0x193: {  	v5 =	vor.u32 v53, v5;
	v17 =	vld [tilespmem:s8+$0x70]  }
0x194: {  	v6 =	vor.u32 v46, v6;
	v9 =	vld [tilespmem:s8+$0x90]  }
0x195: {  	v7 =	vor.u32 v40, v7;
	v10 =	vld [tilespmem:s8+$0xB0]  }
0x196: {  	v8 =	vor.u32 v45, v8;
	v2 =	vld [tilespmem:s8+$0xD0]  }
0x197: {  	v11 =	vld [tilespmem:s8+$0x10];
	[tilespmem:v4+s1+$0x0] =	vst.idx.msk $0xffff, v16;
	v3 =	vor.u32 v12, v3  }
0x198: {  	[tilespmem:v5+s1+$0x0] =	vst.idx.msk $0xffff, v17  }
0x199: {  	[tilespmem:v6+s1+$0x0] =	vst.idx.msk $0xffff, v9  }
0x19a: {  	s10 =	sshll.u32 s31, $0x11;
	[tilespmem:v7+s1+$0x0] =	vst.idx.msk $0xffff, v10  }
0x19b: {  	s3 =	sor.u32 s14, s10;
	s8 =	rddreg [dreg:$0x1];
	[tilespmem:v8+s1+$0x0] =	vst.idx.msk $0xffff, v2  }
0x19c: {  	s8 =	sadd.s32 s8, s3;
	[tilespmem:v3+s1+$0x0] =	vst.idx.msk $0xffff, v11  }
0x19d: {  	[hbm4b:s8+s23] =	stream.strided.scatter [tilespmem:s1], [sflag:$0x5], $0x2000, s24, s23, $0x38;
	[tilespmem:$0x10400] =	vst v63  }
0x19e: {  	s13 =	simm.s32 $0xA400;
	s10 =	smin.u32 s0, $0x61;
	s11 =	sadd.s32 s3, s15  }
0x19f: {  	[hbm4b:s11+s23] =	stream.strided.scatter [tilespmem:s13], [sflag:$0x5], $0x2000, s24, s23, $0x38;
	[tilespmem:$0x10400] =	vst v63  }
0x1a0: {  	s8 =	sshll.u32 s10, $0xD;
	s11 =	rddreg [dreg:$0x7]  }
0x1a1: {  	s8 =	sadd.s32 s11, s8  }
0x1a2: {  	s8 =	sshrl.u32 s8, $0x3  }
0x1a3: {  	s13 =	sadd.s32 s4, s8  }
0x1a4: {  	[tilespmem:s2], [sflag:$0x7] =	stream.strided.gather [hbm4b:s13+s19], $0x100, s20, s19, $0x38;
	[tilespmem:$0x10400] =	vst v63  }
0x1a5: {  	_ =	swait.ge [sflag:s21], $0x100  }
0x1a6: {  	[sflag:s21] =	ssyncset.done $0x0  }
0x1a7: {  	s8 =	sadd.s32 s5, s8;
	[sflag:s21] =	ssyncadd.s32 $0xFFFFFF00  }
0x1a8: {  	[tilespmem:s22], [sflag:$0x7] =	stream.strided.gather [hbm4b:s8+s19], $0x100, s20, s19, $0x38;
	[tilespmem:$0x10400] =	vst v63  }
0x1a9: {  	_ =	swait.ge [sflag:s21], $0x100  }
0x1aa: {  	[sflag:s21] =	ssyncset.done $0x0  }
0x1ab: {  	[sflag:s21] =	ssyncadd.s32 $0xFFFFFF00  }
0x1ac: {  	[tilespmem:s23], [sflag:$0x1] =	stream.indirect.gather [hbm4b:s6+s19], $0x20, s2, s19, $0xb8;
	[tilespmem:$0x10400] =	vst v63  }
0x1ad: {  	s9 =	simm.s32 $0x4400  }
0x1ae: {  	[tilespmem:s9], [sflag:$0x3] =	stream.indirect.gather [hbm4b:s7+s19], $0x20, s22, s19, $0xb8;
	[tilespmem:$0x10400] =	vst v63  }
0x1af: {  	s10 =	simm.s32 $0x1400  }
0x1b0: {  	[tilespmem:s10], [sflag:$0x1] =	stream.indirect.gather [hbm4b:s6+s19], $0x20, s19, s19, $0xb8;
	[tilespmem:$0x10400] =	vst v63  }
0x1b1: {  	s11 =	simm.s32 $0x280;
	s13 =	simm.s32 $0x5400  }
0x1b2: {  	[tilespmem:s13], [sflag:$0x3] =	stream.indirect.gather [hbm4b:s7+s19], $0x20, s11, s19, $0xb8;
	[tilespmem:$0x10400] =	vst v63  }
0x1b3: {  	_ =	swait.ge [sflag:s25], $0x1000  }
0x1b4: {  	[sflag:s25] =	ssyncset.done $0x0  }
0x1b5: {  	[sflag:s25] =	ssyncadd.s32 $0xFFFFF000  }
0x1b6: {  	_ =	swait.ge [sflag:s26], $0x1000  }
0x1b7: {  	[sflag:s26] =	ssyncset.done $0x0  }
0x1b8: {  	[sflag:s26] =	ssyncadd.s32 $0xFFFFF000  }
0x1b9: {  	_ =	swait.ge [sflag:s25], $0x1000  }
0x1ba: {  	[sflag:s25] =	ssyncset.done $0x0  }
0x1bb: {  	[sflag:s25] =	ssyncadd.s32 $0xFFFFF000  }
0x1bc: {  	_ =	swait.ge [sflag:s26], $0x1000  }
0x1bd: {  	s8 =	simm.s32 @!p0 $0x6;
	s10 =	simm.s32 $0x0;
	[sflag:s26] =	ssyncset.done $0x0  }
0x1be: {  	v2 =	vmov s10;
	s10 =	simm.s32 $0x2;
	s11 =	simm.s32 $0x1;
	[sflag:s26] =	ssyncadd.s32 $0xFFFFF000  }
0x1bf: {  	v2 =	vshrl.u32 v2, $0x3;
	s13 =	simm.s32 $0x3;
	v3 =	vmov s11;
	s11 =	simm.s32 $0x7;
	_ =	swait.ge @!p0 [sflag:s8], $0x2000  }
0x1c0: {  	v4 =	vmov s10;
	s10 =	simm.s32 $0x4;
	v5 =	vmov s13;
	v7 =	vmov s11;
	[sflag:s8] =	ssyncset.done @!p0 $0x0  }
0x1c1: {  	v6 =	vmov s10;
	s10 =	simm.s32 $0x6;
	v2 =	vshll.u32 v2, v1;
	v7 =	vshrl.u32 v7, $0x3;
	[sflag:s8] =	ssyncadd.s32 @!p0 $0xFFFFE000  }
0x1c2: {  	v4 =	vshrl.u32 v4, $0x3;
	v11 =	vmov s10;
	v7 =	vshll.u32 v7, v1;
	_ =	swait.ge @!p0 [sflag:s8], $0x2000  }
0x1c3: {  	v3 =	vshrl.u32 v3, $0x3;
	v5 =	vshrl.u32 v5, $0x3;
	v9 =	vbroadcast v7, $0x0;
	[sflag:s8] =	ssyncset.done @!p0 $0x0;
	v41 =	vld [tilespmem:$0x1FF40]  }
0x1c4: {  	s10 =	simm.s32 $0x34F0;
	v6 =	vshrl.u32 v6, $0x3;
	v2 =	vbroadcast v2, $0x0;
	v3 =	vshll.u32 v3, v1;
	v53 =	vld [tilespmem:$0x1FF50];
	[sflag:s8] =	ssyncadd.s32 @!p0 $0xFFFFE000  }
0x1c5: {  	v8 =	vbroadcast v3, $0x0;
	v3 =	vshll.u32 v4, v1;
	v12 =	vor.u32 v34, v9;
	v7 =	vld [tilespmem:s10+$0xFFFFEFF0]  }
0x1c6: {  	v14 =	vor.u32 v28, v2;
	v24 =	vbroadcast v3, $0x0;
	v3 =	vshll.u32 v5, v1;
	v13 =	vld [tilespmem:s10+$0xFFFFEF10]  }
0x1c7: {  	s13 =	simm.s32 $0x5;
	v16 =	vor.u32 v35, v8;
	v4 =	vbroadcast v3, $0x0;
	v3 =	vshll.u32 v6, v1;
	v15 =	vld [tilespmem:s10+$0xFFFFEF30]  }
0x1c8: {  	v10 =	vmov s13;
	v3 =	vbroadcast v3, $0x0;
	v17 =	vld [tilespmem:s10+$0xFFFFEF50];
	v18 =	vor.u32 v41, v24  }
0x1c9: {  	v5 =	vshrl.u32 v10, $0x3;
	v10 =	vld [tilespmem:s10+$0xFFFFEF70];
	v19 =	vor.u32 v53, v4  }
0x1ca: {  	v21 =	vor.u32 v44, v3;
	v20 =	vld [tilespmem:s10+$0xFFFFEF90];
	[tilespmem:v12+s28+$0x0] =	vst.idx.msk $0xffff, v7  }
0x1cb: {  	[tilespmem:v14+s28+$0x0] =	vst.idx.msk $0xffff, v13  }
0x1cc: {  	[tilespmem:v16+s28+$0x0] =	vst.idx.msk $0xffff, v15  }
0x1cd: {  	v7 =	vld [tilespmem:s10+$0xFFFFF000];
	[tilespmem:v18+s28+$0x0] =	vst.idx.msk $0xffff, v17  }
0x1ce: {  	v11 =	vshrl.u32 v11, $0x3;
	v5 =	vshll.u32 v5, v1;
	v45 =	vld [tilespmem:$0x1FF80];
	[tilespmem:v19+s28+$0x0] =	vst.idx.msk $0xffff, v10  }
0x1cf: {  	v6 =	vbroadcast v5, $0x0;
	v5 =	vshll.u32 v11, v1;
	v44 =	vld [tilespmem:$0x1FF70];
	[tilespmem:v21+s28+$0x0] =	vst.idx.msk $0xffff, v20  }
0x1d0: {  	v11 =	vor.u32 v25, v9;
	v5 =	vbroadcast v5, $0x0;
	v20 =	vld [tilespmem:$0x1FF60]  }
0x1d1: {  	v12 =	vld [tilespmem:s10+$0xFFFFEFB0];
	v13 =	vor.u32 v42, v6  }
0x1d2: {  	v14 =	vld [tilespmem:s10+$0xFFFFEFD0];
	v15 =	vor.u32 v50, v5  }
0x1d3: {  	v16 =	vld [tilespmem:s10+$0xFFFFEF40];
	v17 =	vor.u32 v45, v8  }
0x1d4: {  	v10 =	vld [tilespmem:s10+$0xFFFFEF60];
	v18 =	vor.u32 v44, v24  }
0x1d5: {  	v19 =	vld [tilespmem:s10+$0xFFFFEF80];
	[tilespmem:v11+s28+$0x0] =	vst.idx.msk $0xffff, v7;
	v20 =	vor.u32 v20, v4  }
0x1d6: {  	[tilespmem:v13+s28+$0x0] =	vst.idx.msk $0xffff, v12  }
0x1d7: {  	[tilespmem:v15+s28+$0x0] =	vst.idx.msk $0xffff, v14  }
0x1d8: {  	[tilespmem:v17+s28+$0x0] =	vst.idx.msk $0xffff, v16  }
0x1d9: {  	s9 =	simm.s32 $0x74F0;
	v15 =	vld [tilespmem:$0x1FD60];
	[tilespmem:v18+s28+$0x0] =	vst.idx.msk $0xffff, v10  }
0x1da: {  	v7 =	vld [tilespmem:s9+$0xFFFFEFF0];
	[tilespmem:v20+s28+$0x0] =	vst.idx.msk $0xffff, v19  }
0x1db: {  	v11 =	vor.u32 v36, v9;
	v36 =	vld [tilespmem:$0x1FCB0]  }
0x1dc: {  	v12 =	vld [tilespmem:s10+$0xFFFFEFA0];
	v13 =	vor.u32 v49, v3  }
0x1dd: {  	v16 =	vor.u32 v23, v5;
	v10 =	vld [tilespmem:s10+$0xFFFFEFE0]  }
0x1de: {  	v17 =	vld [tilespmem:s10+$0xFFFFEF20];
	v18 =	vor.u32 v29, v2  }
0x1df: {  	v14 =	vld [tilespmem:s10+$0xFFFFEFC0];
	v15 =	vor.u32 v15, v6  }
0x1e0: {  	v19 =	vld [tilespmem:s9+$0xFFFFEF30];
	[tilespmem:v11+s28+$0x0] =	vst.idx.msk $0xffff, v7;
	v20 =	vor.u32 v36, v8  }
0x1e1: {  	[tilespmem:v13+s28+$0x0] =	vst.idx.msk $0xffff, v12  }
0x1e2: {  	v54 =	vld [tilespmem:$0x1FF90];
	[tilespmem:v16+s28+$0x0] =	vst.idx.msk $0xffff, v10  }
0x1e3: {  	[tilespmem:v18+s28+$0x0] =	vst.idx.msk $0xffff, v17  }
0x1e4: {  	[tilespmem:v15+s28+$0x0] =	vst.idx.msk $0xffff, v14  }
0x1e5: {  	v11 =	vor.u32 v38, v9;
	v38 =	vld [tilespmem:$0x1FD90];
	[tilespmem:v20+s28+$0x0] =	vst.idx.msk $0xffff, v19  }
0x1e6: {  	v18 =	vld [tilespmem:$0x1FD20]  }
0x1e7: {  	v7 =	vld [tilespmem:s9+$0xFFFFF000]  }
0x1e8: {  	v12 =	vld [tilespmem:s9+$0xFFFFEF50];
	v13 =	vor.u32 v54, v24  }
0x1e9: {  	v14 =	vld [tilespmem:s9+$0xFFFFEF70];
	v15 =	vor.u32 v58, v4  }
0x1ea: {  	v10 =	vld [tilespmem:s9+$0xFFFFEF90];
	v16 =	vor.u32 v38, v3  }
0x1eb: {  	v17 =	vld [tilespmem:s9+$0xFFFFEFB0];
	v18 =	vor.u32 v18, v6  }
0x1ec: {  	[tilespmem:v11+s28+$0x0] =	vst.idx.msk $0xffff, v7  }
0x1ed: {  	[tilespmem:v13+s28+$0x0] =	vst.idx.msk $0xffff, v12  }
0x1ee: {  	v19 =	vld [tilespmem:s9+$0xFFFFEFD0];
	[tilespmem:v15+s28+$0x0] =	vst.idx.msk $0xffff, v14  }
0x1ef: {  	v46 =	vld [tilespmem:$0x1FFB0];
	[tilespmem:v16+s28+$0x0] =	vst.idx.msk $0xffff, v10  }
0x1f0: {  	v42 =	vld [tilespmem:$0x1FFA0];
	[tilespmem:v18+s28+$0x0] =	vst.idx.msk $0xffff, v17  }
0x1f1: {  	v20 =	vor.u32 v22, v5;
	v38 =	vld [tilespmem:$0x1FFC0]  }
0x1f2: {  	v11 =	vor.u32 v55, v9;
	v7 =	vld [tilespmem:s10+$0xFFFFFFF0]  }
0x1f3: {  	v12 =	vld [tilespmem:s9+$0xFFFFEF10];
	v13 =	vor.u32 v30, v2  }
0x1f4: {  	v14 =	vld [tilespmem:s9+$0xFFFFEF40];
	v15 =	vor.u32 v46, v8  }
0x1f5: {  	v10 =	vld [tilespmem:s9+$0xFFFFEF60];
	v16 =	vor.u32 v42, v24  }
0x1f6: {  	v17 =	vld [tilespmem:s9+$0xFFFFEF80];
	[tilespmem:v20+s28+$0x0] =	vst.idx.msk $0xffff, v19;
	v18 =	vor.u32 v38, v4  }
0x1f7: {  	[tilespmem:v11+s28+$0x0] =	vst.idx.msk $0xffff, v7  }
0x1f8: {  	[tilespmem:v13+s28+$0x0] =	vst.idx.msk $0xffff, v12  }
0x1f9: {  	[tilespmem:v15+s28+$0x0] =	vst.idx.msk $0xffff, v14  }
0x1fa: {  	[tilespmem:v16+s28+$0x0] =	vst.idx.msk $0xffff, v10  }
0x1fb: {  	v0 =	vmov v51;
	v19 =	vld [tilespmem:s9+$0xFFFFEFA0];
	[tilespmem:v18+s28+$0x0] =	vst.idx.msk $0xffff, v17  }
0x1fc: {  	v51 =	vmov v34;
	v20 =	vor.u32 v0, v3;
	v34 =	vld [tilespmem:$0x1FF10]  }
0x1fd: {  	v11 =	vor.u32 v48, v9;
	v7 =	vld [tilespmem:s10+$0x0]  }
0x1fe: {  	v12 =	vld [tilespmem:s9+$0xFFFFEFC0];
	v13 =	vor.u32 v59, v6  }
0x1ff: {  	v14 =	vor.u32 v37, v5;
	v10 =	vld [tilespmem:s9+$0xFFFFEFE0]  }
0x200: {  	v15 =	vld [tilespmem:s9+$0xFFFFEF20];
	v16 =	vor.u32 v31, v2  }
0x201: {  	v17 =	vld [tilespmem:s10+$0xFFFFFF30];
	[tilespmem:v20+s28+$0x0] =	vst.idx.msk $0xffff, v19;
	v18 =	vor.u32 v34, v8  }
0x202: {  	v48 =	vld [tilespmem:$0x1FE90];
	[tilespmem:v11+s28+$0x0] =	vst.idx.msk $0xffff, v7  }
0x203: {  	[tilespmem:v13+s28+$0x0] =	vst.idx.msk $0xffff, v12  }
0x204: {  	[tilespmem:v14+s28+$0x0] =	vst.idx.msk $0xffff, v10  }
0x205: {  	[tilespmem:v16+s28+$0x0] =	vst.idx.msk $0xffff, v15  }
0x206: {  	v19 =	vld [tilespmem:s10+$0xFFFFFF50];
	[tilespmem:v18+s28+$0x0] =	vst.idx.msk $0xffff, v17  }
0x207: {  	v20 =	vor.u32 v48, v24;
	v16 =	vld [tilespmem:$0x1FD00]  }
0x208: {  	v11 =	vor.u32 v47, v9;
	v7 =	vld [tilespmem:s9+$0xFFFFFFF0]  }
0x209: {  	v12 =	vld [tilespmem:s10+$0xFFFFFF70];
	v13 =	vor.u32 v52, v4  }
0x20a: {  	v10 =	vld [tilespmem:s10+$0xFFFFFF90];
	v14 =	vor.u32 v26, v3;
	_ =	sdelay $0x1  }
0x20b: {  	v15 =	vld [tilespmem:s10+$0xFFFFFFB0];
	[tilespmem:v20+s28+$0x0] =	vst.idx.msk $0xffff, v19;
	v16 =	vor.u32 v16, v6  }
0x20c: {  	v17 =	vld [tilespmem:s10+$0xFFFFFFD0];
	v18 =	vor.u32 v61, v5;
	[tilespmem:v11+s28+$0x0] =	vst.idx.msk $0xffff, v7  }
0x20d: {  	v19 =	vld [tilespmem:s10+$0xFFFFFF10];
	v20 =	vor.u32 v32, v2;
	[tilespmem:v13+s28+$0x0] =	vst.idx.msk $0xffff, v12  }
0x20e: {  	v37 =	vld [tilespmem:$0x1FE50];
	[tilespmem:v14+s28+$0x0] =	vst.idx.msk $0xffff, v10  }
0x20f: {  	v59 =	vmov v47;
	v47 =	vld [tilespmem:$0x1FE40]  }
0x210: {  	v11 =	vld [tilespmem:s10+$0xFFFFFF40];
	[tilespmem:v16+s28+$0x0] =	vst.idx.msk $0xffff, v15  }
0x211: {  	v9 =	vor.u32 v43, v9;
	v43 =	vld [tilespmem:$0x1FE20];
	[tilespmem:v18+s28+$0x0] =	vst.idx.msk $0xffff, v17  }
0x212: {  	v7 =	vld [tilespmem:s9+$0x0];
	[tilespmem:v20+s28+$0x0] =	vst.idx.msk $0xffff, v19  }
0x213: {  	v12 =	vor.u32 v37, v8;
	v19 =	vld [tilespmem:$0x1FCF0]  }
0x214: {  	v10 =	vld [tilespmem:s10+$0xFFFFFF60];
	v13 =	vor.u32 v47, v24  }
0x215: {  	v14 =	vld [tilespmem:s10+$0xFFFFFF80]  }
0x216: {  	v16 =	vld [tilespmem:s10+$0xFFFFFFA0];
	v15 =	vor.u32 v43, v4  }
0x217: {  	v17 =	vor.u32 v27, v3;
	v18 =	vld [tilespmem:s10+$0xFFFFFFC0];
	[tilespmem:v9+s28+$0x0] =	vst.idx.msk $0xffff, v7  }
0x218: {  	[tilespmem:v12+s28+$0x0] =	vst.idx.msk $0xffff, v11;
	v7 =	vld [tilespmem:s10+$0xFFFFFFE0];
	v19 =	vor.u32 v19, v6  }
0x219: {  	v11 =	vld [tilespmem:s10+$0xFFFFFF20];
	[tilespmem:v13+s28+$0x0] =	vst.idx.msk $0xffff, v10  }
0x21a: {  	v0 =	vld [tilespmem:$0x1FE10]  }
0x21b: {  	v10 =	vld [tilespmem:s9+$0xFFFFFF30];
	[tilespmem:v15+s28+$0x0] =	vst.idx.msk $0xffff, v14  }
0x21c: {  	v9 =	vor.u32 v39, v5;
	v39 =	vld [tilespmem:$0x1FDF0];
	[tilespmem:v17+s28+$0x0] =	vst.idx.msk $0xffff, v16  }
0x21d: {  	v12 =	vor.u32 v33, v2;
	v25 =	vld [tilespmem:$0x1FD70];
	[tilespmem:v19+s28+$0x0] =	vst.idx.msk $0xffff, v18  }
0x21e: {  	v14 =	vld [tilespmem:$0x1FCD0]  }
0x21f: {  	v13 =	vor.u32 v0, v8;
	v15 =	vld [tilespmem:s9+$0xFFFFFF50]  }
0x220: {  	v21 =	vld [tilespmem:s9+$0xFFFFFF70]  }
0x221: {  	v40 =	vld [tilespmem:s9+$0xFFFFFF90];
	[tilespmem:v9+s28+$0x0] =	vst.idx.msk $0xffff, v7;
	v20 =	vor.u32 v39, v24  }
0x222: {  	v49 =	vmov v23;
	[tilespmem:v12+s28+$0x0] =	vst.idx.msk $0xffff, v11;
	v9 =	vld [tilespmem:s9+$0xFFFFFFB0];
	v23 =	vor.u32 v25, v4  }
0x223: {  	v11 =	vld [tilespmem:$0x1FCC0];
	v55 =	vor.u32 v14, v3  }
0x224: {  	[tilespmem:v13+s28+$0x0] =	vst.idx.msk $0xffff, v10;
	v18 =	vld [tilespmem:s9+$0xFFFFFF10]  }
0x225: {  	s11 =	simm.s32 $0x8;
	v10 =	vld [tilespmem:$0x1FCE0]  }
0x226: {  	v7 =	vmov s11;
	v14 =	vld [tilespmem:s9+$0xFFFFFFD0];
	[tilespmem:v20+s28+$0x0] =	vst.idx.msk $0xffff, v15  }
0x227: {  	s13 =	simm.s32 $0x9;
	v7 =	vshrl.u32 v7, $0x3;
	[tilespmem:v23+s28+$0x0] =	vst.idx.msk $0xffff, v21;
	v21 =	vld [tilespmem:s9+$0xFFFFFF40]  }
0x228: {  	v19 =	vmov s13;
	s13 =	simm.s32 $0xB;
	s11 =	simm.s32 $0xA;
	v15 =	vshll.u32 v7, v1;
	v7 =	vld [tilespmem:s9+$0xFFFFFF60];
	[tilespmem:v55+s28+$0x0] =	vst.idx.msk $0xffff, v40  }
0x229: {  	v22 =	vmov s11;
	v13 =	vmov s13;
	s13 =	simm.s32 $0xD;
	v50 =	vld [tilespmem:$0x1FF20]  }
0x22a: {  	v61 =	vmovc v60;
	s11 =	simm.s32 $0xC;
	v17 =	vor.u32 v10, v5;
	v10 =	vmov s13;
	s13 =	simm.s32 $0xE;
	v20 =	vor.u32 v60, v2;
	v60 =	vmovc v52;
	v55 =	vld [tilespmem:$0x1FDB0]  }
0x22b: {  	v16 =	vmov s11;
	v12 =	vor.u32 v11, v6;
	v11 =	vmov s13;
	v52 =	vmovc v37;
	v37 =	vmovc v0;
	v40 =	vld [tilespmem:$0x1FF60]  }
0x22c: {  	v23 =	vor.u32 v56, v8;
	v8 =	vor.u32 v57, v24;
	v57 =	vmovc v53;
	v53 =	vmovc v47;
	v24 =	vmov v43;
	v47 =	vld [tilespmem:$0x1FF30]  }
0x22d: {  	s8 =	simm.s32 $0xF;
	s11 =	simm.s32 $0x10;
	v0 =	vmovc v41;
	v41 =	vmovc v38;
	v38 =	vmov v48;
	v43 =	vmov v60;
	v60 =	vmov v24;
	v48 =	vld [tilespmem:$0x1FFF0]  }
.LBB2_5:
0x22e: {  	_ =	sdelay $0x2  }
0x22f: {  	v25 =	vld [tilespmem:s9+$0xFFFFFF80]  }
0x230: {  	v24 =	vmov s8;
	[tilespmem:v12+s28+$0x0] =	vst.idx.msk $0xffff, v9;
	v12 =	vshrl.u32 v22, $0x3;
	v22 =	vld [tilespmem:s9+$0xFFFFFFA0]  }
0x231: {  	v4 =	vor.u32 v47, v4;
	v9 =	vshrl.u32 v24, $0x3;
	v24 =	vld [tilespmem:$0x1FD50]  }
0x232: {  	[tilespmem:v17+s28+$0x0] =	vst.idx.msk $0xffff, v14;
	v17 =	vld [tilespmem:$0x1FD40];
	v9 =	vshll.u32 v9, v1  }
0x233: {  	[tilespmem:v20+s28+$0x0] =	vst.idx.msk $0xffff, v18;
	v18 =	vld [tilespmem:$0x1FD30];
	v9 =	vbroadcast v9, $0x0  }
0x234: {  	v13 =	vshrl.u32 v13, $0x3;
	s10 =	sadd.s32 $0x100, s10;
	[tilespmem:v23+s28+$0x0] =	vst.idx.msk $0xffff, v21;
	v20 =	vor.u32 v50, v2;
	v14 =	vld [tilespmem:s9+$0xFFFFFFC0]  }
0x235: {  	v2 =	vbroadcast v15, $0x0;
	[tilespmem:v8+s28+$0x0] =	vst.idx.msk $0xffff, v7;
	v8 =	vshll.u32 v12, v1;
	v12 =	vld [tilespmem:s10+$0xFFFFEFF0];
	v15 =	vor.u32 v51, v9  }
0x236: {  	[tilespmem:v4+s28+$0x0] =	vst.idx.msk $0xffff, v25;
	v4 =	vshll.u32 v13, v1;
	v13 =	vld [tilespmem:s10+$0xFFFFEF30];
	v3 =	vor.u32 v24, v3  }
0x237: {  	v19 =	vshrl.u32 v19, $0x3;
	v6 =	vor.u32 v17, v6;
	v17 =	vld [tilespmem:s9+$0xFFFFFFE0]  }
0x238: {  	v5 =	vor.u32 v18, v5;
	v18 =	vshll.u32 v19, v1;
	v19 =	vld [tilespmem:s9+$0xFFFFFF20]  }
0x239: {  	v7 =	vbroadcast v18, $0x0;
	v18 =	vld [tilespmem:s10+$0xFFFFEF10]  }
0x23a: {  	v8 =	vbroadcast v8, $0x0;
	[tilespmem:v15+s28+$0x0] =	vst.idx.msk $0xffff, v12;
	v12 =	vld [tilespmem:$0x1FEB0]  }
0x23b: {  	v16 =	vshrl.u32 v16, $0x3;
	v15 =	vld [tilespmem:$0x1FF00];
	[tilespmem:v3+s28+$0x0] =	vst.idx.msk $0xffff, v22;
	v22 =	vor.u32 v35, v7  }
0x23c: {  	v3 =	vshll.u32 v16, v1;
	[tilespmem:v6+s28+$0x0] =	vst.idx.msk $0xffff, v14;
	v14 =	vld [tilespmem:s10+$0xFFFFEF50];
	v16 =	vor.u32 v0, v8  }
0x23d: {  	v11 =	vshrl.u32 v11, $0x3;
	v4 =	vbroadcast v4, $0x0;
	v6 =	vshrl.u32 v10, $0x3;
	[tilespmem:v5+s28+$0x0] =	vst.idx.msk $0xffff, v17;
	v10 =	vld [tilespmem:s10+$0xFFFFEF70]  }
0x23e: {  	v21 =	vor.u32 v28, v2;
	[tilespmem:v20+s28+$0x0] =	vst.idx.msk $0xffff, v19;
	v3 =	vbroadcast v3, $0x0;
	v5 =	vshll.u32 v6, v1;
	v19 =	vld [tilespmem:s10+$0xFFFFEF90]  }
0x23f: {  	v17 =	vor.u32 v57, v4;
	v6 =	vbroadcast v5, $0x0;
	v5 =	vshll.u32 v11, v1;
	v11 =	vld [tilespmem:s10+$0xFFFFF000]  }
0x240: {  	v20 =	vor.u32 v48, v3;
	[tilespmem:v22+s28+$0x0] =	vst.idx.msk $0xffff, v13;
	v13 =	vld [tilespmem:s10+$0xFFFFEFB0]  }
0x241: {  	v12 =	vor.u32 v12, v9;
	[tilespmem:v16+s28+$0x0] =	vst.idx.msk $0xffff, v14;
	v14 =	vld [tilespmem:s10+$0xFFFFEFD0]  }
0x242: {  	v16 =	vld [tilespmem:$0x1FEC0]  }
0x243: {  	[tilespmem:v21+s28+$0x0] =	vst.idx.msk $0xffff, v18;
	v15 =	vor.u32 v15, v6;
	v18 =	vld [tilespmem:s10+$0xFFFFEF40]  }
0x244: {  	[tilespmem:v17+s28+$0x0] =	vst.idx.msk $0xffff, v10;
	v10 =	vld [tilespmem:s10+$0xFFFFEF60]  }
0x245: {  	v21 =	vor.u32 v45, v7;
	v5 =	vbroadcast v5, $0x0;
	[tilespmem:v20+s28+$0x0] =	vst.idx.msk $0xffff, v19;
	v19 =	vld [tilespmem:s10+$0xFFFFEF80]  }
0x246: {  	s9 =	sadd.s32 $0x100, s9;
	v20 =	vor.u32 v40, v4;
	[tilespmem:v12+s28+$0x0] =	vst.idx.msk $0xffff, v11;
	v12 =	vld [tilespmem:$0x1FEF0]  }
0x247: {  	v16 =	vor.u32 v16, v5;
	v11 =	vld [tilespmem:s9+$0xFFFFEFF0]  }
0x248: {  	[tilespmem:v15+s28+$0x0] =	vst.idx.msk $0xffff, v13;
	v13 =	vld [tilespmem:s10+$0xFFFFEFA0]  }
0x249: {  	v17 =	vor.u32 v44, v8;
	v15 =	vld [tilespmem:$0x1FD80]  }
0x24a: {  	[tilespmem:v21+s28+$0x0] =	vst.idx.msk $0xffff, v18;
	v18 =	vld [tilespmem:s10+$0xFFFFEF20];
	v21 =	vor.u32 v29, v2  }
0x24b: {  	[tilespmem:v20+s28+$0x0] =	vst.idx.msk $0xffff, v19;
	v19 =	vld [tilespmem:s9+$0xFFFFEF30];
	v20 =	vor.u32 v36, v7  }
0x24c: {  	v12 =	vor.u32 v12, v9;
	[tilespmem:v16+s28+$0x0] =	vst.idx.msk $0xffff, v14;
	v14 =	vld [tilespmem:s10+$0xFFFFEFC0]  }
0x24d: {  	v16 =	vld [tilespmem:$0x1FD60]  }
0x24e: {  	[tilespmem:v17+s28+$0x0] =	vst.idx.msk $0xffff, v10;
	v15 =	vor.u32 v15, v3;
	v10 =	vld [tilespmem:s10+$0xFFFFEFE0]  }
0x24f: {  	v17 =	vor.u32 v49, v5;
	[tilespmem:v21+s28+$0x0] =	vst.idx.msk $0xffff, v18;
	v21 =	vld [tilespmem:$0x1FEA0]  }
0x250: {  	[tilespmem:v20+s28+$0x0] =	vst.idx.msk $0xffff, v19;
	v19 =	vld [tilespmem:$0x1FD20]  }
0x251: {  	[tilespmem:v12+s28+$0x0] =	vst.idx.msk $0xffff, v11;
	v12 =	vld [tilespmem:$0x1FEE0]  }
0x252: {  	v16 =	vor.u32 v16, v6;
	v11 =	vld [tilespmem:s9+$0xFFFFF000]  }
0x253: {  	[tilespmem:v15+s28+$0x0] =	vst.idx.msk $0xffff, v13;
	v13 =	vld [tilespmem:s9+$0xFFFFEF50];
	v15 =	vor.u32 v54, v8  }
0x254: {  	[tilespmem:v17+s28+$0x0] =	vst.idx.msk $0xffff, v10;
	v17 =	vld [tilespmem:$0x1FD90]  }
0x255: {  	v21 =	vor.u32 v21, v5;
	v20 =	vld [tilespmem:s9+$0xFFFFEFD0]  }
0x256: {  	v10 =	vld [tilespmem:s9+$0xFFFFEF90];
	v12 =	vor.u32 v12, v9  }
0x257: {  	[tilespmem:v16+s28+$0x0] =	vst.idx.msk $0xffff, v14;
	v14 =	vld [tilespmem:s9+$0xFFFFEF70]  }
0x258: {  	v16 =	vor.u32 v58, v4;
	[tilespmem:v15+s28+$0x0] =	vst.idx.msk $0xffff, v13;
	v13 =	vld [tilespmem:s9+$0xFFFFEF10]  }
0x259: {  	v17 =	vor.u32 v17, v3;
	v18 =	vld [tilespmem:s9+$0xFFFFEFB0]  }
0x25a: {  	v19 =	vor.u32 v19, v6;
	[tilespmem:v21+s28+$0x0] =	vst.idx.msk $0xffff, v20;
	v21 =	vld [tilespmem:$0x1FDA0]  }
0x25b: {  	v15 =	vor.u32 v30, v2;
	[tilespmem:v12+s28+$0x0] =	vst.idx.msk $0xffff, v11;
	v12 =	vld [tilespmem:$0x1FED0]  }
0x25c: {  	v11 =	vld [tilespmem:s10+$0xFFFFFFF0]  }
0x25d: {  	[tilespmem:v16+s28+$0x0] =	vst.idx.msk $0xffff, v14;
	v14 =	vld [tilespmem:s9+$0xFFFFEF40];
	v16 =	vor.u32 v46, v7  }
0x25e: {  	[tilespmem:v17+s28+$0x0] =	vst.idx.msk $0xffff, v10;
	v10 =	vld [tilespmem:s9+$0xFFFFEF60];
	v17 =	vor.u32 v42, v8  }
0x25f: {  	[tilespmem:v19+s28+$0x0] =	vst.idx.msk $0xffff, v18;
	v18 =	vld [tilespmem:s9+$0xFFFFEF80];
	v19 =	vor.u32 v41, v4  }
0x260: {  	[tilespmem:v15+s28+$0x0] =	vst.idx.msk $0xffff, v13;
	v15 =	vld [tilespmem:$0x1FE60];
	v12 =	vor.u32 v12, v9  }
0x261: {  	v20 =	vld [tilespmem:s9+$0xFFFFEFA0]  }
0x262: {  	[tilespmem:v16+s28+$0x0] =	vst.idx.msk $0xffff, v14;
	v14 =	vld [tilespmem:$0x1FD10]  }
0x263: {  	v16 =	vld [tilespmem:s9+$0xFFFFEF20];
	[tilespmem:v17+s28+$0x0] =	vst.idx.msk $0xffff, v10  }
0x264: {  	v17 =	vor.u32 v31, v2;
	[tilespmem:v19+s28+$0x0] =	vst.idx.msk $0xffff, v18;
	v18 =	vld [tilespmem:s10+$0xFFFFFF30]  }
0x265: {  	v19 =	vor.u32 v34, v7;
	[tilespmem:v12+s28+$0x0] =	vst.idx.msk $0xffff, v11;
	v12 =	vld [tilespmem:$0x1FE70]  }
0x266: {  	v21 =	vor.u32 v21, v3;
	v13 =	vld [tilespmem:s9+$0xFFFFEFC0]  }
0x267: {  	v15 =	vor.u32 v15, v5;
	v10 =	vld [tilespmem:s9+$0xFFFFEFE0]  }
0x268: {  	v11 =	vld [tilespmem:s10+$0x0];
	v14 =	vor.u32 v14, v6  }
0x269: {  	[tilespmem:v17+s28+$0x0] =	vst.idx.msk $0xffff, v16;
	v17 =	vld [tilespmem:$0x1FD00]  }
0x26a: {  	[tilespmem:v19+s28+$0x0] =	vst.idx.msk $0xffff, v18;
	v19 =	vld [tilespmem:$0x1FE00];
	v12 =	vor.u32 v12, v9  }
0x26b: {  	[tilespmem:v21+s28+$0x0] =	vst.idx.msk $0xffff, v20  }
0x26c: {  	[tilespmem:v15+s28+$0x0] =	vst.idx.msk $0xffff, v10  }
0x26d: {  	v10 =	vld [tilespmem:s10+$0xFFFFFF90];
	v15 =	vor.u32 v26, v3;
	[tilespmem:v14+s28+$0x0] =	vst.idx.msk $0xffff, v13  }
0x26e: {  	v16 =	vld [tilespmem:s10+$0xFFFFFFB0];
	v17 =	vor.u32 v17, v6  }
0x26f: {  	v18 =	vld [tilespmem:s10+$0xFFFFFFD0];
	v19 =	vor.u32 v19, v5;
	[tilespmem:v12+s28+$0x0] =	vst.idx.msk $0xffff, v11  }
0x270: {  	v12 =	vor.u32 v59, v9;
	v11 =	vld [tilespmem:s9+$0xFFFFFFF0]  }
0x271: {  	v20 =	vld [tilespmem:s10+$0xFFFFFF50];
	v21 =	vor.u32 v38, v8  }
0x272: {  	v13 =	vld [tilespmem:s10+$0xFFFFFF70];
	v14 =	vor.u32 v43, v4;
	[tilespmem:v15+s28+$0x0] =	vst.idx.msk $0xffff, v10  }
0x273: {  	[tilespmem:v17+s28+$0x0] =	vst.idx.msk $0xffff, v16  }
0x274: {  	[tilespmem:v19+s28+$0x0] =	vst.idx.msk $0xffff, v18;
	v17 =	vld [tilespmem:s10+$0xFFFFFFA0]  }
0x275: {  	v18 =	vor.u32 v27, v3;
	[tilespmem:v12+s28+$0x0] =	vst.idx.msk $0xffff, v11;
	v12 =	vld [tilespmem:$0x1FCA0]  }
0x276: {  	[tilespmem:v21+s28+$0x0] =	vst.idx.msk $0xffff, v20;
	v20 =	vld [tilespmem:s10+$0xFFFFFF10]  }
0x277: {  	v21 =	vor.u32 v32, v2;
	v10 =	vld [tilespmem:s10+$0xFFFFFF60];
	[tilespmem:v14+s28+$0x0] =	vst.idx.msk $0xffff, v13  }
0x278: {  	v14 =	vor.u32 v53, v8;
	v15 =	vld [tilespmem:s10+$0xFFFFFF80]  }
0x279: {  	v16 =	vor.u32 v60, v4;
	v11 =	vld [tilespmem:s9+$0x0]  }
0x27a: {  	[tilespmem:v18+s28+$0x0] =	vst.idx.msk $0xffff, v17;
	v17 =	vld [tilespmem:$0x1FD70];
	v9 =	vor.u32 v12, v9  }
0x27b: {  	v13 =	vor.u32 v52, v7;
	v12 =	vld [tilespmem:s10+$0xFFFFFF40]  }
0x27c: {  	[tilespmem:v21+s28+$0x0] =	vst.idx.msk $0xffff, v20;
	v20 =	vld [tilespmem:$0x1FCF0]  }
0x27d: {  	v19 =	vld [tilespmem:s10+$0xFFFFFFC0];
	[tilespmem:v14+s28+$0x0] =	vst.idx.msk $0xffff, v10  }
0x27e: {  	[tilespmem:v16+s28+$0x0] =	vst.idx.msk $0xffff, v15;
	v15 =	vld [tilespmem:s9+$0xFFFFFF50]  }
0x27f: {  	v25 =	vor.u32 v17, v4;
	v17 =	vld [tilespmem:$0x1FCD0];
	[tilespmem:v9+s28+$0x0] =	vst.idx.msk $0xffff, v11  }
0x280: {  	v16 =	vor.u32 v39, v8;
	[tilespmem:v13+s28+$0x0] =	vst.idx.msk $0xffff, v12;
	v11 =	vld [tilespmem:$0x1FDD0]  }
0x281: {  	v14 =	vor.u32 v37, v7;
	v10 =	vld [tilespmem:s9+$0xFFFFFF30]  }
0x282: {  	v12 =	vld [tilespmem:s10+$0xFFFFFF20];
	v13 =	vor.u32 v33, v2  }
0x283: {  	v20 =	vor.u32 v20, v6;
	v24 =	vld [tilespmem:s9+$0xFFFFFF70]  }
0x284: {  	v26 =	vld [tilespmem:s9+$0xFFFFFF90]  }
0x285: {  	[tilespmem:v16+s28+$0x0] =	vst.idx.msk $0xffff, v15;
	v9 =	vld [tilespmem:s10+$0xFFFFFFE0];
	v11 =	vor.u32 v11, v5  }
0x286: {  	v27 =	vor.u32 v17, v3;
	[tilespmem:v14+s28+$0x0] =	vst.idx.msk $0xffff, v10;
	v10 =	vld [tilespmem:$0x1FCE0]  }
0x287: {  	p0 =	slt.u32 s11, $0x78;
	s8 =	sadd.s32 $0x2, s11;
	[tilespmem:v13+s28+$0x0] =	vst.idx.msk $0xffff, v12;
	v12 =	vld [tilespmem:$0x1FCC0]  }
.Ltmp1:
0x288: {  	s13 =	sadd.s32 $0x1, s11;
	v23 =	vor.u32 v56, v7;
	v22 =	vmov s8;
	s8 =	sadd.s32 $0x4, s11;
	[tilespmem:v20+s28+$0x0] =	vst.idx.msk $0xffff, v19;
	v7 =	vld [tilespmem:s9+$0xFFFFFF60];
	(pc) =	sbr.rel @p0 .LBB2_5-.Ltmp1, $4  }
0x289: {  	v8 =	vor.u32 v55, v8;
	v19 =	vmov s13;
	s13 =	sadd.s32 $0x3, s11;
	v16 =	vmov s8;
	[tilespmem:v25+s28+$0x0] =	vst.idx.msk $0xffff, v24;
	v18 =	vld [tilespmem:s9+$0xFFFFFF10]  }
0x28a: {  	v20 =	vor.u32 v61, v2;
	v13 =	vmov s13;
	s13 =	sadd.s32 $0x5, s11;
	v21 =	vld [tilespmem:s9+$0xFFFFFF40];
	[tilespmem:v11+s28+$0x0] =	vst.idx.msk $0xffff, v9;
	v11 =	vmov s11  }
0x28b: {  	[tilespmem:v27+s28+$0x0] =	vst.idx.msk $0xffff, v26;
	v9 =	vld [tilespmem:s9+$0xFFFFFFB0];
	v11 =	vshrl.u32 v11, $0x3;
	v17 =	vor.u32 v10, v5;
	v10 =	vmov s13;
	s13 =	sadd.s32 $0x6, s11  }
0x28c: {  	s8 =	sadd.s32 $0x7, s11;
	v27 =	vmovc v62;
	v26 =	vmovc v63;
	v12 =	vor.u32 v12, v6;
	v14 =	vld [tilespmem:s9+$0xFFFFFFD0];
	s11 =	sadd.s32 $0x8, s11;
	v15 =	vshll.u32 v11, v1;
	v11 =	vmov s13  }
0x28d: {  	_ =	sdelay $0x3  }
0x28e: {  	[tilespmem:v12+s28+$0x0] =	vst.idx.msk $0xffff, v9  }
0x28f: {  	[tilespmem:v17+s28+$0x0] =	vst.idx.msk $0xffff, v14  }
0x290: {  	v14 =	vshrl.u32 v22, $0x3;
	v22 =	vld [tilespmem:$0x1FD50];
	_ =	sdelay $0x2  }
0x291: {  	v24 =	vmov s8  }
0x292: {  	v9 =	vshrl.u32 v24, $0x3;
	[tilespmem:v20+s28+$0x0] =	vst.idx.msk $0xffff, v18  }
0x293: {  	v22 =	vor.u32 v22, v3;
	v3 =	vshll.u32 v9, v1;
	v9 =	vld [tilespmem:$0x1FD40];
	_ =	sdelay $0x3  }
0x294: {  	[tilespmem:v23+s28+$0x0] =	vst.idx.msk $0xffff, v21  }
0x295: {  	v6 =	vor.u32 v9, v6;
	v9 =	vbroadcast v3, $0x0;
	v3 =	vld [tilespmem:$0x1FD30]  }
0x296: {  	v4 =	vor.u32 v47, v4;
	v12 =	vshrl.u32 v19, $0x3;
	v19 =	vld [tilespmem:s9+$0xFFFFFF80]  }
0x297: {  	v17 =	vld [tilespmem:s9+$0xFFFFFFA0]  }
0x298: {  	v18 =	vld [tilespmem:s9+$0xFFFFFFC0]  }
0x299: {  	[tilespmem:v8+s28+$0x0] =	vst.idx.msk $0xffff, v7;
	v7 =	vld [tilespmem:s9+$0xFFFFFF20];
	v8 =	vor.u32 v50, v2  }
0x29a: {  	s10 =	sadd.s32 $0x100, s10;
	v20 =	vld [tilespmem:s9+$0xFFFFFFE0];
	v21 =	vor.u32 v3, v5;
	v3 =	vbroadcast v15, $0x0;
	v5 =	vshll.u32 v12, v1  }
0x29b: {  	[tilespmem:v4+s28+$0x0] =	vst.idx.msk $0xffff, v19;
	v12 =	vld [tilespmem:s10+$0xFFFFEFF0];
	v2 =	vbroadcast v5, $0x0;
	v5 =	vshll.u32 v14, v1;
	v14 =	vor.u32 v51, v9  }
0x29c: {  	[tilespmem:v22+s28+$0x0] =	vst.idx.msk $0xffff, v17;
	v15 =	vld [tilespmem:s10+$0xFFFFEF10];
	v17 =	vor.u32 v28, v3  }
0x29d: {  	[tilespmem:v6+s28+$0x0] =	vst.idx.msk $0xffff, v18  }
0x29e: {  	[tilespmem:v8+s28+$0x0] =	vst.idx.msk $0xffff, v7  }
0x29f: {  	[tilespmem:v21+s28+$0x0] =	vst.idx.msk $0xffff, v20  }
0x2a0: {  	v13 =	vshrl.u32 v13, $0x3;
	v4 =	vbroadcast v5, $0x0;
	[tilespmem:v14+s28+$0x0] =	vst.idx.msk $0xffff, v12  }
0x2a1: {  	v5 =	vshll.u32 v13, v1;
	v13 =	vld [tilespmem:s10+$0xFFFFEF30];
	v18 =	vor.u32 v35, v2;
	[tilespmem:v17+s28+$0x0] =	vst.idx.msk $0xffff, v15  }
0x2a2: {  	v19 =	vor.u32 v0, v4;
	v0 =	vld [tilespmem:$0x1FEB0];
	_ =	sdelay $0x2  }
0x2a3: {  	v16 =	vshrl.u32 v16, $0x3  }
0x2a4: {  	v6 =	vshll.u32 v16, v1;
	v16 =	vld [tilespmem:s10+$0xFFFFEF50];
	[tilespmem:v18+s28+$0x0] =	vst.idx.msk $0xffff, v13  }
0x2a5: {  	v10 =	vshrl.u32 v10, $0x3;
	v5 =	vbroadcast v5, $0x0;
	v14 =	vor.u32 v0, v9;
	v0 =	vld [tilespmem:$0x1FF00]  }
0x2a6: {  	v7 =	vshll.u32 v10, v1;
	v10 =	vld [tilespmem:s10+$0xFFFFEF90];
	v6 =	vbroadcast v6, $0x0  }
0x2a7: {  	v20 =	vld [tilespmem:s10+$0xFFFFEF70];
	v21 =	vor.u32 v57, v5  }
0x2a8: {  	v8 =	vshrl.u32 v11, $0x3;
	v7 =	vbroadcast v7, $0x0;
	v11 =	vor.u32 v48, v6;
	v12 =	vld [tilespmem:s10+$0xFFFFF000]  }
0x2a9: {  	v13 =	vld [tilespmem:s10+$0xFFFFEFB0];
	[tilespmem:v19+s28+$0x0] =	vst.idx.msk $0xffff, v16  }
0x2aa: {  	v15 =	vor.u32 v0, v7;
	v0 =	vld [tilespmem:$0x1FEC0];
	_ =	sdelay $0x1  }
0x2ab: {  	v8 =	vshll.u32 v8, v1;
	[tilespmem:v21+s28+$0x0] =	vst.idx.msk $0xffff, v20  }
0x2ac: {  	v8 =	vbroadcast v8, $0x0;
	[tilespmem:v11+s28+$0x0] =	vst.idx.msk $0xffff, v10  }
0x2ad: {  	[tilespmem:v14+s28+$0x0] =	vst.idx.msk $0xffff, v12  }
0x2ae: {  	v16 =	vld [tilespmem:s10+$0xFFFFEFD0];
	v17 =	vor.u32 v0, v8;
	[tilespmem:v15+s28+$0x0] =	vst.idx.msk $0xffff, v13  }
0x2af: {  	v0 =	vld [tilespmem:$0x1FEF0];
	_ =	sdelay $0x3  }
0x2b0: {  	[tilespmem:v17+s28+$0x0] =	vst.idx.msk $0xffff, v16  }
0x2b1: {  	v15 =	vor.u32 v0, v9;
	v0 =	vld [tilespmem:$0x1FD80]  }
0x2b2: {  	v18 =	vld [tilespmem:s10+$0xFFFFEF40];
	v19 =	vor.u32 v45, v2  }
0x2b3: {  	v10 =	vld [tilespmem:s10+$0xFFFFEF60];
	v11 =	vor.u32 v44, v4  }
0x2b4: {  	s11 =	sadd.s32 $0x100, s9;
	v14 =	vor.u32 v40, v5;
	v12 =	vld [tilespmem:s10+$0xFFFFEF80]  }
0x2b5: {  	v13 =	vld [tilespmem:s11+$0xFFFFEFF0]  }
0x2b6: {  	v16 =	vld [tilespmem:s10+$0xFFFFEFA0];
	v17 =	vor.u32 v0, v6  }
0x2b7: {  	[tilespmem:v19+s28+$0x0] =	vst.idx.msk $0xffff, v18  }
0x2b8: {  	v45 =	vld [tilespmem:$0x1FD60];
	[tilespmem:v11+s28+$0x0] =	vst.idx.msk $0xffff, v10  }
0x2b9: {  	[tilespmem:v14+s28+$0x0] =	vst.idx.msk $0xffff, v12  }
0x2ba: {  	[tilespmem:v15+s28+$0x0] =	vst.idx.msk $0xffff, v13  }
0x2bb: {  	[tilespmem:v17+s28+$0x0] =	vst.idx.msk $0xffff, v16  }
0x2bc: {  	v15 =	vor.u32 v36, v2;
	v36 =	vld [tilespmem:$0x1FEE0]  }
0x2bd: {  	v18 =	vld [tilespmem:s10+$0xFFFFEFC0];
	v19 =	vor.u32 v45, v7  }
0x2be: {  	v10 =	vld [tilespmem:s10+$0xFFFFEFE0];
	v11 =	vor.u32 v49, v8  }
0x2bf: {  	v12 =	vld [tilespmem:s10+$0xFFFFEF20];
	v14 =	vor.u32 v29, v3  }
0x2c0: {  	v13 =	vld [tilespmem:s11+$0xFFFFEF30]  }
0x2c1: {  	v16 =	vld [tilespmem:s11+$0xFFFFF000];
	v17 =	vor.u32 v36, v9  }
0x2c2: {  	[tilespmem:v19+s28+$0x0] =	vst.idx.msk $0xffff, v18;
	v18 =	vld [tilespmem:s11+$0xFFFFEF50];
	v19 =	vor.u32 v54, v4  }
0x2c3: {  	[tilespmem:v11+s28+$0x0] =	vst.idx.msk $0xffff, v10  }
0x2c4: {  	[tilespmem:v14+s28+$0x0] =	vst.idx.msk $0xffff, v12  }
0x2c5: {  	v0 =	vld [tilespmem:$0x1FD90];
	[tilespmem:v15+s28+$0x0] =	vst.idx.msk $0xffff, v13  }
0x2c6: {  	v51 =	vmov v49;
	v49 =	vld [tilespmem:$0x1FD20];
	[tilespmem:v17+s28+$0x0] =	vst.idx.msk $0xffff, v16  }
0x2c7: {  	v40 =	vld [tilespmem:$0x1FEA0];
	[tilespmem:v19+s28+$0x0] =	vst.idx.msk $0xffff, v18  }
0x2c8: {  	v35 =	vld [tilespmem:$0x1FED0]  }
0x2c9: {  	v10 =	vld [tilespmem:s11+$0xFFFFEF70];
	v11 =	vor.u32 v58, v5  }
0x2ca: {  	v12 =	vld [tilespmem:s11+$0xFFFFEF90];
	v14 =	vor.u32 v0, v6  }
0x2cb: {  	v13 =	vld [tilespmem:s11+$0xFFFFEFB0];
	v15 =	vor.u32 v49, v7  }
0x2cc: {  	v16 =	vld [tilespmem:s11+$0xFFFFEFD0];
	v17 =	vor.u32 v40, v8  }
0x2cd: {  	v18 =	vld [tilespmem:s10+$0xFFFFFFF0];
	v19 =	vor.u32 v35, v9  }
0x2ce: {  	[tilespmem:v11+s28+$0x0] =	vst.idx.msk $0xffff, v10  }
0x2cf: {  	[tilespmem:v14+s28+$0x0] =	vst.idx.msk $0xffff, v12  }
0x2d0: {  	v10 =	vld [tilespmem:s11+$0xFFFFEF10];
	v11 =	vor.u32 v30, v3;
	[tilespmem:v15+s28+$0x0] =	vst.idx.msk $0xffff, v13  }
0x2d1: {  	v12 =	vld [tilespmem:s11+$0xFFFFEF40];
	v14 =	vor.u32 v46, v2;
	[tilespmem:v17+s28+$0x0] =	vst.idx.msk $0xffff, v16  }
0x2d2: {  	v13 =	vld [tilespmem:s11+$0xFFFFEF60];
	v15 =	vor.u32 v42, v4;
	[tilespmem:v19+s28+$0x0] =	vst.idx.msk $0xffff, v18  }
0x2d3: {  	v0 =	vld [tilespmem:$0x1FDA0];
	_ =	sdelay $0x1  }
0x2d4: {  	[tilespmem:v11+s28+$0x0] =	vst.idx.msk $0xffff, v10  }
0x2d5: {  	v47 =	vld [tilespmem:$0x1FE70];
	[tilespmem:v14+s28+$0x0] =	vst.idx.msk $0xffff, v12  }
0x2d6: {  	v22 =	vld [tilespmem:$0x1FD10];
	[tilespmem:v15+s28+$0x0] =	vst.idx.msk $0xffff, v13  }
0x2d7: {  	v19 =	vor.u32 v0, v6;
	v0 =	vld [tilespmem:$0x1FE60]  }
0x2d8: {  	v16 =	vld [tilespmem:s11+$0xFFFFEF80];
	v17 =	vor.u32 v41, v5  }
0x2d9: {  	v18 =	vld [tilespmem:s11+$0xFFFFEFA0]  }
0x2da: {  	v10 =	vld [tilespmem:s10+$0x0];
	v11 =	vor.u32 v47, v9  }
0x2db: {  	v12 =	vld [tilespmem:s11+$0xFFFFEFC0];
	v14 =	vor.u32 v22, v7  }
0x2dc: {  	v13 =	vld [tilespmem:s11+$0xFFFFEFE0];
	v15 =	vor.u32 v0, v8  }
0x2dd: {  	[tilespmem:v17+s28+$0x0] =	vst.idx.msk $0xffff, v16;
	v16 =	vld [tilespmem:s11+$0xFFFFEF20];
	v17 =	vor.u32 v31, v3  }
0x2de: {  	[tilespmem:v19+s28+$0x0] =	vst.idx.msk $0xffff, v18;
	v18 =	vld [tilespmem:s10+$0xFFFFFF30];
	v19 =	vor.u32 v34, v2  }
0x2df: {  	[tilespmem:v11+s28+$0x0] =	vst.idx.msk $0xffff, v10;
	v10 =	vld [tilespmem:s10+$0xFFFFFF50];
	v11 =	vor.u32 v38, v4  }
0x2e0: {  	[tilespmem:v14+s28+$0x0] =	vst.idx.msk $0xffff, v12;
	v12 =	vld [tilespmem:s11+$0xFFFFFFF0];
	v14 =	vor.u32 v59, v9  }
0x2e1: {  	[tilespmem:v15+s28+$0x0] =	vst.idx.msk $0xffff, v13;
	v13 =	vld [tilespmem:s10+$0xFFFFFF70];
	v15 =	vor.u32 v43, v5  }
0x2e2: {  	[tilespmem:v17+s28+$0x0] =	vst.idx.msk $0xffff, v16  }
0x2e3: {  	[tilespmem:v19+s28+$0x0] =	vst.idx.msk $0xffff, v18  }
0x2e4: {  	v62 =	vmov v58;
	v58 =	vld [tilespmem:$0x1FD00];
	[tilespmem:v11+s28+$0x0] =	vst.idx.msk $0xffff, v10  }
0x2e5: {  	v21 =	vld [tilespmem:$0x1FE00];
	[tilespmem:v14+s28+$0x0] =	vst.idx.msk $0xffff, v12  }
0x2e6: {  	[tilespmem:v15+s28+$0x0] =	vst.idx.msk $0xffff, v13  }
0x2e7: {  	v15 =	vld [tilespmem:$0x1FCA0]  }
0x2e8: {  	v17 =	vor.u32 v26, v6;
	v16 =	vld [tilespmem:s10+$0xFFFFFF90]  }
0x2e9: {  	v12 =	vld [tilespmem:s10+$0xFFFFFF10];
	v14 =	vor.u32 v32, v3  }
0x2ea: {  	v18 =	vld [tilespmem:s10+$0xFFFFFFB0];
	v19 =	vor.u32 v58, v7  }
0x2eb: {  	v10 =	vld [tilespmem:s10+$0xFFFFFFD0];
	v11 =	vor.u32 v21, v8  }
0x2ec: {  	v13 =	vld [tilespmem:s11+$0x0];
	v20 =	vor.u32 v15, v9  }
0x2ed: {  	[tilespmem:v17+s28+$0x0] =	vst.idx.msk $0xffff, v16;
	v9 =	vld [tilespmem:s10+$0xFFFFFF40];
	v15 =	vor.u32 v52, v2  }
0x2ee: {  	[tilespmem:v14+s28+$0x0] =	vst.idx.msk $0xffff, v12  }
0x2ef: {  	[tilespmem:v19+s28+$0x0] =	vst.idx.msk $0xffff, v18  }
0x2f0: {  	[tilespmem:v11+s28+$0x0] =	vst.idx.msk $0xffff, v10  }
0x2f1: {  	[tilespmem:v20+s28+$0x0] =	vst.idx.msk $0xffff, v13  }
0x2f2: {  	v20 =	vld [tilespmem:$0x1FCF0];
	[tilespmem:v15+s28+$0x0] =	vst.idx.msk $0xffff, v9  }
0x2f3: {  	v22 =	vld [tilespmem:$0x1FDD0]  }
0x2f4: {  	v16 =	vld [tilespmem:s10+$0xFFFFFF60];
	v17 =	vor.u32 v53, v4  }
0x2f5: {  	v18 =	vld [tilespmem:s10+$0xFFFFFF80];
	v10 =	vor.u32 v60, v5  }
0x2f6: {  	v12 =	vor.u32 v27, v6;
	v11 =	vld [tilespmem:s10+$0xFFFFFFA0]  }
0x2f7: {  	v14 =	vld [tilespmem:s10+$0xFFFFFFC0];
	v19 =	vor.u32 v20, v7  }
0x2f8: {  	v9 =	vld [tilespmem:s10+$0xFFFFFFE0];
	v13 =	vor.u32 v22, v8  }
0x2f9: {  	v15 =	vld [tilespmem:s10+$0xFFFFFF20];
	[tilespmem:v17+s28+$0x0] =	vst.idx.msk $0xffff, v16;
	v16 =	vor.u32 v33, v3  }
0x2fa: {  	[tilespmem:v10+s28+$0x0] =	vst.idx.msk $0xffff, v18;
	v10 =	vld [tilespmem:s11+$0xFFFFFF30];
	v17 =	vor.u32 v37, v2  }
0x2fb: {  	[tilespmem:v12+s28+$0x0] =	vst.idx.msk $0xffff, v11  }
0x2fc: {  	[tilespmem:v19+s28+$0x0] =	vst.idx.msk $0xffff, v14  }
0x2fd: {  	v14 =	vld [tilespmem:$0x1FD70];
	[tilespmem:v13+s28+$0x0] =	vst.idx.msk $0xffff, v9  }
0x2fe: {  	v19 =	vld [tilespmem:$0x1FCD0];
	[tilespmem:v16+s28+$0x0] =	vst.idx.msk $0xffff, v15  }
0x2ff: {  	v63 =	vmov v59;
	v59 =	vld [tilespmem:$0x1FCC0];
	[tilespmem:v17+s28+$0x0] =	vst.idx.msk $0xffff, v10  }
0x300: {  	v57 =	vmov v41;
	v41 =	vld [tilespmem:$0x1FCE0]  }
0x301: {  	v12 =	vor.u32 v39, v4;
	v11 =	vld [tilespmem:s11+$0xFFFFFF50]  }
0x302: {  	v18 =	vld [tilespmem:s11+$0xFFFFFF70];
	v14 =	vor.u32 v14, v5  }
0x303: {  	v9 =	vld [tilespmem:s11+$0xFFFFFF90];
	v13 =	vor.u32 v19, v6  }
0x304: {  	v15 =	vld [tilespmem:s11+$0xFFFFFFB0];
	v16 =	vor.u32 v59, v7  }
0x305: {  	v10 =	vld [tilespmem:s11+$0xFFFFFFD0];
	v17 =	vor.u32 v41, v8  }
0x306: {  	[tilespmem:v12+s28+$0x0] =	vst.idx.msk $0xffff, v11;
	v11 =	vld [tilespmem:s11+$0xFFFFFF10];
	v12 =	vor.u32 v61, v3  }
0x307: {  	v2 =	vor.u32 v56, v2;
	[tilespmem:v14+s28+$0x0] =	vst.idx.msk $0xffff, v18;
	v14 =	vld [tilespmem:s11+$0xFFFFFF40]  }
0x308: {  	[tilespmem:v13+s28+$0x0] =	vst.idx.msk $0xffff, v9  }
0x309: {  	v9 =	vld [tilespmem:s11+$0xFFFFFF60];
	[tilespmem:v16+s28+$0x0] =	vst.idx.msk $0xffff, v15  }
0x30a: {  	v48 =	vmov v60;
	v60 =	vld [tilespmem:$0x1FF30];
	[tilespmem:v17+s28+$0x0] =	vst.idx.msk $0xffff, v10  }
0x30b: {  	v15 =	vld [tilespmem:$0x1FD50];
	[tilespmem:v12+s28+$0x0] =	vst.idx.msk $0xffff, v11  }
0x30c: {  	v4 =	vor.u32 v55, v4;
	v16 =	vld [tilespmem:$0x1FD40];
	[tilespmem:v2+s28+$0x0] =	vst.idx.msk $0xffff, v14  }
0x30d: {  	v61 =	vld [tilespmem:$0x1FD30];
	_ =	sdelay $0x3  }
0x30e: {  	[tilespmem:v4+s28+$0x0] =	vst.idx.msk $0xffff, v9  }
0x30f: {  	v2 =	vor.u32 v61, v8;
	v8 =	vld [tilespmem:$0x1FF20]  }
0x310: {  	v13 =	vld [tilespmem:s11+$0xFFFFFF80];
	v5 =	vor.u32 v60, v5  }
0x311: {  	v10 =	vld [tilespmem:s11+$0xFFFFFFA0];
	v6 =	vor.u32 v15, v6  }
0x312: {  	v11 =	vld [tilespmem:s11+$0xFFFFFFC0];
	v7 =	vor.u32 v16, v7  }
0x313: {  	v12 =	vld [tilespmem:s11+$0xFFFFFFE0]  }
0x314: {  	v4 =	vld [tilespmem:s11+$0xFFFFFF20];
	v3 =	vor.u32 v8, v3  }
0x315: {  	[tilespmem:v5+s28+$0x0] =	vst.idx.msk $0xffff, v13  }
0x316: {  	[tilespmem:v6+s28+$0x0] =	vst.idx.msk $0xffff, v10  }
0x317: {  	[tilespmem:v7+s28+$0x0] =	vst.idx.msk $0xffff, v11  }
0x318: {  	[tilespmem:v2+s28+$0x0] =	vst.idx.msk $0xffff, v12  }
0x319: {  	s13 =	sadd.s32 s3, s16;
	s0 =	smin.u32 s0, $0x60;
	[tilespmem:v3+s28+$0x0] =	vst.idx.msk $0xffff, v4  }
0x31a: {  	[hbm4b:s13+s23] =	stream.strided.scatter [tilespmem:s28], [sflag:$0x6], $0x2000, s24, s23, $0x38;
	[tilespmem:$0x10400] =	vst v63  }
0x31b: {  	s0 =	sshll.u32 s0, $0xD;
	s11 =	rddreg [dreg:$0x8]  }
0x31c: {  	s9 =	sadd.s32 s3, s17;
	s10 =	simm.s32 $0xE400;
	s0 =	sadd.s32 s11, s0  }
0x31d: {  	[hbm4b:s9+s23] =	stream.strided.scatter [tilespmem:s10], [sflag:$0x6], $0x2000, s24, s23, $0x38;
	[tilespmem:$0x10400] =	vst v63  }
0x31e: {  	s0 =	sshrl.u32 s0, $0x3  }
0x31f: {  	s13 =	sadd.s32 s4, s0  }
0x320: {  	[tilespmem:s29], [sflag:$0x7] =	stream.strided.gather [hbm4b:s13+s19], $0x100, s20, s19, $0x38;
	[tilespmem:$0x10400] =	vst v63  }
0x321: {  	_ =	swait.ge [sflag:s21], $0x100  }
0x322: {  	[sflag:s21] =	ssyncset.done $0x0  }
0x323: {  	s0 =	sadd.s32 s5, s0;
	[sflag:s21] =	ssyncadd.s32 $0xFFFFFF00  }
0x324: {  	[tilespmem:s30], [sflag:$0x7] =	stream.strided.gather [hbm4b:s0+s19], $0x100, s20, s19, $0x38;
	[tilespmem:$0x10400] =	vst v63  }
0x325: {  	_ =	swait.ge [sflag:s21], $0x100  }
0x326: {  	v14 =	vld [tilespmem:$0x1FF00]  }
0x327: {  	v50 =	vld [tilespmem:$0x1FEC0]  }
0x328: {  	[sflag:s21] =	ssyncset.done $0x0;
	v59 =	vld [tilespmem:$0x1FFD0]  }
0x329: {  	s31 =	sadd.s32 $0x1, s31;
	s3 =	simm.s32 $0x2400;
	v20 =	vmov v21;
	v21 =	vld [tilespmem:$0x1FEB0];
	[sflag:s21] =	ssyncadd.s32 $0xFFFFFF00  }
0x32a: {  	v39 =	vld [tilespmem:$0x1FEF0];
	[tilespmem:s3], [sflag:$0x2] =	stream.indirect.gather [hbm4b:s6+s19], $0x20, s29, s19, $0xb8  }
0x32b: {  	s8 =	simm.s32 $0x6400;
	p0 =	sne.s32 s31, $0x32;
	v16 =	vld [tilespmem:$0x1FFE0]  }
0x32c: {  	v24 =	vmov v42;
	v42 =	vmov v43;
	v58 =	vmov v37;
	v43 =	vld [tilespmem:$0x1FF80];
	[tilespmem:s8], [sflag:$0x4] =	stream.indirect.gather [hbm4b:s7+s19], $0x20, s30, s19, $0xb8  }
.Ltmp2:
0x32d: {  	v6 =	vmov v46;
	v46 =	vld [tilespmem:$0x1FF40];
	(pc) =	sbr.rel @p0 .LBB2_2-.Ltmp2, $4  }
0x32e: {  	s9 =	simm.s32 $0x180;
	s10 =	simm.s32 $0x3400;
	v60 =	vld [tilespmem:$0x1FF70]  }
0x32f: {  	v44 =	vmovc v58;
	v58 =	vmovc v38;
	v52 =	vmov v54;
	v54 =	vmov v62;
	v11 =	vmov v45;
	v45 =	vld [tilespmem:$0x1FF50];
	[tilespmem:s10], [sflag:$0x2] =	stream.indirect.gather [hbm4b:s6+s19], $0x20, s9, s19, $0xb8  }
0x330: {  	v62 =	vmovc v57;
	v57 =	vmovc v49;
	v37 =	vmov v0;
	v56 =	vmov v24;
	v17 =	vmov v40;
	s11 =	simm.s32 $0x380;
	s13 =	simm.s32 $0x7400;
	v24 =	vld [tilespmem:$0x1FF60]  }
0x331: {  	v40 =	vmovc v36;
	v36 =	vmovc v35;
	v15 =	vmov v51;
	v51 =	vmov v63;
	v63 =	vmov v42;
	v35 =	vld [tilespmem:$0x1FFF0];
	[tilespmem:s13], [sflag:$0x4] =	stream.indirect.gather [hbm4b:s7+s19], $0x20, s11, s19, $0xb8  }
0x332: {  	_ =	swait.ge [sflag:s12], $0x1000  }
0x333: {  	[sflag:s12] =	ssyncset.done $0x0  }
0x334: {  	[sflag:s12] =	ssyncadd.s32 $0xFFFFF000  }
0x335: {  	_ =	swait.ge [sflag:s18], $0x1000  }
0x336: {  	[sflag:s18] =	ssyncset.done $0x0  }
0x337: {  	[sflag:s18] =	ssyncadd.s32 $0xFFFFF000  }
0x338: {  	_ =	swait.ge [sflag:s12], $0x1000  }
0x339: {  	[sflag:s12] =	ssyncset.done $0x0  }
0x33a: {  	[sflag:s12] =	ssyncadd.s32 $0xFFFFF000  }
0x33b: {  	_ =	swait.ge [sflag:s18], $0x1000  }
0x33c: {  	[sflag:s18] =	ssyncset.done $0x0  }
0x33d: {  	s0 =	simm.s32 $0x5;
	[sflag:s18] =	ssyncadd.s32 $0xFFFFF000  }
0x33e: {  	_ =	swait.ge [sflag:s0], $0x2000  }
0x33f: {  	[sflag:s0] =	ssyncset.done $0x0  }
0x340: {  	[sflag:s0] =	ssyncadd.s32 $0xFFFFE000  }
0x341: {  	_ =	swait.ge [sflag:s0], $0x2000  }
0x342: {  	[sflag:s0] =	ssyncset.done $0x0  }
0x343: {  	[sflag:s0] =	ssyncadd.s32 $0xFFFFE000  }
0x344: {  	_ =	swait.ge [sflag:s25], $0x1000  }
0x345: {  	[sflag:s25] =	ssyncset.done $0x0  }
0x346: {  	[sflag:s25] =	ssyncadd.s32 $0xFFFFF000  }
0x347: {  	_ =	swait.ge [sflag:s26], $0x1000  }
0x348: {  	[sflag:s26] =	ssyncset.done $0x0  }
0x349: {  	[sflag:s26] =	ssyncadd.s32 $0xFFFFF000  }
0x34a: {  	_ =	swait.ge [sflag:s25], $0x1000  }
0x34b: {  	[sflag:s25] =	ssyncset.done $0x0  }
0x34c: {  	[sflag:s25] =	ssyncadd.s32 $0xFFFFF000  }
0x34d: {  	_ =	swait.ge [sflag:s26], $0x1000  }
0x34e: {  	[sflag:s26] =	ssyncset.done $0x0  }
0x34f: {  	s3 =	simm.s32 $0x6;
	[sflag:s26] =	ssyncadd.s32 $0xFFFFF000  }
0x350: {  	_ =	swait.ge [sflag:s3], $0x2000  }
0x351: {  	[sflag:s3] =	ssyncset.done $0x0  }
0x352: {  	[sflag:s3] =	ssyncadd.s32 $0xFFFFE000  }
0x353: {  	_ =	swait.ge [sflag:s3], $0x2000  }
0x354: {  	s8 =	rddreg [dreg:$0xa]  }
0x355: {  	s31 =	rddreg [dreg:$0x9];
	s8 =	sadd.s32 $0x1, s8  }
0x356: {  	p0 =	sne.s32 s8, s31  }
.Ltmp3:
0x357: {  	_ = 	snop;
	(pc) =	sbr.rel @p0 .LBB2_1-.Ltmp3, $3  }
0x358: {  	_ =	sdelay $0x1  }
0x359: {  	[sflag:s3] =	ssyncset.done $0x0  }
0x35a: {  	[sflag:s3] =	ssyncadd.s32 $0xFFFFE000  }
0x35b: {  	_ =	sfence.sel $0x180000  }
0x35c: {  	[bflag:$0x0] =	sbarrier.arrive $0xFFFF  }
0x35d: {  	_ =	strace $0x90000047  }
0x35e: {  	s0 =	stileid.u32;
	[bflag:$0x2] =	sbarrier.arrive $0xFFFF  }
0x35f: {  	p0 =	sne.s32 s0, $0x0;
	s0 =	rddreg [dreg:$0x2]  }
0x360: {  	s0 =	sadd.s32 @!p0 $0x100000, s0  }
0x361: {  	[sflag:s0] =	ssyncadd.tile.s32 @!p0 $0x1;
	_ =	shalt  }
.Lfunc_end2:
_tile_overlayer_lowered:
.L_overlay_start_2:
0x362: {  	(tag) =	ssettag $0x2  }
0x363: {  	s0 =	rddreg [dreg:$0x0];
	s2 =	stileid.u32  }
0x364: {  	s1 =	rddreg [dreg:$0x1];
	p0 =	sne.s32 s2, $0x0  }
0x365: {  	s3 =	rddreg [dreg:$0x2];
	[bflag:$0x3] =	sbarrier.arrive $0xFFFF;
	s2 =	simm.s32 @!p0 $0x1C07  }
0x366: {  	[timem:s3], [sflag:s2] =	dma.local @!p0 [hbm:s0], s1  }
0x367: {  	s0 =	simm.s32 @!p0 $0x7  }
0x368: {  	_ =	swait.ge @!p0 [sflag:s0], s1  }
0x369: {  	s1 =	ssub.s32 @!p0 $0x0, s1;
	[sflag:s0] =	ssyncset.done @!p0 $0x0  }
0x36a: {  	[sflag:s0] =	ssyncadd.s32 @!p0 s1  }
0x36b: {  	[bflag:$0x3] =	sbarrier.arrive $0xFFFF  }
0x36c: {  	_ =	shalt  }

</sc_bundles>
